<compile_context>
chip_gen: v7x
topology: tpu7x:2x2x1
jax: 0.10.2.dev20260603
libtpu: 0.0.44.dev20260713+nightly
codegen_flags: <defaults>
</compile_context>

<pallas_src>
import jax
import jax.numpy as jnp
from jax import lax
from jax.experimental import pallas as pl
from jax.experimental.pallas import tpu as pltpu
from jax.experimental.pallas import tpu_sc as plsc

B = 16384
D = 128
S = 25
C = 64
NC = 2
NS = 16
NW = NC * NS
PER_W = B // NW
K = 16
CHUNKS = PER_W // K
ROWS = K * S + K
GPC = 4
GLEN = ROWS // GPC
NLANE = 16
NVD = D // NLANE


def _sc_body(idx_hbm, feat_hbm, self_out, sum_out,
             idx0, idx1, rows0, rows1, sum0, sum1,
             sem0, sem1, osem0, osem1):
    cid = lax.axis_index("c")
    sid = lax.axis_index("s")
    wid = sid * NC + cid
    idxs = (idx0, idx1)
    rows = (rows0, rows1)
    sums = (sum0, sum1)
    sems = (sem0, sem1)
    osems = (osem0, osem1)

    def fire(c, b):
        t = wid * CHUNKS + c
        pltpu.sync_copy(idx_hbm.at[pl.ds(t * GPC, GPC)], idxs[b])
        for j in range(GPC):
            pltpu.async_copy(feat_hbm.at[idxs[b].at[j]],
                             rows[b].at[pl.ds(j * GLEN, GLEN)], sems[b])

    def drain(b):
        for j in range(GPC):
            pltpu.make_async_copy(feat_hbm.at[pl.ds(0, GLEN)],
                                  rows[b].at[pl.ds(j * GLEN, GLEN)],
                                  sems[b]).wait()

    def compute(c, b):
        rb = rows[b]
        sb = sums[b]

        @plsc.parallel_loop(0, K, unroll=2)
        def _elem(k):
            r0 = k * S
            acc = tuple(rb[r0, pl.ds(NLANE * d, NLANE)] for d in range(NVD))

            def _sbody(s2, a):
                return tuple(a[d] + rb[r0 + s2, pl.ds(NLANE * d, NLANE)]
                             for d in range(NVD))

            acc = lax.fori_loop(1, S, _sbody, acc, unroll=8)
            for d in range(NVD):
                sb[k, pl.ds(NLANE * d, NLANE)] = acc[d]

        base = (wid * CHUNKS + c) * K
        pltpu.async_copy(rb.at[pl.ds(K * S, K)], self_out.at[pl.ds(base, K)],
                         osems[b])
        pltpu.async_copy(sb, sum_out.at[pl.ds(base, K)], osems[b])

    def drain_out(b):
        pltpu.make_async_copy(feat_hbm.at[pl.ds(0, K)], sums[b],
                              osems[b]).wait()
        pltpu.make_async_copy(feat_hbm.at[pl.ds(0, K)],
                              rows[b].at[pl.ds(K * S, K)], osems[b]).wait()

    fire(0, 0)

    @pl.loop(0, CHUNKS, step=2)
    def _outer(cb):
        for b in range(2):
            c = cb + b

            @pl.when(c > 0)
            def _():
                drain_out(1 - b)

            @pl.when(c + 1 < CHUNKS)
            def _():
                fire(c + 1, 1 - b)

            drain(b)
            compute(c, b)

    drain_out(1)


def _sc_gather(idx_packed, features):
    f = pl.kernel(
        _sc_body,
        out_type=(jax.ShapeDtypeStruct((B, D), jnp.float32),
                  jax.ShapeDtypeStruct((B, D), jnp.float32)),
        mesh=plsc.VectorSubcoreMesh(core_axis_name="c", subcore_axis_name="s",
                                    num_cores=NC, num_subcores=NS),
        scratch_types=(
            pltpu.VMEM((GPC, GLEN), jnp.int32),
            pltpu.VMEM((GPC, GLEN), jnp.int32),
            pltpu.VMEM((ROWS, D), jnp.float32),
            pltpu.VMEM((ROWS, D), jnp.float32),
            pltpu.VMEM((K, D), jnp.float32),
            pltpu.VMEM((K, D), jnp.float32),
            pltpu.SemaphoreType.DMA,
            pltpu.SemaphoreType.DMA,
            pltpu.SemaphoreType.DMA,
            pltpu.SemaphoreType.DMA,
        ),
    )
    return f(idx_packed, features)


BM = 8192


def _tc_body(xs_ref, xm_ref, ws_ref, wn_ref, wc_ref, o_ref):
    h = jnp.dot(xs_ref[...], ws_ref[...], preferred_element_type=jnp.float32)
    h = h + jnp.dot(xm_ref[...], wn_ref[...], preferred_element_type=jnp.float32)
    h = jnp.maximum(h, 0.0)
    o_ref[...] = jnp.dot(h, wc_ref[...], preferred_element_type=jnp.float32)


def _tc_head(xs, xm, ws_t, wn_t, wc_t):
    return pl.pallas_call(
        _tc_body,
        grid=(B // BM,),
        in_specs=[
            pl.BlockSpec((BM, D), lambda i: (i, 0)),
            pl.BlockSpec((BM, D), lambda i: (i, 0)),
            pl.BlockSpec((D, D), lambda i: (0, 0)),
            pl.BlockSpec((D, D), lambda i: (0, 0)),
            pl.BlockSpec((D, C), lambda i: (0, 0)),
        ],
        out_specs=pl.BlockSpec((BM, C), lambda i: (i, 0)),
        out_shape=jax.ShapeDtypeStruct((B, C), jnp.float32),
    )(xs, xm, ws_t, wn_t, wc_t)


def kernel(nodes, neigh_idx, features, W_enc, weight):
    idx_packed = jnp.concatenate(
        [neigh_idx.reshape(B // K, K * S), nodes.reshape(B // K, K)], axis=1
    ).reshape(-1, GLEN)
    self_out, sum_out = _sc_gather(idx_packed, features)
    ws_t = W_enc[:, :D].T
    wn_t = W_enc[:, D:].T * jnp.float32(1.0 / S)
    wc_t = weight.T
    return _tc_head(self_out, sum_out, ws_t, wn_t, wc_t)

# --- scband reference (transcript-rebuilt; emitter-appended) ---
"""Pipeline reference for scband-supervised-graph-sage-82935818486078 (READ-ONLY COPY).

The authoritative reference and input builder live on the scoring server;
editing this copy changes nothing except your own understanding.
"""

import jax, jax.numpy as jnp
import numpy as np

N_NODES = 100000
D_FEAT = 128
EMBED_DIM = 128
NUM_CLASSES = 64
NUM_SAMPLE = 25
BATCH = 16384


def setup_inputs(seed: int = 0) -> dict:
    key = jax.random.key(seed)
    k1, k2, k3, k4, k5 = jax.random.split(key, 5)
    nodes = jax.random.randint(k1, (BATCH,), 0, N_NODES, dtype=jnp.int32)
    neigh_idx = jax.random.randint(k2, (BATCH, NUM_SAMPLE), 0, N_NODES, dtype=jnp.int32)
    features = jax.random.normal(k3, (N_NODES, D_FEAT), dtype=jnp.float32)
    # Encoder weight: embed_dim x (2*feat_dim) because GraphSAGE concatenates
    # self features with aggregated neighbor features (gcn=False path).
    W_enc = jax.random.normal(k4, (EMBED_DIM, 2 * D_FEAT), dtype=jnp.float32) * (1.0 / np.sqrt(2 * D_FEAT))
    # Classifier weight from SupervisedGraphSage (xavier-style scale).
    weight = jax.random.normal(k5, (NUM_CLASSES, EMBED_DIM), dtype=jnp.float32) * (1.0 / np.sqrt(EMBED_DIM))
    return {"nodes": nodes, "neigh_idx": neigh_idx, "features": features, "W_enc": W_enc, "weight": weight}


def reference(nodes, neigh_idx, features, W_enc, weight):
    # Encoder: MeanAggregator over sampled neighbors + self features.
    self_feats = jnp.take(features, nodes, axis=0)                      # [B, D]
    neigh_gathered = jnp.take(features, neigh_idx.reshape(-1), axis=0)  # [B*S, D]
    neigh_feats = neigh_gathered.reshape(neigh_idx.shape[0], neigh_idx.shape[1], -1).mean(axis=1)  # [B, D]
    combined = jnp.concatenate([self_feats, neigh_feats], axis=1)       # [B, 2D]
    embeds = jax.nn.relu(W_enc @ combined.T)                            # [E, B]  (enc returns embed_dim x batch)
    # SupervisedGraphSage.forward: scores = weight.mm(embeds); return scores.t()
    scores = weight @ embeds                                            # [C, B]
    return scores.T                                                     # [B, C]

if __name__ == "__main__":
    import jax
    _d = setup_inputs()
    print(jax.jit(kernel)(*tuple(_d.values())))

</pallas_src>

<mosaic_0001>
#map = affine_map<(d0, d1) -> (0, 0)>
module attributes {stable_mosaic.version = 14 : i64} {
  func.func @_sc_body(%arg0: i32, %arg1: i32, %arg2: memref<4096x104xi32, #tpu.memory_space<hbm>>, %arg3: memref<100000x128xf32, #tpu.memory_space<hbm>>, %arg4: memref<16384x128xf32, #tpu.memory_space<hbm>>, %arg5: memref<16384x128xf32, #tpu.memory_space<hbm>>, %arg6: memref<4x104xi32, #tpu.memory_space<vmem>>, %arg7: memref<4x104xi32, #tpu.memory_space<vmem>>, %arg8: memref<416x128xf32, #tpu.memory_space<vmem>>, %arg9: memref<416x128xf32, #tpu.memory_space<vmem>>, %arg10: memref<16x128xf32, #tpu.memory_space<vmem>>, %arg11: memref<16x128xf32, #tpu.memory_space<vmem>>, %arg12: memref<!tpu.dma_semaphore, #tpu.memory_space<semaphore_mem>>, %arg13: memref<!tpu.dma_semaphore, #tpu.memory_space<semaphore_mem>>, %arg14: memref<!tpu.dma_semaphore, #tpu.memory_space<semaphore_mem>>, %arg15: memref<!tpu.dma_semaphore, #tpu.memory_space<semaphore_mem>>) attributes {dimension_semantics = [#tpu.dimension_semantics<core_parallel>, #tpu.dimension_semantics<subcore_parallel>], iteration_bounds = array<i64: 2, 16>, scalar_prefetch = 0 : i64, scratch_operands = 10 : i64, tpu.core_type = #tpu.core_type<sc_vector_subcore>, window_params = [{transform_indices = #map}, {transform_indices = #map}, {transform_indices = #map}, {transform_indices = #map}]} {
    %mul3A = arith.constant 2 : i32
    %mul3A_0 = arith.muli %arg1, %mul3A : i32
    %add3A = arith.addi %mul3A_0, %arg0 : i32
    %mul3A_1 = arith.constant 32 : i32
    %mul3A_2 = arith.muli %add3A, %mul3A_1 : i32
    %add3A_3 = arith.constant 0 : i32
    %add3A_4 = arith.addi %mul3A_2, %add3A_3 : i32
    %mul3A_5 = arith.constant 4 : i32
    %mul3A_6 = arith.muli %add3A_4, %mul3A_5 : i32
    "tpu.region"() ({
      %run_scoped3A = tpu.sem_alloc : memref<!tpu.dma_semaphore, #tpu.memory_space<semaphore_mem>>
      %dma_start3A_67 = arith.constant 0 : i32
      %dma_start3A_68 = tpu.memref_slice %arg2[%mul3A_6, %dma_start3A_67] : memref<4096x104xi32, #tpu.memory_space<hbm>> -> memref<4x104xi32, #tpu.memory_space<hbm>>
      %dma_start3A_69 = arith.constant 0 : i32
      %dma_start3A_70 = tpu.memref_slice %arg2[%mul3A_6, %dma_start3A_69] : memref<4096x104xi32, #tpu.memory_space<hbm>> -> memref<4x104xi32, #tpu.memory_space<hbm>>
      tpu.enqueue_dma source(%dma_start3A_70 : memref<4x104xi32, #tpu.memory_space<hbm>>) target(%arg6 : memref<4x104xi32, #tpu.memory_space<vmem>>) target_semaphore(%run_scoped3A : memref<!tpu.dma_semaphore, #tpu.memory_space<semaphore_mem>>)
      %dma_wait3A_71 = arith.constant 0 : i32
      %dma_wait3A_72 = tpu.memref_slice %arg2[%mul3A_6, %dma_wait3A_71] : memref<4096x104xi32, #tpu.memory_space<hbm>> -> memref<4x104xi32, #tpu.memory_space<hbm>>
      %dma_wait3A_73 = arith.constant 0 : i32
      %dma_wait3A_74 = tpu.memref_slice %arg2[%mul3A_6, %dma_wait3A_73] : memref<4096x104xi32, #tpu.memory_space<hbm>> -> memref<4x104xi32, #tpu.memory_space<hbm>>
      tpu.wait_dma2 semaphore(%run_scoped3A : memref<!tpu.dma_semaphore, #tpu.memory_space<semaphore_mem>>) src(%dma_wait3A_74 : memref<4x104xi32, #tpu.memory_space<hbm>>) dst(%arg6 : memref<4x104xi32, #tpu.memory_space<vmem>>)
      tpu.yield
    }) : () -> ()
    %dma_start3A = arith.constant 0 : i32
    %dma_start3A_7 = arith.constant 0 : i32
    %dma_start3A_8 = arith.constant 0 : i32
    %dma_start3A_9 = tpu.memref_slice %arg8[%dma_start3A_7, %dma_start3A_8] : memref<416x128xf32, #tpu.memory_space<vmem>> -> memref<104x128xf32, #tpu.memory_space<vmem>>
    %dma_start3A_10 = arith.constant 0 : i32
    %dma_start3A_11 = tpu.memref_slice %arg6[%dma_start3A, %dma_start3A_10] : memref<4x104xi32, #tpu.memory_space<vmem>> -> memref<1x104xi32, #tpu.memory_space<vmem>>
    %dma_start3A_12 = tpu.memref_squeeze %dma_start3A_11 : memref<1x104xi32, #tpu.memory_space<vmem>> -> memref<104xi32, #tpu.memory_space<vmem>>
    %dma_start3A_13 = arith.constant 0 : i32
    %dma_start3A_14 = arith.constant 0 : i32
    %dma_start3A_15 = tpu.memref_slice %arg3[%dma_start3A_13, %dma_start3A_14] : memref<100000x128xf32, #tpu.memory_space<hbm>> -> memref<100000x128xf32, #tpu.memory_space<hbm>>
    tpu.enqueue_indirect_dma source(%dma_start3A_15 : memref<100000x128xf32, #tpu.memory_space<hbm>>) target(%dma_start3A_9 : memref<104x128xf32, #tpu.memory_space<vmem>>) offsets(%dma_start3A_12 : memref<104xi32, #tpu.memory_space<vmem>>) semaphore(%arg12 : memref<!tpu.dma_semaphore, #tpu.memory_space<semaphore_mem>>)
    %dma_start3A_16 = arith.constant 1 : i32
    %dma_start3A_17 = arith.constant 104 : i32
    %dma_start3A_18 = arith.constant 0 : i32
    %dma_start3A_19 = tpu.memref_slice %arg8[%dma_start3A_17, %dma_start3A_18] : memref<416x128xf32, #tpu.memory_space<vmem>> -> memref<104x128xf32, #tpu.memory_space<vmem>>
    %dma_start3A_20 = arith.constant 0 : i32
    %dma_start3A_21 = tpu.memref_slice %arg6[%dma_start3A_16, %dma_start3A_20] : memref<4x104xi32, #tpu.memory_space<vmem>> -> memref<1x104xi32, #tpu.memory_space<vmem>>
    %dma_start3A_22 = tpu.memref_squeeze %dma_start3A_21 : memref<1x104xi32, #tpu.memory_space<vmem>> -> memref<104xi32, #tpu.memory_space<vmem>>
    %dma_start3A_23 = arith.constant 0 : i32
    %dma_start3A_24 = arith.constant 0 : i32
    %dma_start3A_25 = tpu.memref_slice %arg3[%dma_start3A_23, %dma_start3A_24] : memref<100000x128xf32, #tpu.memory_space<hbm>> -> memref<100000x128xf32, #tpu.memory_space<hbm>>
    tpu.enqueue_indirect_dma source(%dma_start3A_25 : memref<100000x128xf32, #tpu.memory_space<hbm>>) target(%dma_start3A_19 : memref<104x128xf32, #tpu.memory_space<vmem>>) offsets(%dma_start3A_22 : memref<104xi32, #tpu.memory_space<vmem>>) semaphore(%arg12 : memref<!tpu.dma_semaphore, #tpu.memory_space<semaphore_mem>>)
    %dma_start3A_26 = arith.constant 2 : i32
    %dma_start3A_27 = arith.constant 208 : i32
    %dma_start3A_28 = arith.constant 0 : i32
    %dma_start3A_29 = tpu.memref_slice %arg8[%dma_start3A_27, %dma_start3A_28] : memref<416x128xf32, #tpu.memory_space<vmem>> -> memref<104x128xf32, #tpu.memory_space<vmem>>
    %dma_start3A_30 = arith.constant 0 : i32
    %dma_start3A_31 = tpu.memref_slice %arg6[%dma_start3A_26, %dma_start3A_30] : memref<4x104xi32, #tpu.memory_space<vmem>> -> memref<1x104xi32, #tpu.memory_space<vmem>>
    %dma_start3A_32 = tpu.memref_squeeze %dma_start3A_31 : memref<1x104xi32, #tpu.memory_space<vmem>> -> memref<104xi32, #tpu.memory_space<vmem>>
    %dma_start3A_33 = arith.constant 0 : i32
    %dma_start3A_34 = arith.constant 0 : i32
    %dma_start3A_35 = tpu.memref_slice %arg3[%dma_start3A_33, %dma_start3A_34] : memref<100000x128xf32, #tpu.memory_space<hbm>> -> memref<100000x128xf32, #tpu.memory_space<hbm>>
    tpu.enqueue_indirect_dma source(%dma_start3A_35 : memref<100000x128xf32, #tpu.memory_space<hbm>>) target(%dma_start3A_29 : memref<104x128xf32, #tpu.memory_space<vmem>>) offsets(%dma_start3A_32 : memref<104xi32, #tpu.memory_space<vmem>>) semaphore(%arg12 : memref<!tpu.dma_semaphore, #tpu.memory_space<semaphore_mem>>)
    %dma_start3A_36 = arith.constant 3 : i32
    %dma_start3A_37 = arith.constant 312 : i32
    %dma_start3A_38 = arith.constant 0 : i32
    %dma_start3A_39 = tpu.memref_slice %arg8[%dma_start3A_37, %dma_start3A_38] : memref<416x128xf32, #tpu.memory_space<vmem>> -> memref<104x128xf32, #tpu.memory_space<vmem>>
    %dma_start3A_40 = arith.constant 0 : i32
    %dma_start3A_41 = tpu.memref_slice %arg6[%dma_start3A_36, %dma_start3A_40] : memref<4x104xi32, #tpu.memory_space<vmem>> -> memref<1x104xi32, #tpu.memory_space<vmem>>
    %dma_start3A_42 = tpu.memref_squeeze %dma_start3A_41 : memref<1x104xi32, #tpu.memory_space<vmem>> -> memref<104xi32, #tpu.memory_space<vmem>>
    %dma_start3A_43 = arith.constant 0 : i32
    %dma_start3A_44 = arith.constant 0 : i32
    %dma_start3A_45 = tpu.memref_slice %arg3[%dma_start3A_43, %dma_start3A_44] : memref<100000x128xf32, #tpu.memory_space<hbm>> -> memref<100000x128xf32, #tpu.memory_space<hbm>>
    tpu.enqueue_indirect_dma source(%dma_start3A_45 : memref<100000x128xf32, #tpu.memory_space<hbm>>) target(%dma_start3A_39 : memref<104x128xf32, #tpu.memory_space<vmem>>) offsets(%dma_start3A_42 : memref<104xi32, #tpu.memory_space<vmem>>) semaphore(%arg12 : memref<!tpu.dma_semaphore, #tpu.memory_space<semaphore_mem>>)
    %scan3A = arith.constant 0 : i32
    %scan3A_46 = arith.constant 16 : i32
    %scan3A_47 = arith.addi %scan3A, %scan3A_46 : i32
    %scan3A_48 = arith.constant 1 : i32
    scf.for %scan3A_67 = %scan3A to %scan3A_47 step %scan3A_48  : i32 {
      %mul3A_68 = arith.constant 2 : i32
      %mul3A_69 = arith.muli %scan3A_67, %mul3A_68 : i32
      %add3A_70 = arith.constant 0 : i32
      %add3A_71 = arith.addi %add3A_70, %mul3A_69 : i32
      %add3A_72 = arith.constant 0 : i32
      %add3A_73 = arith.addi %add3A_71, %add3A_72 : i32
      %gt3A = arith.constant 0 : i32
      %gt3A_74 = arith.cmpi sgt, %add3A_73, %gt3A : i32
      %convert_element_type3A = arith.extui %gt3A_74 : i1 to i32
      %cond3A = arith.constant 0 : i32
      %cond3A_75 = arith.cmpi ne, %convert_element_type3A, %cond3A : i32
      scf.if %cond3A_75 {
        %dma_wait3A_235 = arith.constant 0 : i32
        %dma_wait3A_236 = arith.constant 0 : i32
        %dma_wait3A_237 = tpu.memref_slice %arg3[%dma_wait3A_235, %dma_wait3A_236] : memref<100000x128xf32, #tpu.memory_space<hbm>> -> memref<16x128xf32, #tpu.memory_space<hbm>>
        %dma_wait3A_238 = arith.constant 0 : i32
        %dma_wait3A_239 = arith.constant 0 : i32
        %dma_wait3A_240 = tpu.memref_slice %arg3[%dma_wait3A_238, %dma_wait3A_239] : memref<100000x128xf32, #tpu.memory_space<hbm>> -> memref<16x128xf32, #tpu.memory_space<hbm>>
        tpu.wait_dma2 semaphore(%arg15 : memref<!tpu.dma_semaphore, #tpu.memory_space<semaphore_mem>>) src(%dma_wait3A_240 : memref<16x128xf32, #tpu.memory_space<hbm>>) dst(%arg11 : memref<16x128xf32, #tpu.memory_space<vmem>>)
        %dma_wait3A_241 = arith.constant 400 : i32
        %dma_wait3A_242 = arith.constant 0 : i32
        %dma_wait3A_243 = tpu.memref_slice %arg9[%dma_wait3A_241, %dma_wait3A_242] : memref<416x128xf32, #tpu.memory_space<vmem>> -> memref<16x128xf32, #tpu.memory_space<vmem>>
        %dma_wait3A_244 = arith.constant 0 : i32
        %dma_wait3A_245 = arith.constant 0 : i32
        %dma_wait3A_246 = tpu.memref_slice %arg3[%dma_wait3A_244, %dma_wait3A_245] : memref<100000x128xf32, #tpu.memory_space<hbm>> -> memref<16x128xf32, #tpu.memory_space<hbm>>
        %dma_wait3A_247 = arith.constant 400 : i32
        %dma_wait3A_248 = arith.constant 0 : i32
        %dma_wait3A_249 = tpu.memref_slice %arg9[%dma_wait3A_247, %dma_wait3A_248] : memref<416x128xf32, #tpu.memory_space<vmem>> -> memref<16x128xf32, #tpu.memory_space<vmem>>
        %dma_wait3A_250 = arith.constant 0 : i32
        %dma_wait3A_251 = arith.constant 0 : i32
        %dma_wait3A_252 = tpu.memref_slice %arg3[%dma_wait3A_250, %dma_wait3A_251] : memref<100000x128xf32, #tpu.memory_space<hbm>> -> memref<16x128xf32, #tpu.memory_space<hbm>>
        tpu.wait_dma2 semaphore(%arg15 : memref<!tpu.dma_semaphore, #tpu.memory_space<semaphore_mem>>) src(%dma_wait3A_252 : memref<16x128xf32, #tpu.memory_space<hbm>>) dst(%dma_wait3A_249 : memref<16x128xf32, #tpu.memory_space<vmem>>)
      } else {
      }
      %add3A_76 = arith.constant 1 : i32
      %add3A_77 = arith.addi %add3A_73, %add3A_76 : i32
      %lt3A = arith.constant 32 : i32
      %lt3A_78 = arith.cmpi slt, %add3A_77, %lt3A : i32
      %convert_element_type3A_79 = arith.extui %lt3A_78 : i1 to i32
      %cond3A_80 = arith.constant 0 : i32
      %cond3A_81 = arith.cmpi ne, %convert_element_type3A_79, %cond3A_80 : i32
      scf.if %cond3A_81 {
        %add3A_235 = arith.constant 1 : i32
        %add3A_236 = arith.addi %add3A_73, %add3A_235 : i32
        %mul3A_237 = arith.constant 32 : i32
        %mul3A_238 = arith.muli %add3A, %mul3A_237 : i32
        %add3A_239 = arith.addi %mul3A_238, %add3A_236 : i32
        %mul3A_240 = arith.constant 4 : i32
        %mul3A_241 = arith.muli %add3A_239, %mul3A_240 : i32
        "tpu.region"() ({
          %run_scoped3A = tpu.sem_alloc : memref<!tpu.dma_semaphore, #tpu.memory_space<semaphore_mem>>
          %dma_start3A_282 = arith.constant 0 : i32
          %dma_start3A_283 = tpu.memref_slice %arg2[%mul3A_241, %dma_start3A_282] : memref<4096x104xi32, #tpu.memory_space<hbm>> -> memref<4x104xi32, #tpu.memory_space<hbm>>
          %dma_start3A_284 = arith.constant 0 : i32
          %dma_start3A_285 = tpu.memref_slice %arg2[%mul3A_241, %dma_start3A_284] : memref<4096x104xi32, #tpu.memory_space<hbm>> -> memref<4x104xi32, #tpu.memory_space<hbm>>
          tpu.enqueue_dma source(%dma_start3A_285 : memref<4x104xi32, #tpu.memory_space<hbm>>) target(%arg7 : memref<4x104xi32, #tpu.memory_space<vmem>>) target_semaphore(%run_scoped3A : memref<!tpu.dma_semaphore, #tpu.memory_space<semaphore_mem>>)
          %dma_wait3A_286 = arith.constant 0 : i32
          %dma_wait3A_287 = tpu.memref_slice %arg2[%mul3A_241, %dma_wait3A_286] : memref<4096x104xi32, #tpu.memory_space<hbm>> -> memref<4x104xi32, #tpu.memory_space<hbm>>
          %dma_wait3A_288 = arith.constant 0 : i32
          %dma_wait3A_289 = tpu.memref_slice %arg2[%mul3A_241, %dma_wait3A_288] : memref<4096x104xi32, #tpu.memory_space<hbm>> -> memref<4x104xi32, #tpu.memory_space<hbm>>
          tpu.wait_dma2 semaphore(%run_scoped3A : memref<!tpu.dma_semaphore, #tpu.memory_space<semaphore_mem>>) src(%dma_wait3A_289 : memref<4x104xi32, #tpu.memory_space<hbm>>) dst(%arg7 : memref<4x104xi32, #tpu.memory_space<vmem>>)
          tpu.yield
        }) : () -> ()
        %dma_start3A_242 = arith.constant 0 : i32
        %dma_start3A_243 = arith.constant 0 : i32
        %dma_start3A_244 = arith.constant 0 : i32
        %dma_start3A_245 = tpu.memref_slice %arg9[%dma_start3A_243, %dma_start3A_244] : memref<416x128xf32, #tpu.memory_space<vmem>> -> memref<104x128xf32, #tpu.memory_space<vmem>>
        %dma_start3A_246 = arith.constant 0 : i32
        %dma_start3A_247 = tpu.memref_slice %arg7[%dma_start3A_242, %dma_start3A_246] : memref<4x104xi32, #tpu.memory_space<vmem>> -> memref<1x104xi32, #tpu.memory_space<vmem>>
        %dma_start3A_248 = tpu.memref_squeeze %dma_start3A_247 : memref<1x104xi32, #tpu.memory_space<vmem>> -> memref<104xi32, #tpu.memory_space<vmem>>
        %dma_start3A_249 = arith.constant 0 : i32
        %dma_start3A_250 = arith.constant 0 : i32
        %dma_start3A_251 = tpu.memref_slice %arg3[%dma_start3A_249, %dma_start3A_250] : memref<100000x128xf32, #tpu.memory_space<hbm>> -> memref<100000x128xf32, #tpu.memory_space<hbm>>
        tpu.enqueue_indirect_dma source(%dma_start3A_251 : memref<100000x128xf32, #tpu.memory_space<hbm>>) target(%dma_start3A_245 : memref<104x128xf32, #tpu.memory_space<vmem>>) offsets(%dma_start3A_248 : memref<104xi32, #tpu.memory_space<vmem>>) semaphore(%arg13 : memref<!tpu.dma_semaphore, #tpu.memory_space<semaphore_mem>>)
        %dma_start3A_252 = arith.constant 1 : i32
        %dma_start3A_253 = arith.constant 104 : i32
        %dma_start3A_254 = arith.constant 0 : i32
        %dma_start3A_255 = tpu.memref_slice %arg9[%dma_start3A_253, %dma_start3A_254] : memref<416x128xf32, #tpu.memory_space<vmem>> -> memref<104x128xf32, #tpu.memory_space<vmem>>
        %dma_start3A_256 = arith.constant 0 : i32
        %dma_start3A_257 = tpu.memref_slice %arg7[%dma_start3A_252, %dma_start3A_256] : memref<4x104xi32, #tpu.memory_space<vmem>> -> memref<1x104xi32, #tpu.memory_space<vmem>>
        %dma_start3A_258 = tpu.memref_squeeze %dma_start3A_257 : memref<1x104xi32, #tpu.memory_space<vmem>> -> memref<104xi32, #tpu.memory_space<vmem>>
        %dma_start3A_259 = arith.constant 0 : i32
        %dma_start3A_260 = arith.constant 0 : i32
        %dma_start3A_261 = tpu.memref_slice %arg3[%dma_start3A_259, %dma_start3A_260] : memref<100000x128xf32, #tpu.memory_space<hbm>> -> memref<100000x128xf32, #tpu.memory_space<hbm>>
        tpu.enqueue_indirect_dma source(%dma_start3A_261 : memref<100000x128xf32, #tpu.memory_space<hbm>>) target(%dma_start3A_255 : memref<104x128xf32, #tpu.memory_space<vmem>>) offsets(%dma_start3A_258 : memref<104xi32, #tpu.memory_space<vmem>>) semaphore(%arg13 : memref<!tpu.dma_semaphore, #tpu.memory_space<semaphore_mem>>)
        %dma_start3A_262 = arith.constant 2 : i32
        %dma_start3A_263 = arith.constant 208 : i32
        %dma_start3A_264 = arith.constant 0 : i32
        %dma_start3A_265 = tpu.memref_slice %arg9[%dma_start3A_263, %dma_start3A_264] : memref<416x128xf32, #tpu.memory_space<vmem>> -> memref<104x128xf32, #tpu.memory_space<vmem>>
        %dma_start3A_266 = arith.constant 0 : i32
        %dma_start3A_267 = tpu.memref_slice %arg7[%dma_start3A_262, %dma_start3A_266] : memref<4x104xi32, #tpu.memory_space<vmem>> -> memref<1x104xi32, #tpu.memory_space<vmem>>
        %dma_start3A_268 = tpu.memref_squeeze %dma_start3A_267 : memref<1x104xi32, #tpu.memory_space<vmem>> -> memref<104xi32, #tpu.memory_space<vmem>>
        %dma_start3A_269 = arith.constant 0 : i32
        %dma_start3A_270 = arith.constant 0 : i32
        %dma_start3A_271 = tpu.memref_slice %arg3[%dma_start3A_269, %dma_start3A_270] : memref<100000x128xf32, #tpu.memory_space<hbm>> -> memref<100000x128xf32, #tpu.memory_space<hbm>>
        tpu.enqueue_indirect_dma source(%dma_start3A_271 : memref<100000x128xf32, #tpu.memory_space<hbm>>) target(%dma_start3A_265 : memref<104x128xf32, #tpu.memory_space<vmem>>) offsets(%dma_start3A_268 : memref<104xi32, #tpu.memory_space<vmem>>) semaphore(%arg13 : memref<!tpu.dma_semaphore, #tpu.memory_space<semaphore_mem>>)
        %dma_start3A_272 = arith.constant 3 : i32
        %dma_start3A_273 = arith.constant 312 : i32
        %dma_start3A_274 = arith.constant 0 : i32
        %dma_start3A_275 = tpu.memref_slice %arg9[%dma_start3A_273, %dma_start3A_274] : memref<416x128xf32, #tpu.memory_space<vmem>> -> memref<104x128xf32, #tpu.memory_space<vmem>>
        %dma_start3A_276 = arith.constant 0 : i32
        %dma_start3A_277 = tpu.memref_slice %arg7[%dma_start3A_272, %dma_start3A_276] : memref<4x104xi32, #tpu.memory_space<vmem>> -> memref<1x104xi32, #tpu.memory_space<vmem>>
        %dma_start3A_278 = tpu.memref_squeeze %dma_start3A_277 : memref<1x104xi32, #tpu.memory_space<vmem>> -> memref<104xi32, #tpu.memory_space<vmem>>
        %dma_start3A_279 = arith.constant 0 : i32
        %dma_start3A_280 = arith.constant 0 : i32
        %dma_start3A_281 = tpu.memref_slice %arg3[%dma_start3A_279, %dma_start3A_280] : memref<100000x128xf32, #tpu.memory_space<hbm>> -> memref<100000x128xf32, #tpu.memory_space<hbm>>
        tpu.enqueue_indirect_dma source(%dma_start3A_281 : memref<100000x128xf32, #tpu.memory_space<hbm>>) target(%dma_start3A_275 : memref<104x128xf32, #tpu.memory_space<vmem>>) offsets(%dma_start3A_278 : memref<104xi32, #tpu.memory_space<vmem>>) semaphore(%arg13 : memref<!tpu.dma_semaphore, #tpu.memory_space<semaphore_mem>>)
      } else {
      }
      %dma_wait3A_82 = arith.constant 0 : i32
      %dma_wait3A_83 = arith.constant 0 : i32
      %dma_wait3A_84 = tpu.memref_slice %arg8[%dma_wait3A_82, %dma_wait3A_83] : memref<416x128xf32, #tpu.memory_space<vmem>> -> memref<104x128xf32, #tpu.memory_space<vmem>>
      %dma_wait3A_85 = arith.constant 0 : i32
      %dma_wait3A_86 = arith.constant 0 : i32
      %dma_wait3A_87 = tpu.memref_slice %arg3[%dma_wait3A_85, %dma_wait3A_86] : memref<100000x128xf32, #tpu.memory_space<hbm>> -> memref<104x128xf32, #tpu.memory_space<hbm>>
      %dma_wait3A_88 = arith.constant 0 : i32
      %dma_wait3A_89 = arith.constant 0 : i32
      %dma_wait3A_90 = tpu.memref_slice %arg8[%dma_wait3A_88, %dma_wait3A_89] : memref<416x128xf32, #tpu.memory_space<vmem>> -> memref<104x128xf32, #tpu.memory_space<vmem>>
      %dma_wait3A_91 = arith.constant 0 : i32
      %dma_wait3A_92 = arith.constant 0 : i32
      %dma_wait3A_93 = tpu.memref_slice %arg3[%dma_wait3A_91, %dma_wait3A_92] : memref<100000x128xf32, #tpu.memory_space<hbm>> -> memref<104x128xf32, #tpu.memory_space<hbm>>
      tpu.wait_dma2 semaphore(%arg12 : memref<!tpu.dma_semaphore, #tpu.memory_space<semaphore_mem>>) src(%dma_wait3A_93 : memref<104x128xf32, #tpu.memory_space<hbm>>) dst(%dma_wait3A_90 : memref<104x128xf32, #tpu.memory_space<vmem>>)
      %dma_wait3A_94 = arith.constant 104 : i32
      %dma_wait3A_95 = arith.constant 0 : i32
      %dma_wait3A_96 = tpu.memref_slice %arg8[%dma_wait3A_94, %dma_wait3A_95] : memref<416x128xf32, #tpu.memory_space<vmem>> -> memref<104x128xf32, #tpu.memory_space<vmem>>
      %dma_wait3A_97 = arith.constant 0 : i32
      %dma_wait3A_98 = arith.constant 0 : i32
      %dma_wait3A_99 = tpu.memref_slice %arg3[%dma_wait3A_97, %dma_wait3A_98] : memref<100000x128xf32, #tpu.memory_space<hbm>> -> memref<104x128xf32, #tpu.memory_space<hbm>>
      %dma_wait3A_100 = arith.constant 104 : i32
      %dma_wait3A_101 = arith.constant 0 : i32
      %dma_wait3A_102 = tpu.memref_slice %arg8[%dma_wait3A_100, %dma_wait3A_101] : memref<416x128xf32, #tpu.memory_space<vmem>> -> memref<104x128xf32, #tpu.memory_space<vmem>>
      %dma_wait3A_103 = arith.constant 0 : i32
      %dma_wait3A_104 = arith.constant 0 : i32
      %dma_wait3A_105 = tpu.memref_slice %arg3[%dma_wait3A_103, %dma_wait3A_104] : memref<100000x128xf32, #tpu.memory_space<hbm>> -> memref<104x128xf32, #tpu.memory_space<hbm>>
      tpu.wait_dma2 semaphore(%arg12 : memref<!tpu.dma_semaphore, #tpu.memory_space<semaphore_mem>>) src(%dma_wait3A_105 : memref<104x128xf32, #tpu.memory_space<hbm>>) dst(%dma_wait3A_102 : memref<104x128xf32, #tpu.memory_space<vmem>>)
      %dma_wait3A_106 = arith.constant 208 : i32
      %dma_wait3A_107 = arith.constant 0 : i32
      %dma_wait3A_108 = tpu.memref_slice %arg8[%dma_wait3A_106, %dma_wait3A_107] : memref<416x128xf32, #tpu.memory_space<vmem>> -> memref<104x128xf32, #tpu.memory_space<vmem>>
      %dma_wait3A_109 = arith.constant 0 : i32
      %dma_wait3A_110 = arith.constant 0 : i32
      %dma_wait3A_111 = tpu.memref_slice %arg3[%dma_wait3A_109, %dma_wait3A_110] : memref<100000x128xf32, #tpu.memory_space<hbm>> -> memref<104x128xf32, #tpu.memory_space<hbm>>
      %dma_wait3A_112 = arith.constant 208 : i32
      %dma_wait3A_113 = arith.constant 0 : i32
      %dma_wait3A_114 = tpu.memref_slice %arg8[%dma_wait3A_112, %dma_wait3A_113] : memref<416x128xf32, #tpu.memory_space<vmem>> -> memref<104x128xf32, #tpu.memory_space<vmem>>
      %dma_wait3A_115 = arith.constant 0 : i32
      %dma_wait3A_116 = arith.constant 0 : i32
      %dma_wait3A_117 = tpu.memref_slice %arg3[%dma_wait3A_115, %dma_wait3A_116] : memref<100000x128xf32, #tpu.memory_space<hbm>> -> memref<104x128xf32, #tpu.memory_space<hbm>>
      tpu.wait_dma2 semaphore(%arg12 : memref<!tpu.dma_semaphore, #tpu.memory_space<semaphore_mem>>) src(%dma_wait3A_117 : memref<104x128xf32, #tpu.memory_space<hbm>>) dst(%dma_wait3A_114 : memref<104x128xf32, #tpu.memory_space<vmem>>)
      %dma_wait3A_118 = arith.constant 312 : i32
      %dma_wait3A_119 = arith.constant 0 : i32
      %dma_wait3A_120 = tpu.memref_slice %arg8[%dma_wait3A_118, %dma_wait3A_119] : memref<416x128xf32, #tpu.memory_space<vmem>> -> memref<104x128xf32, #tpu.memory_space<vmem>>
      %dma_wait3A_121 = arith.constant 0 : i32
      %dma_wait3A_122 = arith.constant 0 : i32
      %dma_wait3A_123 = tpu.memref_slice %arg3[%dma_wait3A_121, %dma_wait3A_122] : memref<100000x128xf32, #tpu.memory_space<hbm>> -> memref<104x128xf32, #tpu.memory_space<hbm>>
      %dma_wait3A_124 = arith.constant 312 : i32
      %dma_wait3A_125 = arith.constant 0 : i32
      %dma_wait3A_126 = tpu.memref_slice %arg8[%dma_wait3A_124, %dma_wait3A_125] : memref<416x128xf32, #tpu.memory_space<vmem>> -> memref<104x128xf32, #tpu.memory_space<vmem>>
      %dma_wait3A_127 = arith.constant 0 : i32
      %dma_wait3A_128 = arith.constant 0 : i32
      %dma_wait3A_129 = tpu.memref_slice %arg3[%dma_wait3A_127, %dma_wait3A_128] : memref<100000x128xf32, #tpu.memory_space<hbm>> -> memref<104x128xf32, #tpu.memory_space<hbm>>
      tpu.wait_dma2 semaphore(%arg12 : memref<!tpu.dma_semaphore, #tpu.memory_space<semaphore_mem>>) src(%dma_wait3A_129 : memref<104x128xf32, #tpu.memory_space<hbm>>) dst(%dma_wait3A_126 : memref<104x128xf32, #tpu.memory_space<vmem>>)
      %parallel_loop3A = arith.constant 0 : i32
      %parallel_loop3A_130 = arith.constant 16 : i32
      %parallel_loop3A_131 = arith.constant 1 : i32
      scf.for %parallel_loop3A_235 = %parallel_loop3A to %parallel_loop3A_130 step %parallel_loop3A_131  : i32 {
        %parallel_loop3A_236 = arith.constant 25 : i32
        %parallel_loop3A_237 = arith.muli %parallel_loop3A_235, %parallel_loop3A_236 : i32
        %parallel_loop3A_238 = arith.index_cast %parallel_loop3A_237 : i32 to index
        %parallel_loop3A_239 = arith.constant 0 : index
        %parallel_loop3A_240 = tpu.vector_load %arg8[%parallel_loop3A_238, %parallel_loop3A_239] {strides = array<i32>} : memref<416x128xf32, #tpu.memory_space<vmem>>, vector<1x16xf32>,
        %parallel_loop3A_241 = vector.shape_cast %parallel_loop3A_240 : vector<1x16xf32> to vector<16xf32>
        %parallel_loop3A_242 = arith.index_cast %parallel_loop3A_237 : i32 to index
        %parallel_loop3A_243 = arith.constant 16 : index
        %parallel_loop3A_244 = tpu.vector_load %arg8[%parallel_loop3A_242, %parallel_loop3A_243] {strides = array<i32>} : memref<416x128xf32, #tpu.memory_space<vmem>>, vector<1x16xf32>,
        %parallel_loop3A_245 = vector.shape_cast %parallel_loop3A_244 : vector<1x16xf32> to vector<16xf32>
        %parallel_loop3A_246 = arith.index_cast %parallel_loop3A_237 : i32 to index
        %parallel_loop3A_247 = arith.constant 32 : index
        %parallel_loop3A_248 = tpu.vector_load %arg8[%parallel_loop3A_246, %parallel_loop3A_247] {strides = array<i32>} : memref<416x128xf32, #tpu.memory_space<vmem>>, vector<1x16xf32>,
        %parallel_loop3A_249 = vector.shape_cast %parallel_loop3A_248 : vector<1x16xf32> to vector<16xf32>
        %parallel_loop3A_250 = arith.index_cast %parallel_loop3A_237 : i32 to index
        %parallel_loop3A_251 = arith.constant 48 : index
        %parallel_loop3A_252 = tpu.vector_load %arg8[%parallel_loop3A_250, %parallel_loop3A_251] {strides = array<i32>} : memref<416x128xf32, #tpu.memory_space<vmem>>, vector<1x16xf32>,
        %parallel_loop3A_253 = vector.shape_cast %parallel_loop3A_252 : vector<1x16xf32> to vector<16xf32>
        %parallel_loop3A_254 = arith.index_cast %parallel_loop3A_237 : i32 to index
        %parallel_loop3A_255 = arith.constant 64 : index
        %parallel_loop3A_256 = tpu.vector_load %arg8[%parallel_loop3A_254, %parallel_loop3A_255] {strides = array<i32>} : memref<416x128xf32, #tpu.memory_space<vmem>>, vector<1x16xf32>,
        %parallel_loop3A_257 = vector.shape_cast %parallel_loop3A_256 : vector<1x16xf32> to vector<16xf32>
        %parallel_loop3A_258 = arith.index_cast %parallel_loop3A_237 : i32 to index
        %parallel_loop3A_259 = arith.constant 80 : index
        %parallel_loop3A_260 = tpu.vector_load %arg8[%parallel_loop3A_258, %parallel_loop3A_259] {strides = array<i32>} : memref<416x128xf32, #tpu.memory_space<vmem>>, vector<1x16xf32>,
        %parallel_loop3A_261 = vector.shape_cast %parallel_loop3A_260 : vector<1x16xf32> to vector<16xf32>
        %parallel_loop3A_262 = arith.index_cast %parallel_loop3A_237 : i32 to index
        %parallel_loop3A_263 = arith.constant 96 : index
        %parallel_loop3A_264 = tpu.vector_load %arg8[%parallel_loop3A_262, %parallel_loop3A_263] {strides = array<i32>} : memref<416x128xf32, #tpu.memory_space<vmem>>, vector<1x16xf32>,
        %parallel_loop3A_265 = vector.shape_cast %parallel_loop3A_264 : vector<1x16xf32> to vector<16xf32>
        %parallel_loop3A_266 = arith.index_cast %parallel_loop3A_237 : i32 to index
        %parallel_loop3A_267 = arith.constant 112 : index
        %parallel_loop3A_268 = tpu.vector_load %arg8[%parallel_loop3A_266, %parallel_loop3A_267] {strides = array<i32>} : memref<416x128xf32, #tpu.memory_space<vmem>>, vector<1x16xf32>,
        %parallel_loop3A_269 = vector.shape_cast %parallel_loop3A_268 : vector<1x16xf32> to vector<16xf32>
        %parallel_loop3A_270 = arith.constant 1 : i32
        %parallel_loop3A_271 = arith.constant 24 : i32
        %parallel_loop3A_272 = arith.addi %parallel_loop3A_270, %parallel_loop3A_271 : i32
        %parallel_loop3A_273 = arith.constant 8 : i32
        %parallel_loop3A_274:8 = scf.for %scan3A_316 = %parallel_loop3A_270 to %parallel_loop3A_272 step %parallel_loop3A_273 iter_args(%scan3A_317 = %parallel_loop3A_241, %scan3A_318 = %parallel_loop3A_245, %scan3A_319 = %parallel_loop3A_249, %scan3A_320 = %parallel_loop3A_253, %scan3A_321 = %parallel_loop3A_257, %scan3A_322 = %parallel_loop3A_261, %scan3A_323 = %parallel_loop3A_265, %scan3A_324 = %parallel_loop3A_269) -> (vector<16xf32>, vector<16xf32>, vector<16xf32>, vector<16xf32>, vector<16xf32>, vector<16xf32>, vector<16xf32>, vector<16xf32>)  : i32 {
          %parallel_loop3A_325 = arith.addi %parallel_loop3A_237, %scan3A_316 : i32
          %parallel_loop3A_326 = arith.index_cast %parallel_loop3A_325 : i32 to index
          %parallel_loop3A_327 = arith.constant 0 : index
          %parallel_loop3A_328 = tpu.vector_load %arg8[%parallel_loop3A_326, %parallel_loop3A_327] {strides = array<i32>} : memref<416x128xf32, #tpu.memory_space<vmem>>, vector<1x16xf32>,
          %parallel_loop3A_329 = vector.shape_cast %parallel_loop3A_328 : vector<1x16xf32> to vector<16xf32>
          %parallel_loop3A_330 = arith.addf %scan3A_317, %parallel_loop3A_329 : vector<16xf32>
          %parallel_loop3A_331 = arith.addi %parallel_loop3A_237, %scan3A_316 : i32
          %parallel_loop3A_332 = arith.index_cast %parallel_loop3A_331 : i32 to index
          %parallel_loop3A_333 = arith.constant 16 : index
          %parallel_loop3A_334 = tpu.vector_load %arg8[%parallel_loop3A_332, %parallel_loop3A_333] {strides = array<i32>} : memref<416x128xf32, #tpu.memory_space<vmem>>, vector<1x16xf32>,
          %parallel_loop3A_335 = vector.shape_cast %parallel_loop3A_334 : vector<1x16xf32> to vector<16xf32>
          %parallel_loop3A_336 = arith.addf %scan3A_318, %parallel_loop3A_335 : vector<16xf32>
          %parallel_loop3A_337 = arith.addi %parallel_loop3A_237, %scan3A_316 : i32
          %parallel_loop3A_338 = arith.index_cast %parallel_loop3A_337 : i32 to index
          %parallel_loop3A_339 = arith.constant 32 : index
          %parallel_loop3A_340 = tpu.vector_load %arg8[%parallel_loop3A_338, %parallel_loop3A_339] {strides = array<i32>} : memref<416x128xf32, #tpu.memory_space<vmem>>, vector<1x16xf32>,
          %parallel_loop3A_341 = vector.shape_cast %parallel_loop3A_340 : vector<1x16xf32> to vector<16xf32>
          %parallel_loop3A_342 = arith.addf %scan3A_319, %parallel_loop3A_341 : vector<16xf32>
          %parallel_loop3A_343 = arith.addi %parallel_loop3A_237, %scan3A_316 : i32
          %parallel_loop3A_344 = arith.index_cast %parallel_loop3A_343 : i32 to index
          %parallel_loop3A_345 = arith.constant 48 : index
          %parallel_loop3A_346 = tpu.vector_load %arg8[%parallel_loop3A_344, %parallel_loop3A_345] {strides = array<i32>} : memref<416x128xf32, #tpu.memory_space<vmem>>, vector<1x16xf32>,
          %parallel_loop3A_347 = vector.shape_cast %parallel_loop3A_346 : vector<1x16xf32> to vector<16xf32>
          %parallel_loop3A_348 = arith.addf %scan3A_320, %parallel_loop3A_347 : vector<16xf32>
          %parallel_loop3A_349 = arith.addi %parallel_loop3A_237, %scan3A_316 : i32
          %parallel_loop3A_350 = arith.index_cast %parallel_loop3A_349 : i32 to index
          %parallel_loop3A_351 = arith.constant 64 : index
          %parallel_loop3A_352 = tpu.vector_load %arg8[%parallel_loop3A_350, %parallel_loop3A_351] {strides = array<i32>} : memref<416x128xf32, #tpu.memory_space<vmem>>, vector<1x16xf32>,
          %parallel_loop3A_353 = vector.shape_cast %parallel_loop3A_352 : vector<1x16xf32> to vector<16xf32>
          %parallel_loop3A_354 = arith.addf %scan3A_321, %parallel_loop3A_353 : vector<16xf32>
          %parallel_loop3A_355 = arith.addi %parallel_loop3A_237, %scan3A_316 : i32
          %parallel_loop3A_356 = arith.index_cast %parallel_loop3A_355 : i32 to index
          %parallel_loop3A_357 = arith.constant 80 : index
          %parallel_loop3A_358 = tpu.vector_load %arg8[%parallel_loop3A_356, %parallel_loop3A_357] {strides = array<i32>} : memref<416x128xf32, #tpu.memory_space<vmem>>, vector<1x16xf32>,
          %parallel_loop3A_359 = vector.shape_cast %parallel_loop3A_358 : vector<1x16xf32> to vector<16xf32>
          %parallel_loop3A_360 = arith.addf %scan3A_322, %parallel_loop3A_359 : vector<16xf32>
          %parallel_loop3A_361 = arith.addi %parallel_loop3A_237, %scan3A_316 : i32
          %parallel_loop3A_362 = arith.index_cast %parallel_loop3A_361 : i32 to index
          %parallel_loop3A_363 = arith.constant 96 : index
          %parallel_loop3A_364 = tpu.vector_load %arg8[%parallel_loop3A_362, %parallel_loop3A_363] {strides = array<i32>} : memref<416x128xf32, #tpu.memory_space<vmem>>, vector<1x16xf32>,
          %parallel_loop3A_365 = vector.shape_cast %parallel_loop3A_364 : vector<1x16xf32> to vector<16xf32>
          %parallel_loop3A_366 = arith.addf %scan3A_323, %parallel_loop3A_365 : vector<16xf32>
          %parallel_loop3A_367 = arith.addi %parallel_loop3A_237, %scan3A_316 : i32
          %parallel_loop3A_368 = arith.index_cast %parallel_loop3A_367 : i32 to index
          %parallel_loop3A_369 = arith.constant 112 : index
          %parallel_loop3A_370 = tpu.vector_load %arg8[%parallel_loop3A_368, %parallel_loop3A_369] {strides = array<i32>} : memref<416x128xf32, #tpu.memory_space<vmem>>, vector<1x16xf32>,
          %parallel_loop3A_371 = vector.shape_cast %parallel_loop3A_370 : vector<1x16xf32> to vector<16xf32>
          %parallel_loop3A_372 = arith.addf %scan3A_324, %parallel_loop3A_371 : vector<16xf32>
          %parallel_loop3A_373 = arith.constant 1 : i32
          %parallel_loop3A_374 = arith.addi %scan3A_316, %parallel_loop3A_373 : i32
          %parallel_loop3A_375 = arith.addi %parallel_loop3A_237, %parallel_loop3A_374 : i32
          %parallel_loop3A_376 = arith.index_cast %parallel_loop3A_375 : i32 to index
          %parallel_loop3A_377 = arith.constant 0 : index
          %parallel_loop3A_378 = tpu.vector_load %arg8[%parallel_loop3A_376, %parallel_loop3A_377] {strides = array<i32>} : memref<416x128xf32, #tpu.memory_space<vmem>>, vector<1x16xf32>,
          %parallel_loop3A_379 = vector.shape_cast %parallel_loop3A_378 : vector<1x16xf32> to vector<16xf32>
          %parallel_loop3A_380 = arith.addf %parallel_loop3A_330, %parallel_loop3A_379 : vector<16xf32>
          %parallel_loop3A_381 = arith.addi %parallel_loop3A_237, %parallel_loop3A_374 : i32
          %parallel_loop3A_382 = arith.index_cast %parallel_loop3A_381 : i32 to index
          %parallel_loop3A_383 = arith.constant 16 : index
          %parallel_loop3A_384 = tpu.vector_load %arg8[%parallel_loop3A_382, %parallel_loop3A_383] {strides = array<i32>} : memref<416x128xf32, #tpu.memory_space<vmem>>, vector<1x16xf32>,
          %parallel_loop3A_385 = vector.shape_cast %parallel_loop3A_384 : vector<1x16xf32> to vector<16xf32>
          %parallel_loop3A_386 = arith.addf %parallel_loop3A_336, %parallel_loop3A_385 : vector<16xf32>
          %parallel_loop3A_387 = arith.addi %parallel_loop3A_237, %parallel_loop3A_374 : i32
          %parallel_loop3A_388 = arith.index_cast %parallel_loop3A_387 : i32 to index
          %parallel_loop3A_389 = arith.constant 32 : index
          %parallel_loop3A_390 = tpu.vector_load %arg8[%parallel_loop3A_388, %parallel_loop3A_389] {strides = array<i32>} : memref<416x128xf32, #tpu.memory_space<vmem>>, vector<1x16xf32>,
          %parallel_loop3A_391 = vector.shape_cast %parallel_loop3A_390 : vector<1x16xf32> to vector<16xf32>
          %parallel_loop3A_392 = arith.addf %parallel_loop3A_342, %parallel_loop3A_391 : vector<16xf32>
          %parallel_loop3A_393 = arith.addi %parallel_loop3A_237, %parallel_loop3A_374 : i32
          %parallel_loop3A_394 = arith.index_cast %parallel_loop3A_393 : i32 to index
          %parallel_loop3A_395 = arith.constant 48 : index
          %parallel_loop3A_396 = tpu.vector_load %arg8[%parallel_loop3A_394, %parallel_loop3A_395] {strides = array<i32>} : memref<416x128xf32, #tpu.memory_space<vmem>>, vector<1x16xf32>,
          %parallel_loop3A_397 = vector.shape_cast %parallel_loop3A_396 : vector<1x16xf32> to vector<16xf32>
          %parallel_loop3A_398 = arith.addf %parallel_loop3A_348, %parallel_loop3A_397 : vector<16xf32>
          %parallel_loop3A_399 = arith.addi %parallel_loop3A_237, %parallel_loop3A_374 : i32
          %parallel_loop3A_400 = arith.index_cast %parallel_loop3A_399 : i32 to index
          %parallel_loop3A_401 = arith.constant 64 : index
          %parallel_loop3A_402 = tpu.vector_load %arg8[%parallel_loop3A_400, %parallel_loop3A_401] {strides = array<i32>} : memref<416x128xf32, #tpu.memory_space<vmem>>, vector<1x16xf32>,
          %parallel_loop3A_403 = vector.shape_cast %parallel_loop3A_402 : vector<1x16xf32> to vector<16xf32>
          %parallel_loop3A_404 = arith.addf %parallel_loop3A_354, %parallel_loop3A_403 : vector<16xf32>
          %parallel_loop3A_405 = arith.addi %parallel_loop3A_237, %parallel_loop3A_374 : i32
          %parallel_loop3A_406 = arith.index_cast %parallel_loop3A_405 : i32 to index
          %parallel_loop3A_407 = arith.constant 80 : index
          %parallel_loop3A_408 = tpu.vector_load %arg8[%parallel_loop3A_406, %parallel_loop3A_407] {strides = array<i32>} : memref<416x128xf32, #tpu.memory_space<vmem>>, vector<1x16xf32>,
          %parallel_loop3A_409 = vector.shape_cast %parallel_loop3A_408 : vector<1x16xf32> to vector<16xf32>
          %parallel_loop3A_410 = arith.addf %parallel_loop3A_360, %parallel_loop3A_409 : vector<16xf32>
          %parallel_loop3A_411 = arith.addi %parallel_loop3A_237, %parallel_loop3A_374 : i32
          %parallel_loop3A_412 = arith.index_cast %parallel_loop3A_411 : i32 to index
          %parallel_loop3A_413 = arith.constant 96 : index
          %parallel_loop3A_414 = tpu.vector_load %arg8[%parallel_loop3A_412, %parallel_loop3A_413] {strides = array<i32>} : memref<416x128xf32, #tpu.memory_space<vmem>>, vector<1x16xf32>,
          %parallel_loop3A_415 = vector.shape_cast %parallel_loop3A_414 : vector<1x16xf32> to vector<16xf32>
          %parallel_loop3A_416 = arith.addf %parallel_loop3A_366, %parallel_loop3A_415 : vector<16xf32>
          %parallel_loop3A_417 = arith.addi %parallel_loop3A_237, %parallel_loop3A_374 : i32
          %parallel_loop3A_418 = arith.index_cast %parallel_loop3A_417 : i32 to index
          %parallel_loop3A_419 = arith.constant 112 : index
          %parallel_loop3A_420 = tpu.vector_load %arg8[%parallel_loop3A_418, %parallel_loop3A_419] {strides = array<i32>} : memref<416x128xf32, #tpu.memory_space<vmem>>, vector<1x16xf32>,
          %parallel_loop3A_421 = vector.shape_cast %parallel_loop3A_420 : vector<1x16xf32> to vector<16xf32>
          %parallel_loop3A_422 = arith.addf %parallel_loop3A_372, %parallel_loop3A_421 : vector<16xf32>
          %parallel_loop3A_423 = arith.constant 2 : i32
          %parallel_loop3A_424 = arith.addi %scan3A_316, %parallel_loop3A_423 : i32
          %parallel_loop3A_425 = arith.addi %parallel_loop3A_237, %parallel_loop3A_424 : i32
          %parallel_loop3A_426 = arith.index_cast %parallel_loop3A_425 : i32 to index
          %parallel_loop3A_427 = arith.constant 0 : index
          %parallel_loop3A_428 = tpu.vector_load %arg8[%parallel_loop3A_426, %parallel_loop3A_427] {strides = array<i32>} : memref<416x128xf32, #tpu.memory_space<vmem>>, vector<1x16xf32>,
          %parallel_loop3A_429 = vector.shape_cast %parallel_loop3A_428 : vector<1x16xf32> to vector<16xf32>
          %parallel_loop3A_430 = arith.addf %parallel_loop3A_380, %parallel_loop3A_429 : vector<16xf32>
          %parallel_loop3A_431 = arith.addi %parallel_loop3A_237, %parallel_loop3A_424 : i32
          %parallel_loop3A_432 = arith.index_cast %parallel_loop3A_431 : i32 to index
          %parallel_loop3A_433 = arith.constant 16 : index
          %parallel_loop3A_434 = tpu.vector_load %arg8[%parallel_loop3A_432, %parallel_loop3A_433] {strides = array<i32>} : memref<416x128xf32, #tpu.memory_space<vmem>>, vector<1x16xf32>,
          %parallel_loop3A_435 = vector.shape_cast %parallel_loop3A_434 : vector<1x16xf32> to vector<16xf32>
          %parallel_loop3A_436 = arith.addf %parallel_loop3A_386, %parallel_loop3A_435 : vector<16xf32>
          %parallel_loop3A_437 = arith.addi %parallel_loop3A_237, %parallel_loop3A_424 : i32
          %parallel_loop3A_438 = arith.index_cast %parallel_loop3A_437 : i32 to index
          %parallel_loop3A_439 = arith.constant 32 : index
          %parallel_loop3A_440 = tpu.vector_load %arg8[%parallel_loop3A_438, %parallel_loop3A_439] {strides = array<i32>} : memref<416x128xf32, #tpu.memory_space<vmem>>, vector<1x16xf32>,
          %parallel_loop3A_441 = vector.shape_cast %parallel_loop3A_440 : vector<1x16xf32> to vector<16xf32>
          %parallel_loop3A_442 = arith.addf %parallel_loop3A_392, %parallel_loop3A_441 : vector<16xf32>
          %parallel_loop3A_443 = arith.addi %parallel_loop3A_237, %parallel_loop3A_424 : i32
          %parallel_loop3A_444 = arith.index_cast %parallel_loop3A_443 : i32 to index
          %parallel_loop3A_445 = arith.constant 48 : index
          %parallel_loop3A_446 = tpu.vector_load %arg8[%parallel_loop3A_444, %parallel_loop3A_445] {strides = array<i32>} : memref<416x128xf32, #tpu.memory_space<vmem>>, vector<1x16xf32>,
          %parallel_loop3A_447 = vector.shape_cast %parallel_loop3A_446 : vector<1x16xf32> to vector<16xf32>
          %parallel_loop3A_448 = arith.addf %parallel_loop3A_398, %parallel_loop3A_447 : vector<16xf32>
          %parallel_loop3A_449 = arith.addi %parallel_loop3A_237, %parallel_loop3A_424 : i32
          %parallel_loop3A_450 = arith.index_cast %parallel_loop3A_449 : i32 to index
          %parallel_loop3A_451 = arith.constant 64 : index
          %parallel_loop3A_452 = tpu.vector_load %arg8[%parallel_loop3A_450, %parallel_loop3A_451] {strides = array<i32>} : memref<416x128xf32, #tpu.memory_space<vmem>>, vector<1x16xf32>,
          %parallel_loop3A_453 = vector.shape_cast %parallel_loop3A_452 : vector<1x16xf32> to vector<16xf32>
          %parallel_loop3A_454 = arith.addf %parallel_loop3A_404, %parallel_loop3A_453 : vector<16xf32>
          %parallel_loop3A_455 = arith.addi %parallel_loop3A_237, %parallel_loop3A_424 : i32
          %parallel_loop3A_456 = arith.index_cast %parallel_loop3A_455 : i32 to index
          %parallel_loop3A_457 = arith.constant 80 : index
          %parallel_loop3A_458 = tpu.vector_load %arg8[%parallel_loop3A_456, %parallel_loop3A_457] {strides = array<i32>} : memref<416x128xf32, #tpu.memory_space<vmem>>, vector<1x16xf32>,
          %parallel_loop3A_459 = vector.shape_cast %parallel_loop3A_458 : vector<1x16xf32> to vector<16xf32>
          %parallel_loop3A_460 = arith.addf %parallel_loop3A_410, %parallel_loop3A_459 : vector<16xf32>
          %parallel_loop3A_461 = arith.addi %parallel_loop3A_237, %parallel_loop3A_424 : i32
          %parallel_loop3A_462 = arith.index_cast %parallel_loop3A_461 : i32 to index
          %parallel_loop3A_463 = arith.constant 96 : index
          %parallel_loop3A_464 = tpu.vector_load %arg8[%parallel_loop3A_462, %parallel_loop3A_463] {strides = array<i32>} : memref<416x128xf32, #tpu.memory_space<vmem>>, vector<1x16xf32>,
          %parallel_loop3A_465 = vector.shape_cast %parallel_loop3A_464 : vector<1x16xf32> to vector<16xf32>
          %parallel_loop3A_466 = arith.addf %parallel_loop3A_416, %parallel_loop3A_465 : vector<16xf32>
          %parallel_loop3A_467 = arith.addi %parallel_loop3A_237, %parallel_loop3A_424 : i32
          %parallel_loop3A_468 = arith.index_cast %parallel_loop3A_467 : i32 to index
          %parallel_loop3A_469 = arith.constant 112 : index
          %parallel_loop3A_470 = tpu.vector_load %arg8[%parallel_loop3A_468, %parallel_loop3A_469] {strides = array<i32>} : memref<416x128xf32, #tpu.memory_space<vmem>>, vector<1x16xf32>,
          %parallel_loop3A_471 = vector.shape_cast %parallel_loop3A_470 : vector<1x16xf32> to vector<16xf32>
          %parallel_loop3A_472 = arith.addf %parallel_loop3A_422, %parallel_loop3A_471 : vector<16xf32>
          %parallel_loop3A_473 = arith.constant 3 : i32
          %parallel_loop3A_474 = arith.addi %scan3A_316, %parallel_loop3A_473 : i32
          %parallel_loop3A_475 = arith.addi %parallel_loop3A_237, %parallel_loop3A_474 : i32
          %parallel_loop3A_476 = arith.index_cast %parallel_loop3A_475 : i32 to index
          %parallel_loop3A_477 = arith.constant 0 : index
          %parallel_loop3A_478 = tpu.vector_load %arg8[%parallel_loop3A_476, %parallel_loop3A_477] {strides = array<i32>} : memref<416x128xf32, #tpu.memory_space<vmem>>, vector<1x16xf32>,
          %parallel_loop3A_479 = vector.shape_cast %parallel_loop3A_478 : vector<1x16xf32> to vector<16xf32>
          %parallel_loop3A_480 = arith.addf %parallel_loop3A_430, %parallel_loop3A_479 : vector<16xf32>
          %parallel_loop3A_481 = arith.addi %parallel_loop3A_237, %parallel_loop3A_474 : i32
          %parallel_loop3A_482 = arith.index_cast %parallel_loop3A_481 : i32 to index
          %parallel_loop3A_483 = arith.constant 16 : index
          %parallel_loop3A_484 = tpu.vector_load %arg8[%parallel_loop3A_482, %parallel_loop3A_483] {strides = array<i32>} : memref<416x128xf32, #tpu.memory_space<vmem>>, vector<1x16xf32>,
          %parallel_loop3A_485 = vector.shape_cast %parallel_loop3A_484 : vector<1x16xf32> to vector<16xf32>
          %parallel_loop3A_486 = arith.addf %parallel_loop3A_436, %parallel_loop3A_485 : vector<16xf32>
          %parallel_loop3A_487 = arith.addi %parallel_loop3A_237, %parallel_loop3A_474 : i32
          %parallel_loop3A_488 = arith.index_cast %parallel_loop3A_487 : i32 to index
          %parallel_loop3A_489 = arith.constant 32 : index
          %parallel_loop3A_490 = tpu.vector_load %arg8[%parallel_loop3A_488, %parallel_loop3A_489] {strides = array<i32>} : memref<416x128xf32, #tpu.memory_space<vmem>>, vector<1x16xf32>,
          %parallel_loop3A_491 = vector.shape_cast %parallel_loop3A_490 : vector<1x16xf32> to vector<16xf32>
          %parallel_loop3A_492 = arith.addf %parallel_loop3A_442, %parallel_loop3A_491 : vector<16xf32>
          %parallel_loop3A_493 = arith.addi %parallel_loop3A_237, %parallel_loop3A_474 : i32
          %parallel_loop3A_494 = arith.index_cast %parallel_loop3A_493 : i32 to index
          %parallel_loop3A_495 = arith.constant 48 : index
          %parallel_loop3A_496 = tpu.vector_load %arg8[%parallel_loop3A_494, %parallel_loop3A_495] {strides = array<i32>} : memref<416x128xf32, #tpu.memory_space<vmem>>, vector<1x16xf32>,
          %parallel_loop3A_497 = vector.shape_cast %parallel_loop3A_496 : vector<1x16xf32> to vector<16xf32>
          %parallel_loop3A_498 = arith.addf %parallel_loop3A_448, %parallel_loop3A_497 : vector<16xf32>
          %parallel_loop3A_499 = arith.addi %parallel_loop3A_237, %parallel_loop3A_474 : i32
          %parallel_loop3A_500 = arith.index_cast %parallel_loop3A_499 : i32 to index
          %parallel_loop3A_501 = arith.constant 64 : index
          %parallel_loop3A_502 = tpu.vector_load %arg8[%parallel_loop3A_500, %parallel_loop3A_501] {strides = array<i32>} : memref<416x128xf32, #tpu.memory_space<vmem>>, vector<1x16xf32>,
          %parallel_loop3A_503 = vector.shape_cast %parallel_loop3A_502 : vector<1x16xf32> to vector<16xf32>
          %parallel_loop3A_504 = arith.addf %parallel_loop3A_454, %parallel_loop3A_503 : vector<16xf32>
          %parallel_loop3A_505 = arith.addi %parallel_loop3A_237, %parallel_loop3A_474 : i32
          %parallel_loop3A_506 = arith.index_cast %parallel_loop3A_505 : i32 to index
          %parallel_loop3A_507 = arith.constant 80 : index
          %parallel_loop3A_508 = tpu.vector_load %arg8[%parallel_loop3A_506, %parallel_loop3A_507] {strides = array<i32>} : memref<416x128xf32, #tpu.memory_space<vmem>>, vector<1x16xf32>,
          %parallel_loop3A_509 = vector.shape_cast %parallel_loop3A_508 : vector<1x16xf32> to vector<16xf32>
          %parallel_loop3A_510 = arith.addf %parallel_loop3A_460, %parallel_loop3A_509 : vector<16xf32>
          %parallel_loop3A_511 = arith.addi %parallel_loop3A_237, %parallel_loop3A_474 : i32
          %parallel_loop3A_512 = arith.index_cast %parallel_loop3A_511 : i32 to index
          %parallel_loop3A_513 = arith.constant 96 : index
          %parallel_loop3A_514 = tpu.vector_load %arg8[%parallel_loop3A_512, %parallel_loop3A_513] {strides = array<i32>} : memref<416x128xf32, #tpu.memory_space<vmem>>, vector<1x16xf32>,
          %parallel_loop3A_515 = vector.shape_cast %parallel_loop3A_514 : vector<1x16xf32> to vector<16xf32>
          %parallel_loop3A_516 = arith.addf %parallel_loop3A_466, %parallel_loop3A_515 : vector<16xf32>
          %parallel_loop3A_517 = arith.addi %parallel_loop3A_237, %parallel_loop3A_474 : i32
          %parallel_loop3A_518 = arith.index_cast %parallel_loop3A_517 : i32 to index
          %parallel_loop3A_519 = arith.constant 112 : index
          %parallel_loop3A_520 = tpu.vector_load %arg8[%parallel_loop3A_518, %parallel_loop3A_519] {strides = array<i32>} : memref<416x128xf32, #tpu.memory_space<vmem>>, vector<1x16xf32>,
          %parallel_loop3A_521 = vector.shape_cast %parallel_loop3A_520 : vector<1x16xf32> to vector<16xf32>
          %parallel_loop3A_522 = arith.addf %parallel_loop3A_472, %parallel_loop3A_521 : vector<16xf32>
          %parallel_loop3A_523 = arith.constant 4 : i32
          %parallel_loop3A_524 = arith.addi %scan3A_316, %parallel_loop3A_523 : i32
          %parallel_loop3A_525 = arith.addi %parallel_loop3A_237, %parallel_loop3A_524 : i32
          %parallel_loop3A_526 = arith.index_cast %parallel_loop3A_525 : i32 to index
          %parallel_loop3A_527 = arith.constant 0 : index
          %parallel_loop3A_528 = tpu.vector_load %arg8[%parallel_loop3A_526, %parallel_loop3A_527] {strides = array<i32>} : memref<416x128xf32, #tpu.memory_space<vmem>>, vector<1x16xf32>,
          %parallel_loop3A_529 = vector.shape_cast %parallel_loop3A_528 : vector<1x16xf32> to vector<16xf32>
          %parallel_loop3A_530 = arith.addf %parallel_loop3A_480, %parallel_loop3A_529 : vector<16xf32>
          %parallel_loop3A_531 = arith.addi %parallel_loop3A_237, %parallel_loop3A_524 : i32
          %parallel_loop3A_532 = arith.index_cast %parallel_loop3A_531 : i32 to index
          %parallel_loop3A_533 = arith.constant 16 : index
          %parallel_loop3A_534 = tpu.vector_load %arg8[%parallel_loop3A_532, %parallel_loop3A_533] {strides = array<i32>} : memref<416x128xf32, #tpu.memory_space<vmem>>, vector<1x16xf32>,
          %parallel_loop3A_535 = vector.shape_cast %parallel_loop3A_534 : vector<1x16xf32> to vector<16xf32>
          %parallel_loop3A_536 = arith.addf %parallel_loop3A_486, %parallel_loop3A_535 : vector<16xf32>
          %parallel_loop3A_537 = arith.addi %parallel_loop3A_237, %parallel_loop3A_524 : i32
          %parallel_loop3A_538 = arith.index_cast %parallel_loop3A_537 : i32 to index
          %parallel_loop3A_539 = arith.constant 32 : index
          %parallel_loop3A_540 = tpu.vector_load %arg8[%parallel_loop3A_538, %parallel_loop3A_539] {strides = array<i32>} : memref<416x128xf32, #tpu.memory_space<vmem>>, vector<1x16xf32>,
          %parallel_loop3A_541 = vector.shape_cast %parallel_loop3A_540 : vector<1x16xf32> to vector<16xf32>
          %parallel_loop3A_542 = arith.addf %parallel_loop3A_492, %parallel_loop3A_541 : vector<16xf32>
          %parallel_loop3A_543 = arith.addi %parallel_loop3A_237, %parallel_loop3A_524 : i32
          %parallel_loop3A_544 = arith.index_cast %parallel_loop3A_543 : i32 to index
          %parallel_loop3A_545 = arith.constant 48 : index
          %parallel_loop3A_546 = tpu.vector_load %arg8[%parallel_loop3A_544, %parallel_loop3A_545] {strides = array<i32>} : memref<416x128xf32, #tpu.memory_space<vmem>>, vector<1x16xf32>,
          %parallel_loop3A_547 = vector.shape_cast %parallel_loop3A_546 : vector<1x16xf32> to vector<16xf32>
          %parallel_loop3A_548 = arith.addf %parallel_loop3A_498, %parallel_loop3A_547 : vector<16xf32>
          %parallel_loop3A_549 = arith.addi %parallel_loop3A_237, %parallel_loop3A_524 : i32
          %parallel_loop3A_550 = arith.index_cast %parallel_loop3A_549 : i32 to index
          %parallel_loop3A_551 = arith.constant 64 : index
          %parallel_loop3A_552 = tpu.vector_load %arg8[%parallel_loop3A_550, %parallel_loop3A_551] {strides = array<i32>} : memref<416x128xf32, #tpu.memory_space<vmem>>, vector<1x16xf32>,
          %parallel_loop3A_553 = vector.shape_cast %parallel_loop3A_552 : vector<1x16xf32> to vector<16xf32>
          %parallel_loop3A_554 = arith.addf %parallel_loop3A_504, %parallel_loop3A_553 : vector<16xf32>
          %parallel_loop3A_555 = arith.addi %parallel_loop3A_237, %parallel_loop3A_524 : i32
          %parallel_loop3A_556 = arith.index_cast %parallel_loop3A_555 : i32 to index
          %parallel_loop3A_557 = arith.constant 80 : index
          %parallel_loop3A_558 = tpu.vector_load %arg8[%parallel_loop3A_556, %parallel_loop3A_557] {strides = array<i32>} : memref<416x128xf32, #tpu.memory_space<vmem>>, vector<1x16xf32>,
          %parallel_loop3A_559 = vector.shape_cast %parallel_loop3A_558 : vector<1x16xf32> to vector<16xf32>
          %parallel_loop3A_560 = arith.addf %parallel_loop3A_510, %parallel_loop3A_559 : vector<16xf32>
          %parallel_loop3A_561 = arith.addi %parallel_loop3A_237, %parallel_loop3A_524 : i32
          %parallel_loop3A_562 = arith.index_cast %parallel_loop3A_561 : i32 to index
          %parallel_loop3A_563 = arith.constant 96 : index
          %parallel_loop3A_564 = tpu.vector_load %arg8[%parallel_loop3A_562, %parallel_loop3A_563] {strides = array<i32>} : memref<416x128xf32, #tpu.memory_space<vmem>>, vector<1x16xf32>,
          %parallel_loop3A_565 = vector.shape_cast %parallel_loop3A_564 : vector<1x16xf32> to vector<16xf32>
          %parallel_loop3A_566 = arith.addf %parallel_loop3A_516, %parallel_loop3A_565 : vector<16xf32>
          %parallel_loop3A_567 = arith.addi %parallel_loop3A_237, %parallel_loop3A_524 : i32
          %parallel_loop3A_568 = arith.index_cast %parallel_loop3A_567 : i32 to index
          %parallel_loop3A_569 = arith.constant 112 : index
          %parallel_loop3A_570 = tpu.vector_load %arg8[%parallel_loop3A_568, %parallel_loop3A_569] {strides = array<i32>} : memref<416x128xf32, #tpu.memory_space<vmem>>, vector<1x16xf32>,
          %parallel_loop3A_571 = vector.shape_cast %parallel_loop3A_570 : vector<1x16xf32> to vector<16xf32>
          %parallel_loop3A_572 = arith.addf %parallel_loop3A_522, %parallel_loop3A_571 : vector<16xf32>
          %parallel_loop3A_573 = arith.constant 5 : i32
          %parallel_loop3A_574 = arith.addi %scan3A_316, %parallel_loop3A_573 : i32
          %parallel_loop3A_575 = arith.addi %parallel_loop3A_237, %parallel_loop3A_574 : i32
          %parallel_loop3A_576 = arith.index_cast %parallel_loop3A_575 : i32 to index
          %parallel_loop3A_577 = arith.constant 0 : index
          %parallel_loop3A_578 = tpu.vector_load %arg8[%parallel_loop3A_576, %parallel_loop3A_577] {strides = array<i32>} : memref<416x128xf32, #tpu.memory_space<vmem>>, vector<1x16xf32>,
          %parallel_loop3A_579 = vector.shape_cast %parallel_loop3A_578 : vector<1x16xf32> to vector<16xf32>
          %parallel_loop3A_580 = arith.addf %parallel_loop3A_530, %parallel_loop3A_579 : vector<16xf32>
          %parallel_loop3A_581 = arith.addi %parallel_loop3A_237, %parallel_loop3A_574 : i32
          %parallel_loop3A_582 = arith.index_cast %parallel_loop3A_581 : i32 to index
          %parallel_loop3A_583 = arith.constant 16 : index
          %parallel_loop3A_584 = tpu.vector_load %arg8[%parallel_loop3A_582, %parallel_loop3A_583] {strides = array<i32>} : memref<416x128xf32, #tpu.memory_space<vmem>>, vector<1x16xf32>,
          %parallel_loop3A_585 = vector.shape_cast %parallel_loop3A_584 : vector<1x16xf32> to vector<16xf32>
          %parallel_loop3A_586 = arith.addf %parallel_loop3A_536, %parallel_loop3A_585 : vector<16xf32>
          %parallel_loop3A_587 = arith.addi %parallel_loop3A_237, %parallel_loop3A_574 : i32
          %parallel_loop3A_588 = arith.index_cast %parallel_loop3A_587 : i32 to index
          %parallel_loop3A_589 = arith.constant 32 : index
          %parallel_loop3A_590 = tpu.vector_load %arg8[%parallel_loop3A_588, %parallel_loop3A_589] {strides = array<i32>} : memref<416x128xf32, #tpu.memory_space<vmem>>, vector<1x16xf32>,
          %parallel_loop3A_591 = vector.shape_cast %parallel_loop3A_590 : vector<1x16xf32> to vector<16xf32>
          %parallel_loop3A_592 = arith.addf %parallel_loop3A_542, %parallel_loop3A_591 : vector<16xf32>
          %parallel_loop3A_593 = arith.addi %parallel_loop3A_237, %parallel_loop3A_574 : i32
          %parallel_loop3A_594 = arith.index_cast %parallel_loop3A_593 : i32 to index
          %parallel_loop3A_595 = arith.constant 48 : index
          %parallel_loop3A_596 = tpu.vector_load %arg8[%parallel_loop3A_594, %parallel_loop3A_595] {strides = array<i32>} : memref<416x128xf32, #tpu.memory_space<vmem>>, vector<1x16xf32>,
          %parallel_loop3A_597 = vector.shape_cast %parallel_loop3A_596 : vector<1x16xf32> to vector<16xf32>
          %parallel_loop3A_598 = arith.addf %parallel_loop3A_548, %parallel_loop3A_597 : vector<16xf32>
          %parallel_loop3A_599 = arith.addi %parallel_loop3A_237, %parallel_loop3A_574 : i32
          %parallel_loop3A_600 = arith.index_cast %parallel_loop3A_599 : i32 to index
          %parallel_loop3A_601 = arith.constant 64 : index
          %parallel_loop3A_602 = tpu.vector_load %arg8[%parallel_loop3A_600, %parallel_loop3A_601] {strides = array<i32>} : memref<416x128xf32, #tpu.memory_space<vmem>>, vector<1x16xf32>,
          %parallel_loop3A_603 = vector.shape_cast %parallel_loop3A_602 : vector<1x16xf32> to vector<16xf32>
          %parallel_loop3A_604 = arith.addf %parallel_loop3A_554, %parallel_loop3A_603 : vector<16xf32>
          %parallel_loop3A_605 = arith.addi %parallel_loop3A_237, %parallel_loop3A_574 : i32
          %parallel_loop3A_606 = arith.index_cast %parallel_loop3A_605 : i32 to index
          %parallel_loop3A_607 = arith.constant 80 : index
          %parallel_loop3A_608 = tpu.vector_load %arg8[%parallel_loop3A_606, %parallel_loop3A_607] {strides = array<i32>} : memref<416x128xf32, #tpu.memory_space<vmem>>, vector<1x16xf32>,
          %parallel_loop3A_609 = vector.shape_cast %parallel_loop3A_608 : vector<1x16xf32> to vector<16xf32>
          %parallel_loop3A_610 = arith.addf %parallel_loop3A_560, %parallel_loop3A_609 : vector<16xf32>
          %parallel_loop3A_611 = arith.addi %parallel_loop3A_237, %parallel_loop3A_574 : i32
          %parallel_loop3A_612 = arith.index_cast %parallel_loop3A_611 : i32 to index
          %parallel_loop3A_613 = arith.constant 96 : index
          %parallel_loop3A_614 = tpu.vector_load %arg8[%parallel_loop3A_612, %parallel_loop3A_613] {strides = array<i32>} : memref<416x128xf32, #tpu.memory_space<vmem>>, vector<1x16xf32>,
          %parallel_loop3A_615 = vector.shape_cast %parallel_loop3A_614 : vector<1x16xf32> to vector<16xf32>
          %parallel_loop3A_616 = arith.addf %parallel_loop3A_566, %parallel_loop3A_615 : vector<16xf32>
          %parallel_loop3A_617 = arith.addi %parallel_loop3A_237, %parallel_loop3A_574 : i32
          %parallel_loop3A_618 = arith.index_cast %parallel_loop3A_617 : i32 to index
          %parallel_loop3A_619 = arith.constant 112 : index
          %parallel_loop3A_620 = tpu.vector_load %arg8[%parallel_loop3A_618, %parallel_loop3A_619] {strides = array<i32>} : memref<416x128xf32, #tpu.memory_space<vmem>>, vector<1x16xf32>,
          %parallel_loop3A_621 = vector.shape_cast %parallel_loop3A_620 : vector<1x16xf32> to vector<16xf32>
          %parallel_loop3A_622 = arith.addf %parallel_loop3A_572, %parallel_loop3A_621 : vector<16xf32>
          %parallel_loop3A_623 = arith.constant 6 : i32
          %parallel_loop3A_624 = arith.addi %scan3A_316, %parallel_loop3A_623 : i32
          %parallel_loop3A_625 = arith.addi %parallel_loop3A_237, %parallel_loop3A_624 : i32
          %parallel_loop3A_626 = arith.index_cast %parallel_loop3A_625 : i32 to index
          %parallel_loop3A_627 = arith.constant 0 : index
          %parallel_loop3A_628 = tpu.vector_load %arg8[%parallel_loop3A_626, %parallel_loop3A_627] {strides = array<i32>} : memref<416x128xf32, #tpu.memory_space<vmem>>, vector<1x16xf32>,
          %parallel_loop3A_629 = vector.shape_cast %parallel_loop3A_628 : vector<1x16xf32> to vector<16xf32>
          %parallel_loop3A_630 = arith.addf %parallel_loop3A_580, %parallel_loop3A_629 : vector<16xf32>
          %parallel_loop3A_631 = arith.addi %parallel_loop3A_237, %parallel_loop3A_624 : i32
          %parallel_loop3A_632 = arith.index_cast %parallel_loop3A_631 : i32 to index
          %parallel_loop3A_633 = arith.constant 16 : index
          %parallel_loop3A_634 = tpu.vector_load %arg8[%parallel_loop3A_632, %parallel_loop3A_633] {strides = array<i32>} : memref<416x128xf32, #tpu.memory_space<vmem>>, vector<1x16xf32>,
          %parallel_loop3A_635 = vector.shape_cast %parallel_loop3A_634 : vector<1x16xf32> to vector<16xf32>
          %parallel_loop3A_636 = arith.addf %parallel_loop3A_586, %parallel_loop3A_635 : vector<16xf32>
          %parallel_loop3A_637 = arith.addi %parallel_loop3A_237, %parallel_loop3A_624 : i32
          %parallel_loop3A_638 = arith.index_cast %parallel_loop3A_637 : i32 to index
          %parallel_loop3A_639 = arith.constant 32 : index
          %parallel_loop3A_640 = tpu.vector_load %arg8[%parallel_loop3A_638, %parallel_loop3A_639] {strides = array<i32>} : memref<416x128xf32, #tpu.memory_space<vmem>>, vector<1x16xf32>,
          %parallel_loop3A_641 = vector.shape_cast %parallel_loop3A_640 : vector<1x16xf32> to vector<16xf32>
          %parallel_loop3A_642 = arith.addf %parallel_loop3A_592, %parallel_loop3A_641 : vector<16xf32>
          %parallel_loop3A_643 = arith.addi %parallel_loop3A_237, %parallel_loop3A_624 : i32
          %parallel_loop3A_644 = arith.index_cast %parallel_loop3A_643 : i32 to index
          %parallel_loop3A_645 = arith.constant 48 : index
          %parallel_loop3A_646 = tpu.vector_load %arg8[%parallel_loop3A_644, %parallel_loop3A_645] {strides = array<i32>} : memref<416x128xf32, #tpu.memory_space<vmem>>, vector<1x16xf32>,
          %parallel_loop3A_647 = vector.shape_cast %parallel_loop3A_646 : vector<1x16xf32> to vector<16xf32>
          %parallel_loop3A_648 = arith.addf %parallel_loop3A_598, %parallel_loop3A_647 : vector<16xf32>
          %parallel_loop3A_649 = arith.addi %parallel_loop3A_237, %parallel_loop3A_624 : i32
          %parallel_loop3A_650 = arith.index_cast %parallel_loop3A_649 : i32 to index
          %parallel_loop3A_651 = arith.constant 64 : index
          %parallel_loop3A_652 = tpu.vector_load %arg8[%parallel_loop3A_650, %parallel_loop3A_651] {strides = array<i32>} : memref<416x128xf32, #tpu.memory_space<vmem>>, vector<1x16xf32>,
          %parallel_loop3A_653 = vector.shape_cast %parallel_loop3A_652 : vector<1x16xf32> to vector<16xf32>
          %parallel_loop3A_654 = arith.addf %parallel_loop3A_604, %parallel_loop3A_653 : vector<16xf32>
          %parallel_loop3A_655 = arith.addi %parallel_loop3A_237, %parallel_loop3A_624 : i32
          %parallel_loop3A_656 = arith.index_cast %parallel_loop3A_655 : i32 to index
          %parallel_loop3A_657 = arith.constant 80 : index
          %parallel_loop3A_658 = tpu.vector_load %arg8[%parallel_loop3A_656, %parallel_loop3A_657] {strides = array<i32>} : memref<416x128xf32, #tpu.memory_space<vmem>>, vector<1x16xf32>,
          %parallel_loop3A_659 = vector.shape_cast %parallel_loop3A_658 : vector<1x16xf32> to vector<16xf32>
          %parallel_loop3A_660 = arith.addf %parallel_loop3A_610, %parallel_loop3A_659 : vector<16xf32>
          %parallel_loop3A_661 = arith.addi %parallel_loop3A_237, %parallel_loop3A_624 : i32
          %parallel_loop3A_662 = arith.index_cast %parallel_loop3A_661 : i32 to index
          %parallel_loop3A_663 = arith.constant 96 : index
          %parallel_loop3A_664 = tpu.vector_load %arg8[%parallel_loop3A_662, %parallel_loop3A_663] {strides = array<i32>} : memref<416x128xf32, #tpu.memory_space<vmem>>, vector<1x16xf32>,
          %parallel_loop3A_665 = vector.shape_cast %parallel_loop3A_664 : vector<1x16xf32> to vector<16xf32>
          %parallel_loop3A_666 = arith.addf %parallel_loop3A_616, %parallel_loop3A_665 : vector<16xf32>
          %parallel_loop3A_667 = arith.addi %parallel_loop3A_237, %parallel_loop3A_624 : i32
          %parallel_loop3A_668 = arith.index_cast %parallel_loop3A_667 : i32 to index
          %parallel_loop3A_669 = arith.constant 112 : index
          %parallel_loop3A_670 = tpu.vector_load %arg8[%parallel_loop3A_668, %parallel_loop3A_669] {strides = array<i32>} : memref<416x128xf32, #tpu.memory_space<vmem>>, vector<1x16xf32>,
          %parallel_loop3A_671 = vector.shape_cast %parallel_loop3A_670 : vector<1x16xf32> to vector<16xf32>
          %parallel_loop3A_672 = arith.addf %parallel_loop3A_622, %parallel_loop3A_671 : vector<16xf32>
          %parallel_loop3A_673 = arith.constant 7 : i32
          %parallel_loop3A_674 = arith.addi %scan3A_316, %parallel_loop3A_673 : i32
          %parallel_loop3A_675 = arith.addi %parallel_loop3A_237, %parallel_loop3A_674 : i32
          %parallel_loop3A_676 = arith.index_cast %parallel_loop3A_675 : i32 to index
          %parallel_loop3A_677 = arith.constant 0 : index
          %parallel_loop3A_678 = tpu.vector_load %arg8[%parallel_loop3A_676, %parallel_loop3A_677] {strides = array<i32>} : memref<416x128xf32, #tpu.memory_space<vmem>>, vector<1x16xf32>,
          %parallel_loop3A_679 = vector.shape_cast %parallel_loop3A_678 : vector<1x16xf32> to vector<16xf32>
          %parallel_loop3A_680 = arith.addf %parallel_loop3A_630, %parallel_loop3A_679 : vector<16xf32>
          %parallel_loop3A_681 = arith.addi %parallel_loop3A_237, %parallel_loop3A_674 : i32
          %parallel_loop3A_682 = arith.index_cast %parallel_loop3A_681 : i32 to index
          %parallel_loop3A_683 = arith.constant 16 : index
          %parallel_loop3A_684 = tpu.vector_load %arg8[%parallel_loop3A_682, %parallel_loop3A_683] {strides = array<i32>} : memref<416x128xf32, #tpu.memory_space<vmem>>, vector<1x16xf32>,
          %parallel_loop3A_685 = vector.shape_cast %parallel_loop3A_684 : vector<1x16xf32> to vector<16xf32>
          %parallel_loop3A_686 = arith.addf %parallel_loop3A_636, %parallel_loop3A_685 : vector<16xf32>
          %parallel_loop3A_687 = arith.addi %parallel_loop3A_237, %parallel_loop3A_674 : i32
          %parallel_loop3A_688 = arith.index_cast %parallel_loop3A_687 : i32 to index
          %parallel_loop3A_689 = arith.constant 32 : index
          %parallel_loop3A_690 = tpu.vector_load %arg8[%parallel_loop3A_688, %parallel_loop3A_689] {strides = array<i32>} : memref<416x128xf32, #tpu.memory_space<vmem>>, vector<1x16xf32>,
          %parallel_loop3A_691 = vector.shape_cast %parallel_loop3A_690 : vector<1x16xf32> to vector<16xf32>
          %parallel_loop3A_692 = arith.addf %parallel_loop3A_642, %parallel_loop3A_691 : vector<16xf32>
          %parallel_loop3A_693 = arith.addi %parallel_loop3A_237, %parallel_loop3A_674 : i32
          %parallel_loop3A_694 = arith.index_cast %parallel_loop3A_693 : i32 to index
          %parallel_loop3A_695 = arith.constant 48 : index
          %parallel_loop3A_696 = tpu.vector_load %arg8[%parallel_loop3A_694, %parallel_loop3A_695] {strides = array<i32>} : memref<416x128xf32, #tpu.memory_space<vmem>>, vector<1x16xf32>,
          %parallel_loop3A_697 = vector.shape_cast %parallel_loop3A_696 : vector<1x16xf32> to vector<16xf32>
          %parallel_loop3A_698 = arith.addf %parallel_loop3A_648, %parallel_loop3A_697 : vector<16xf32>
          %parallel_loop3A_699 = arith.addi %parallel_loop3A_237, %parallel_loop3A_674 : i32
          %parallel_loop3A_700 = arith.index_cast %parallel_loop3A_699 : i32 to index
          %parallel_loop3A_701 = arith.constant 64 : index
          %parallel_loop3A_702 = tpu.vector_load %arg8[%parallel_loop3A_700, %parallel_loop3A_701] {strides = array<i32>} : memref<416x128xf32, #tpu.memory_space<vmem>>, vector<1x16xf32>,
          %parallel_loop3A_703 = vector.shape_cast %parallel_loop3A_702 : vector<1x16xf32> to vector<16xf32>
          %parallel_loop3A_704 = arith.addf %parallel_loop3A_654, %parallel_loop3A_703 : vector<16xf32>
          %parallel_loop3A_705 = arith.addi %parallel_loop3A_237, %parallel_loop3A_674 : i32
          %parallel_loop3A_706 = arith.index_cast %parallel_loop3A_705 : i32 to index
          %parallel_loop3A_707 = arith.constant 80 : index
          %parallel_loop3A_708 = tpu.vector_load %arg8[%parallel_loop3A_706, %parallel_loop3A_707] {strides = array<i32>} : memref<416x128xf32, #tpu.memory_space<vmem>>, vector<1x16xf32>,
          %parallel_loop3A_709 = vector.shape_cast %parallel_loop3A_708 : vector<1x16xf32> to vector<16xf32>
          %parallel_loop3A_710 = arith.addf %parallel_loop3A_660, %parallel_loop3A_709 : vector<16xf32>
          %parallel_loop3A_711 = arith.addi %parallel_loop3A_237, %parallel_loop3A_674 : i32
          %parallel_loop3A_712 = arith.index_cast %parallel_loop3A_711 : i32 to index
          %parallel_loop3A_713 = arith.constant 96 : index
          %parallel_loop3A_714 = tpu.vector_load %arg8[%parallel_loop3A_712, %parallel_loop3A_713] {strides = array<i32>} : memref<416x128xf32, #tpu.memory_space<vmem>>, vector<1x16xf32>,
          %parallel_loop3A_715 = vector.shape_cast %parallel_loop3A_714 : vector<1x16xf32> to vector<16xf32>
          %parallel_loop3A_716 = arith.addf %parallel_loop3A_666, %parallel_loop3A_715 : vector<16xf32>
          %parallel_loop3A_717 = arith.addi %parallel_loop3A_237, %parallel_loop3A_674 : i32
          %parallel_loop3A_718 = arith.index_cast %parallel_loop3A_717 : i32 to index
          %parallel_loop3A_719 = arith.constant 112 : index
          %parallel_loop3A_720 = tpu.vector_load %arg8[%parallel_loop3A_718, %parallel_loop3A_719] {strides = array<i32>} : memref<416x128xf32, #tpu.memory_space<vmem>>, vector<1x16xf32>,
          %parallel_loop3A_721 = vector.shape_cast %parallel_loop3A_720 : vector<1x16xf32> to vector<16xf32>
          %parallel_loop3A_722 = arith.addf %parallel_loop3A_672, %parallel_loop3A_721 : vector<16xf32>
          scf.yield %parallel_loop3A_680, %parallel_loop3A_686, %parallel_loop3A_692, %parallel_loop3A_698, %parallel_loop3A_704, %parallel_loop3A_710, %parallel_loop3A_716, %parallel_loop3A_722 : vector<16xf32>, vector<16xf32>, vector<16xf32>, vector<16xf32>, vector<16xf32>, vector<16xf32>, vector<16xf32>, vector<16xf32>
        }
        %parallel_loop3A_275 = arith.constant 24 : i32
        %parallel_loop3A_276 = arith.index_cast %parallel_loop3A_235 : i32 to index
        %parallel_loop3A_277 = arith.constant 0 : index
        %parallel_loop3A_278 = tpu.vector_load %arg10[%parallel_loop3A_276, %parallel_loop3A_277] {strides = array<i32>} : memref<16x128xf32, #tpu.memory_space<vmem>>, vector<1x16xf32>,
        %parallel_loop3A_279 = vector.shape_cast %parallel_loop3A_278 : vector<1x16xf32> to vector<16xf32>
        %parallel_loop3A_280 = vector.shape_cast %parallel_loop3A_274#0 : vector<16xf32> to vector<1x16xf32>
        tpu.vector_store %arg10[%parallel_loop3A_276, %parallel_loop3A_277], %parallel_loop3A_280 {strides = array<i32>} : memref<16x128xf32, #tpu.memory_space<vmem>>, vector<1x16xf32>,
        %parallel_loop3A_281 = arith.index_cast %parallel_loop3A_235 : i32 to index
        %parallel_loop3A_282 = arith.constant 16 : index
        %parallel_loop3A_283 = tpu.vector_load %arg10[%parallel_loop3A_281, %parallel_loop3A_282] {strides = array<i32>} : memref<16x128xf32, #tpu.memory_space<vmem>>, vector<1x16xf32>,
        %parallel_loop3A_284 = vector.shape_cast %parallel_loop3A_283 : vector<1x16xf32> to vector<16xf32>
        %parallel_loop3A_285 = vector.shape_cast %parallel_loop3A_274#1 : vector<16xf32> to vector<1x16xf32>
        tpu.vector_store %arg10[%parallel_loop3A_281, %parallel_loop3A_282], %parallel_loop3A_285 {strides = array<i32>} : memref<16x128xf32, #tpu.memory_space<vmem>>, vector<1x16xf32>,
        %parallel_loop3A_286 = arith.index_cast %parallel_loop3A_235 : i32 to index
        %parallel_loop3A_287 = arith.constant 32 : index
        %parallel_loop3A_288 = tpu.vector_load %arg10[%parallel_loop3A_286, %parallel_loop3A_287] {strides = array<i32>} : memref<16x128xf32, #tpu.memory_space<vmem>>, vector<1x16xf32>,
        %parallel_loop3A_289 = vector.shape_cast %parallel_loop3A_288 : vector<1x16xf32> to vector<16xf32>
        %parallel_loop3A_290 = vector.shape_cast %parallel_loop3A_274#2 : vector<16xf32> to vector<1x16xf32>
        tpu.vector_store %arg10[%parallel_loop3A_286, %parallel_loop3A_287], %parallel_loop3A_290 {strides = array<i32>} : memref<16x128xf32, #tpu.memory_space<vmem>>, vector<1x16xf32>,
        %parallel_loop3A_291 = arith.index_cast %parallel_loop3A_235 : i32 to index
        %parallel_loop3A_292 = arith.constant 48 : index
        %parallel_loop3A_293 = tpu.vector_load %arg10[%parallel_loop3A_291, %parallel_loop3A_292] {strides = array<i32>} : memref<16x128xf32, #tpu.memory_space<vmem>>, vector<1x16xf32>,
        %parallel_loop3A_294 = vector.shape_cast %parallel_loop3A_293 : vector<1x16xf32> to vector<16xf32>
        %parallel_loop3A_295 = vector.shape_cast %parallel_loop3A_274#3 : vector<16xf32> to vector<1x16xf32>
        tpu.vector_store %arg10[%parallel_loop3A_291, %parallel_loop3A_292], %parallel_loop3A_295 {strides = array<i32>} : memref<16x128xf32, #tpu.memory_space<vmem>>, vector<1x16xf32>,
        %parallel_loop3A_296 = arith.index_cast %parallel_loop3A_235 : i32 to index
        %parallel_loop3A_297 = arith.constant 64 : index
        %parallel_loop3A_298 = tpu.vector_load %arg10[%parallel_loop3A_296, %parallel_loop3A_297] {strides = array<i32>} : memref<16x128xf32, #tpu.memory_space<vmem>>, vector<1x16xf32>,
        %parallel_loop3A_299 = vector.shape_cast %parallel_loop3A_298 : vector<1x16xf32> to vector<16xf32>
        %parallel_loop3A_300 = vector.shape_cast %parallel_loop3A_274#4 : vector<16xf32> to vector<1x16xf32>
        tpu.vector_store %arg10[%parallel_loop3A_296, %parallel_loop3A_297], %parallel_loop3A_300 {strides = array<i32>} : memref<16x128xf32, #tpu.memory_space<vmem>>, vector<1x16xf32>,
        %parallel_loop3A_301 = arith.index_cast %parallel_loop3A_235 : i32 to index
        %parallel_loop3A_302 = arith.constant 80 : index
        %parallel_loop3A_303 = tpu.vector_load %arg10[%parallel_loop3A_301, %parallel_loop3A_302] {strides = array<i32>} : memref<16x128xf32, #tpu.memory_space<vmem>>, vector<1x16xf32>,
        %parallel_loop3A_304 = vector.shape_cast %parallel_loop3A_303 : vector<1x16xf32> to vector<16xf32>
        %parallel_loop3A_305 = vector.shape_cast %parallel_loop3A_274#5 : vector<16xf32> to vector<1x16xf32>
        tpu.vector_store %arg10[%parallel_loop3A_301, %parallel_loop3A_302], %parallel_loop3A_305 {strides = array<i32>} : memref<16x128xf32, #tpu.memory_space<vmem>>, vector<1x16xf32>,
        %parallel_loop3A_306 = arith.index_cast %parallel_loop3A_235 : i32 to index
        %parallel_loop3A_307 = arith.constant 96 : index
        %parallel_loop3A_308 = tpu.vector_load %arg10[%parallel_loop3A_306, %parallel_loop3A_307] {strides = array<i32>} : memref<16x128xf32, #tpu.memory_space<vmem>>, vector<1x16xf32>,
        %parallel_loop3A_309 = vector.shape_cast %parallel_loop3A_308 : vector<1x16xf32> to vector<16xf32>
        %parallel_loop3A_310 = vector.shape_cast %parallel_loop3A_274#6 : vector<16xf32> to vector<1x16xf32>
        tpu.vector_store %arg10[%parallel_loop3A_306, %parallel_loop3A_307], %parallel_loop3A_310 {strides = array<i32>} : memref<16x128xf32, #tpu.memory_space<vmem>>, vector<1x16xf32>,
        %parallel_loop3A_311 = arith.index_cast %parallel_loop3A_235 : i32 to index
        %parallel_loop3A_312 = arith.constant 112 : index
        %parallel_loop3A_313 = tpu.vector_load %arg10[%parallel_loop3A_311, %parallel_loop3A_312] {strides = array<i32>} : memref<16x128xf32, #tpu.memory_space<vmem>>, vector<1x16xf32>,
        %parallel_loop3A_314 = vector.shape_cast %parallel_loop3A_313 : vector<1x16xf32> to vector<16xf32>
        %parallel_loop3A_315 = vector.shape_cast %parallel_loop3A_274#7 : vector<16xf32> to vector<1x16xf32>
        tpu.vector_store %arg10[%parallel_loop3A_311, %parallel_loop3A_312], %parallel_loop3A_315 {strides = array<i32>} : memref<16x128xf32, #tpu.memory_space<vmem>>, vector<1x16xf32>,
      } {sc.loop_unroll_factor = 2 : i64, sc.parallel_access}
      %mul3A_132 = arith.constant 32 : i32
      %mul3A_133 = arith.muli %add3A, %mul3A_132 : i32
      %add3A_134 = arith.addi %mul3A_133, %add3A_73 : i32
      %mul3A_135 = arith.constant 16 : i32
      %mul3A_136 = arith.muli %add3A_134, %mul3A_135 : i32
      %dma_start3A_137 = arith.constant 400 : i32
      %dma_start3A_138 = arith.constant 0 : i32
      %dma_start3A_139 = tpu.memref_slice %arg8[%dma_start3A_137, %dma_start3A_138] : memref<416x128xf32, #tpu.memory_space<vmem>> -> memref<16x128xf32, #tpu.memory_space<vmem>>
      %dma_start3A_140 = arith.constant 0 : i32
      %dma_start3A_141 = tpu.memref_slice %arg4[%mul3A_136, %dma_start3A_140] : memref<16384x128xf32, #tpu.memory_space<hbm>> -> memref<16x128xf32, #tpu.memory_space<hbm>>
      %dma_start3A_142 = arith.constant 0 : i32
      %dma_start3A_143 = tpu.memref_slice %arg4[%mul3A_136, %dma_start3A_142] : memref<16384x128xf32, #tpu.memory_space<hbm>> -> memref<16x128xf32, #tpu.memory_space<hbm>>
      %dma_start3A_144 = arith.constant 400 : i32
      %dma_start3A_145 = arith.constant 0 : i32
      %dma_start3A_146 = tpu.memref_slice %arg8[%dma_start3A_144, %dma_start3A_145] : memref<416x128xf32, #tpu.memory_space<vmem>> -> memref<16x128xf32, #tpu.memory_space<vmem>>
      tpu.enqueue_dma source(%dma_start3A_146 : memref<16x128xf32, #tpu.memory_space<vmem>>) target(%dma_start3A_143 : memref<16x128xf32, #tpu.memory_space<hbm>>) target_semaphore(%arg14 : memref<!tpu.dma_semaphore, #tpu.memory_space<semaphore_mem>>)
      %dma_start3A_147 = arith.constant 0 : i32
      %dma_start3A_148 = tpu.memref_slice %arg5[%mul3A_136, %dma_start3A_147] : memref<16384x128xf32, #tpu.memory_space<hbm>> -> memref<16x128xf32, #tpu.memory_space<hbm>>
      %dma_start3A_149 = arith.constant 0 : i32
      %dma_start3A_150 = tpu.memref_slice %arg5[%mul3A_136, %dma_start3A_149] : memref<16384x128xf32, #tpu.memory_space<hbm>> -> memref<16x128xf32, #tpu.memory_space<hbm>>
      tpu.enqueue_dma source(%arg10 : memref<16x128xf32, #tpu.memory_space<vmem>>) target(%dma_start3A_150 : memref<16x128xf32, #tpu.memory_space<hbm>>) target_semaphore(%arg14 : memref<!tpu.dma_semaphore, #tpu.memory_space<semaphore_mem>>)
      %add3A_151 = arith.constant 1 : i32
      %add3A_152 = arith.addi %add3A_71, %add3A_151 : i32
      %gt3A_153 = arith.constant 0 : i32
      %gt3A_154 = arith.cmpi sgt, %add3A_152, %gt3A_153 : i32
      %convert_element_type3A_155 = arith.extui %gt3A_154 : i1 to i32
      %cond3A_156 = arith.constant 0 : i32
      %cond3A_157 = arith.cmpi ne, %convert_element_type3A_155, %cond3A_156 : i32
      scf.if %cond3A_157 {
        %dma_wait3A_235 = arith.constant 0 : i32
        %dma_wait3A_236 = arith.constant 0 : i32
        %dma_wait3A_237 = tpu.memref_slice %arg3[%dma_wait3A_235, %dma_wait3A_236] : memref<100000x128xf32, #tpu.memory_space<hbm>> -> memref<16x128xf32, #tpu.memory_space<hbm>>
        %dma_wait3A_238 = arith.constant 0 : i32
        %dma_wait3A_239 = arith.constant 0 : i32
        %dma_wait3A_240 = tpu.memref_slice %arg3[%dma_wait3A_238, %dma_wait3A_239] : memref<100000x128xf32, #tpu.memory_space<hbm>> -> memref<16x128xf32, #tpu.memory_space<hbm>>
        tpu.wait_dma2 semaphore(%arg14 : memref<!tpu.dma_semaphore, #tpu.memory_space<semaphore_mem>>) src(%dma_wait3A_240 : memref<16x128xf32, #tpu.memory_space<hbm>>) dst(%arg10 : memref<16x128xf32, #tpu.memory_space<vmem>>)
        %dma_wait3A_241 = arith.constant 400 : i32
        %dma_wait3A_242 = arith.constant 0 : i32
        %dma_wait3A_243 = tpu.memref_slice %arg8[%dma_wait3A_241, %dma_wait3A_242] : memref<416x128xf32, #tpu.memory_space<vmem>> -> memref<16x128xf32, #tpu.memory_space<vmem>>
        %dma_wait3A_244 = arith.constant 0 : i32
        %dma_wait3A_245 = arith.constant 0 : i32
        %dma_wait3A_246 = tpu.memref_slice %arg3[%dma_wait3A_244, %dma_wait3A_245] : memref<100000x128xf32, #tpu.memory_space<hbm>> -> memref<16x128xf32, #tpu.memory_space<hbm>>
        %dma_wait3A_247 = arith.constant 400 : i32
        %dma_wait3A_248 = arith.constant 0 : i32
        %dma_wait3A_249 = tpu.memref_slice %arg8[%dma_wait3A_247, %dma_wait3A_248] : memref<416x128xf32, #tpu.memory_space<vmem>> -> memref<16x128xf32, #tpu.memory_space<vmem>>
        %dma_wait3A_250 = arith.constant 0 : i32
        %dma_wait3A_251 = arith.constant 0 : i32
        %dma_wait3A_252 = tpu.memref_slice %arg3[%dma_wait3A_250, %dma_wait3A_251] : memref<100000x128xf32, #tpu.memory_space<hbm>> -> memref<16x128xf32, #tpu.memory_space<hbm>>
        tpu.wait_dma2 semaphore(%arg14 : memref<!tpu.dma_semaphore, #tpu.memory_space<semaphore_mem>>) src(%dma_wait3A_252 : memref<16x128xf32, #tpu.memory_space<hbm>>) dst(%dma_wait3A_249 : memref<16x128xf32, #tpu.memory_space<vmem>>)
      } else {
      }
      %add3A_158 = arith.constant 1 : i32
      %add3A_159 = arith.addi %add3A_152, %add3A_158 : i32
      %lt3A_160 = arith.constant 32 : i32
      %lt3A_161 = arith.cmpi slt, %add3A_159, %lt3A_160 : i32
      %convert_element_type3A_162 = arith.extui %lt3A_161 : i1 to i32
      %cond3A_163 = arith.constant 0 : i32
      %cond3A_164 = arith.cmpi ne, %convert_element_type3A_162, %cond3A_163 : i32
      scf.if %cond3A_164 {
        %add3A_235 = arith.constant 1 : i32
        %add3A_236 = arith.addi %add3A_152, %add3A_235 : i32
        %mul3A_237 = arith.constant 32 : i32
        %mul3A_238 = arith.muli %add3A, %mul3A_237 : i32
        %add3A_239 = arith.addi %mul3A_238, %add3A_236 : i32
        %mul3A_240 = arith.constant 4 : i32
        %mul3A_241 = arith.muli %add3A_239, %mul3A_240 : i32
        "tpu.region"() ({
          %run_scoped3A = tpu.sem_alloc : memref<!tpu.dma_semaphore, #tpu.memory_space<semaphore_mem>>
          %dma_start3A_282 = arith.constant 0 : i32
          %dma_start3A_283 = tpu.memref_slice %arg2[%mul3A_241, %dma_start3A_282] : memref<4096x104xi32, #tpu.memory_space<hbm>> -> memref<4x104xi32, #tpu.memory_space<hbm>>
          %dma_start3A_284 = arith.constant 0 : i32
          %dma_start3A_285 = tpu.memref_slice %arg2[%mul3A_241, %dma_start3A_284] : memref<4096x104xi32, #tpu.memory_space<hbm>> -> memref<4x104xi32, #tpu.memory_space<hbm>>
          tpu.enqueue_dma source(%dma_start3A_285 : memref<4x104xi32, #tpu.memory_space<hbm>>) target(%arg6 : memref<4x104xi32, #tpu.memory_space<vmem>>) target_semaphore(%run_scoped3A : memref<!tpu.dma_semaphore, #tpu.memory_space<semaphore_mem>>)
          %dma_wait3A_286 = arith.constant 0 : i32
          %dma_wait3A_287 = tpu.memref_slice %arg2[%mul3A_241, %dma_wait3A_286] : memref<4096x104xi32, #tpu.memory_space<hbm>> -> memref<4x104xi32, #tpu.memory_space<hbm>>
          %dma_wait3A_288 = arith.constant 0 : i32
          %dma_wait3A_289 = tpu.memref_slice %arg2[%mul3A_241, %dma_wait3A_288] : memref<4096x104xi32, #tpu.memory_space<hbm>> -> memref<4x104xi32, #tpu.memory_space<hbm>>
          tpu.wait_dma2 semaphore(%run_scoped3A : memref<!tpu.dma_semaphore, #tpu.memory_space<semaphore_mem>>) src(%dma_wait3A_289 : memref<4x104xi32, #tpu.memory_space<hbm>>) dst(%arg6 : memref<4x104xi32, #tpu.memory_space<vmem>>)
          tpu.yield
        }) : () -> ()
        %dma_start3A_242 = arith.constant 0 : i32
        %dma_start3A_243 = arith.constant 0 : i32
        %dma_start3A_244 = arith.constant 0 : i32
        %dma_start3A_245 = tpu.memref_slice %arg8[%dma_start3A_243, %dma_start3A_244] : memref<416x128xf32, #tpu.memory_space<vmem>> -> memref<104x128xf32, #tpu.memory_space<vmem>>
        %dma_start3A_246 = arith.constant 0 : i32
        %dma_start3A_247 = tpu.memref_slice %arg6[%dma_start3A_242, %dma_start3A_246] : memref<4x104xi32, #tpu.memory_space<vmem>> -> memref<1x104xi32, #tpu.memory_space<vmem>>
        %dma_start3A_248 = tpu.memref_squeeze %dma_start3A_247 : memref<1x104xi32, #tpu.memory_space<vmem>> -> memref<104xi32, #tpu.memory_space<vmem>>
        %dma_start3A_249 = arith.constant 0 : i32
        %dma_start3A_250 = arith.constant 0 : i32
        %dma_start3A_251 = tpu.memref_slice %arg3[%dma_start3A_249, %dma_start3A_250] : memref<100000x128xf32, #tpu.memory_space<hbm>> -> memref<100000x128xf32, #tpu.memory_space<hbm>>
        tpu.enqueue_indirect_dma source(%dma_start3A_251 : memref<100000x128xf32, #tpu.memory_space<hbm>>) target(%dma_start3A_245 : memref<104x128xf32, #tpu.memory_space<vmem>>) offsets(%dma_start3A_248 : memref<104xi32, #tpu.memory_space<vmem>>) semaphore(%arg12 : memref<!tpu.dma_semaphore, #tpu.memory_space<semaphore_mem>>)
        %dma_start3A_252 = arith.constant 1 : i32
        %dma_start3A_253 = arith.constant 104 : i32
        %dma_start3A_254 = arith.constant 0 : i32
        %dma_start3A_255 = tpu.memref_slice %arg8[%dma_start3A_253, %dma_start3A_254] : memref<416x128xf32, #tpu.memory_space<vmem>> -> memref<104x128xf32, #tpu.memory_space<vmem>>
        %dma_start3A_256 = arith.constant 0 : i32
        %dma_start3A_257 = tpu.memref_slice %arg6[%dma_start3A_252, %dma_start3A_256] : memref<4x104xi32, #tpu.memory_space<vmem>> -> memref<1x104xi32, #tpu.memory_space<vmem>>
        %dma_start3A_258 = tpu.memref_squeeze %dma_start3A_257 : memref<1x104xi32, #tpu.memory_space<vmem>> -> memref<104xi32, #tpu.memory_space<vmem>>
        %dma_start3A_259 = arith.constant 0 : i32
        %dma_start3A_260 = arith.constant 0 : i32
        %dma_start3A_261 = tpu.memref_slice %arg3[%dma_start3A_259, %dma_start3A_260] : memref<100000x128xf32, #tpu.memory_space<hbm>> -> memref<100000x128xf32, #tpu.memory_space<hbm>>
        tpu.enqueue_indirect_dma source(%dma_start3A_261 : memref<100000x128xf32, #tpu.memory_space<hbm>>) target(%dma_start3A_255 : memref<104x128xf32, #tpu.memory_space<vmem>>) offsets(%dma_start3A_258 : memref<104xi32, #tpu.memory_space<vmem>>) semaphore(%arg12 : memref<!tpu.dma_semaphore, #tpu.memory_space<semaphore_mem>>)
        %dma_start3A_262 = arith.constant 2 : i32
        %dma_start3A_263 = arith.constant 208 : i32
        %dma_start3A_264 = arith.constant 0 : i32
        %dma_start3A_265 = tpu.memref_slice %arg8[%dma_start3A_263, %dma_start3A_264] : memref<416x128xf32, #tpu.memory_space<vmem>> -> memref<104x128xf32, #tpu.memory_space<vmem>>
        %dma_start3A_266 = arith.constant 0 : i32
        %dma_start3A_267 = tpu.memref_slice %arg6[%dma_start3A_262, %dma_start3A_266] : memref<4x104xi32, #tpu.memory_space<vmem>> -> memref<1x104xi32, #tpu.memory_space<vmem>>
        %dma_start3A_268 = tpu.memref_squeeze %dma_start3A_267 : memref<1x104xi32, #tpu.memory_space<vmem>> -> memref<104xi32, #tpu.memory_space<vmem>>
        %dma_start3A_269 = arith.constant 0 : i32
        %dma_start3A_270 = arith.constant 0 : i32
        %dma_start3A_271 = tpu.memref_slice %arg3[%dma_start3A_269, %dma_start3A_270] : memref<100000x128xf32, #tpu.memory_space<hbm>> -> memref<100000x128xf32, #tpu.memory_space<hbm>>
        tpu.enqueue_indirect_dma source(%dma_start3A_271 : memref<100000x128xf32, #tpu.memory_space<hbm>>) target(%dma_start3A_265 : memref<104x128xf32, #tpu.memory_space<vmem>>) offsets(%dma_start3A_268 : memref<104xi32, #tpu.memory_space<vmem>>) semaphore(%arg12 : memref<!tpu.dma_semaphore, #tpu.memory_space<semaphore_mem>>)
        %dma_start3A_272 = arith.constant 3 : i32
        %dma_start3A_273 = arith.constant 312 : i32
        %dma_start3A_274 = arith.constant 0 : i32
        %dma_start3A_275 = tpu.memref_slice %arg8[%dma_start3A_273, %dma_start3A_274] : memref<416x128xf32, #tpu.memory_space<vmem>> -> memref<104x128xf32, #tpu.memory_space<vmem>>
        %dma_start3A_276 = arith.constant 0 : i32
        %dma_start3A_277 = tpu.memref_slice %arg6[%dma_start3A_272, %dma_start3A_276] : memref<4x104xi32, #tpu.memory_space<vmem>> -> memref<1x104xi32, #tpu.memory_space<vmem>>
        %dma_start3A_278 = tpu.memref_squeeze %dma_start3A_277 : memref<1x104xi32, #tpu.memory_space<vmem>> -> memref<104xi32, #tpu.memory_space<vmem>>
        %dma_start3A_279 = arith.constant 0 : i32
        %dma_start3A_280 = arith.constant 0 : i32
        %dma_start3A_281 = tpu.memref_slice %arg3[%dma_start3A_279, %dma_start3A_280] : memref<100000x128xf32, #tpu.memory_space<hbm>> -> memref<100000x128xf32, #tpu.memory_space<hbm>>
        tpu.enqueue_indirect_dma source(%dma_start3A_281 : memref<100000x128xf32, #tpu.memory_space<hbm>>) target(%dma_start3A_275 : memref<104x128xf32, #tpu.memory_space<vmem>>) offsets(%dma_start3A_278 : memref<104xi32, #tpu.memory_space<vmem>>) semaphore(%arg12 : memref<!tpu.dma_semaphore, #tpu.memory_space<semaphore_mem>>)
      } else {
      }
      %dma_wait3A_165 = arith.constant 0 : i32
      %dma_wait3A_166 = arith.constant 0 : i32
      %dma_wait3A_167 = tpu.memref_slice %arg9[%dma_wait3A_165, %dma_wait3A_166] : memref<416x128xf32, #tpu.memory_space<vmem>> -> memref<104x128xf32, #tpu.memory_space<vmem>>
      %dma_wait3A_168 = arith.constant 0 : i32
      %dma_wait3A_169 = arith.constant 0 : i32
      %dma_wait3A_170 = tpu.memref_slice %arg3[%dma_wait3A_168, %dma_wait3A_169] : memref<100000x128xf32, #tpu.memory_space<hbm>> -> memref<104x128xf32, #tpu.memory_space<hbm>>
      %dma_wait3A_171 = arith.constant 0 : i32
      %dma_wait3A_172 = arith.constant 0 : i32
      %dma_wait3A_173 = tpu.memref_slice %arg9[%dma_wait3A_171, %dma_wait3A_172] : memref<416x128xf32, #tpu.memory_space<vmem>> -> memref<104x128xf32, #tpu.memory_space<vmem>>
      %dma_wait3A_174 = arith.constant 0 : i32
      %dma_wait3A_175 = arith.constant 0 : i32
      %dma_wait3A_176 = tpu.memref_slice %arg3[%dma_wait3A_174, %dma_wait3A_175] : memref<100000x128xf32, #tpu.memory_space<hbm>> -> memref<104x128xf32, #tpu.memory_space<hbm>>
      tpu.wait_dma2 semaphore(%arg13 : memref<!tpu.dma_semaphore, #tpu.memory_space<semaphore_mem>>) src(%dma_wait3A_176 : memref<104x128xf32, #tpu.memory_space<hbm>>) dst(%dma_wait3A_173 : memref<104x128xf32, #tpu.memory_space<vmem>>)
      %dma_wait3A_177 = arith.constant 104 : i32
      %dma_wait3A_178 = arith.constant 0 : i32
      %dma_wait3A_179 = tpu.memref_slice %arg9[%dma_wait3A_177, %dma_wait3A_178] : memref<416x128xf32, #tpu.memory_space<vmem>> -> memref<104x128xf32, #tpu.memory_space<vmem>>
      %dma_wait3A_180 = arith.constant 0 : i32
      %dma_wait3A_181 = arith.constant 0 : i32
      %dma_wait3A_182 = tpu.memref_slice %arg3[%dma_wait3A_180, %dma_wait3A_181] : memref<100000x128xf32, #tpu.memory_space<hbm>> -> memref<104x128xf32, #tpu.memory_space<hbm>>
      %dma_wait3A_183 = arith.constant 104 : i32
      %dma_wait3A_184 = arith.constant 0 : i32
      %dma_wait3A_185 = tpu.memref_slice %arg9[%dma_wait3A_183, %dma_wait3A_184] : memref<416x128xf32, #tpu.memory_space<vmem>> -> memref<104x128xf32, #tpu.memory_space<vmem>>
      %dma_wait3A_186 = arith.constant 0 : i32
      %dma_wait3A_187 = arith.constant 0 : i32
      %dma_wait3A_188 = tpu.memref_slice %arg3[%dma_wait3A_186, %dma_wait3A_187] : memref<100000x128xf32, #tpu.memory_space<hbm>> -> memref<104x128xf32, #tpu.memory_space<hbm>>
      tpu.wait_dma2 semaphore(%arg13 : memref<!tpu.dma_semaphore, #tpu.memory_space<semaphore_mem>>) src(%dma_wait3A_188 : memref<104x128xf32, #tpu.memory_space<hbm>>) dst(%dma_wait3A_185 : memref<104x128xf32, #tpu.memory_space<vmem>>)
      %dma_wait3A_189 = arith.constant 208 : i32
      %dma_wait3A_190 = arith.constant 0 : i32
      %dma_wait3A_191 = tpu.memref_slice %arg9[%dma_wait3A_189, %dma_wait3A_190] : memref<416x128xf32, #tpu.memory_space<vmem>> -> memref<104x128xf32, #tpu.memory_space<vmem>>
      %dma_wait3A_192 = arith.constant 0 : i32
      %dma_wait3A_193 = arith.constant 0 : i32
      %dma_wait3A_194 = tpu.memref_slice %arg3[%dma_wait3A_192, %dma_wait3A_193] : memref<100000x128xf32, #tpu.memory_space<hbm>> -> memref<104x128xf32, #tpu.memory_space<hbm>>
      %dma_wait3A_195 = arith.constant 208 : i32
      %dma_wait3A_196 = arith.constant 0 : i32
      %dma_wait3A_197 = tpu.memref_slice %arg9[%dma_wait3A_195, %dma_wait3A_196] : memref<416x128xf32, #tpu.memory_space<vmem>> -> memref<104x128xf32, #tpu.memory_space<vmem>>
      %dma_wait3A_198 = arith.constant 0 : i32
      %dma_wait3A_199 = arith.constant 0 : i32
      %dma_wait3A_200 = tpu.memref_slice %arg3[%dma_wait3A_198, %dma_wait3A_199] : memref<100000x128xf32, #tpu.memory_space<hbm>> -> memref<104x128xf32, #tpu.memory_space<hbm>>
      tpu.wait_dma2 semaphore(%arg13 : memref<!tpu.dma_semaphore, #tpu.memory_space<semaphore_mem>>) src(%dma_wait3A_200 : memref<104x128xf32, #tpu.memory_space<hbm>>) dst(%dma_wait3A_197 : memref<104x128xf32, #tpu.memory_space<vmem>>)
      %dma_wait3A_201 = arith.constant 312 : i32
      %dma_wait3A_202 = arith.constant 0 : i32
      %dma_wait3A_203 = tpu.memref_slice %arg9[%dma_wait3A_201, %dma_wait3A_202] : memref<416x128xf32, #tpu.memory_space<vmem>> -> memref<104x128xf32, #tpu.memory_space<vmem>>
      %dma_wait3A_204 = arith.constant 0 : i32
      %dma_wait3A_205 = arith.constant 0 : i32
      %dma_wait3A_206 = tpu.memref_slice %arg3[%dma_wait3A_204, %dma_wait3A_205] : memref<100000x128xf32, #tpu.memory_space<hbm>> -> memref<104x128xf32, #tpu.memory_space<hbm>>
      %dma_wait3A_207 = arith.constant 312 : i32
      %dma_wait3A_208 = arith.constant 0 : i32
      %dma_wait3A_209 = tpu.memref_slice %arg9[%dma_wait3A_207, %dma_wait3A_208] : memref<416x128xf32, #tpu.memory_space<vmem>> -> memref<104x128xf32, #tpu.memory_space<vmem>>
      %dma_wait3A_210 = arith.constant 0 : i32
      %dma_wait3A_211 = arith.constant 0 : i32
      %dma_wait3A_212 = tpu.memref_slice %arg3[%dma_wait3A_210, %dma_wait3A_211] : memref<100000x128xf32, #tpu.memory_space<hbm>> -> memref<104x128xf32, #tpu.memory_space<hbm>>
      tpu.wait_dma2 semaphore(%arg13 : memref<!tpu.dma_semaphore, #tpu.memory_space<semaphore_mem>>) src(%dma_wait3A_212 : memref<104x128xf32, #tpu.memory_space<hbm>>) dst(%dma_wait3A_209 : memref<104x128xf32, #tpu.memory_space<vmem>>)
      %parallel_loop3A_213 = arith.constant 0 : i32
      %parallel_loop3A_214 = arith.constant 16 : i32
      %parallel_loop3A_215 = arith.constant 1 : i32
      scf.for %parallel_loop3A_235 = %parallel_loop3A_213 to %parallel_loop3A_214 step %parallel_loop3A_215  : i32 {
        %parallel_loop3A_236 = arith.constant 25 : i32
        %parallel_loop3A_237 = arith.muli %parallel_loop3A_235, %parallel_loop3A_236 : i32
        %parallel_loop3A_238 = arith.index_cast %parallel_loop3A_237 : i32 to index
        %parallel_loop3A_239 = arith.constant 0 : index
        %parallel_loop3A_240 = tpu.vector_load %arg9[%parallel_loop3A_238, %parallel_loop3A_239] {strides = array<i32>} : memref<416x128xf32, #tpu.memory_space<vmem>>, vector<1x16xf32>,
        %parallel_loop3A_241 = vector.shape_cast %parallel_loop3A_240 : vector<1x16xf32> to vector<16xf32>
        %parallel_loop3A_242 = arith.index_cast %parallel_loop3A_237 : i32 to index
        %parallel_loop3A_243 = arith.constant 16 : index
        %parallel_loop3A_244 = tpu.vector_load %arg9[%parallel_loop3A_242, %parallel_loop3A_243] {strides = array<i32>} : memref<416x128xf32, #tpu.memory_space<vmem>>, vector<1x16xf32>,
        %parallel_loop3A_245 = vector.shape_cast %parallel_loop3A_244 : vector<1x16xf32> to vector<16xf32>
        %parallel_loop3A_246 = arith.index_cast %parallel_loop3A_237 : i32 to index
        %parallel_loop3A_247 = arith.constant 32 : index
        %parallel_loop3A_248 = tpu.vector_load %arg9[%parallel_loop3A_246, %parallel_loop3A_247] {strides = array<i32>} : memref<416x128xf32, #tpu.memory_space<vmem>>, vector<1x16xf32>,
        %parallel_loop3A_249 = vector.shape_cast %parallel_loop3A_248 : vector<1x16xf32> to vector<16xf32>
        %parallel_loop3A_250 = arith.index_cast %parallel_loop3A_237 : i32 to index
        %parallel_loop3A_251 = arith.constant 48 : index
        %parallel_loop3A_252 = tpu.vector_load %arg9[%parallel_loop3A_250, %parallel_loop3A_251] {strides = array<i32>} : memref<416x128xf32, #tpu.memory_space<vmem>>, vector<1x16xf32>,
        %parallel_loop3A_253 = vector.shape_cast %parallel_loop3A_252 : vector<1x16xf32> to vector<16xf32>
        %parallel_loop3A_254 = arith.index_cast %parallel_loop3A_237 : i32 to index
        %parallel_loop3A_255 = arith.constant 64 : index
        %parallel_loop3A_256 = tpu.vector_load %arg9[%parallel_loop3A_254, %parallel_loop3A_255] {strides = array<i32>} : memref<416x128xf32, #tpu.memory_space<vmem>>, vector<1x16xf32>,
        %parallel_loop3A_257 = vector.shape_cast %parallel_loop3A_256 : vector<1x16xf32> to vector<16xf32>
        %parallel_loop3A_258 = arith.index_cast %parallel_loop3A_237 : i32 to index
        %parallel_loop3A_259 = arith.constant 80 : index
        %parallel_loop3A_260 = tpu.vector_load %arg9[%parallel_loop3A_258, %parallel_loop3A_259] {strides = array<i32>} : memref<416x128xf32, #tpu.memory_space<vmem>>, vector<1x16xf32>,
        %parallel_loop3A_261 = vector.shape_cast %parallel_loop3A_260 : vector<1x16xf32> to vector<16xf32>
        %parallel_loop3A_262 = arith.index_cast %parallel_loop3A_237 : i32 to index
        %parallel_loop3A_263 = arith.constant 96 : index
        %parallel_loop3A_264 = tpu.vector_load %arg9[%parallel_loop3A_262, %parallel_loop3A_263] {strides = array<i32>} : memref<416x128xf32, #tpu.memory_space<vmem>>, vector<1x16xf32>,
        %parallel_loop3A_265 = vector.shape_cast %parallel_loop3A_264 : vector<1x16xf32> to vector<16xf32>
        %parallel_loop3A_266 = arith.index_cast %parallel_loop3A_237 : i32 to index
        %parallel_loop3A_267 = arith.constant 112 : index
        %parallel_loop3A_268 = tpu.vector_load %arg9[%parallel_loop3A_266, %parallel_loop3A_267] {strides = array<i32>} : memref<416x128xf32, #tpu.memory_space<vmem>>, vector<1x16xf32>,
        %parallel_loop3A_269 = vector.shape_cast %parallel_loop3A_268 : vector<1x16xf32> to vector<16xf32>
        %parallel_loop3A_270 = arith.constant 1 : i32
        %parallel_loop3A_271 = arith.constant 24 : i32
        %parallel_loop3A_272 = arith.addi %parallel_loop3A_270, %parallel_loop3A_271 : i32
        %parallel_loop3A_273 = arith.constant 8 : i32
        %parallel_loop3A_274:8 = scf.for %scan3A_316 = %parallel_loop3A_270 to %parallel_loop3A_272 step %parallel_loop3A_273 iter_args(%scan3A_317 = %parallel_loop3A_241, %scan3A_318 = %parallel_loop3A_245, %scan3A_319 = %parallel_loop3A_249, %scan3A_320 = %parallel_loop3A_253, %scan3A_321 = %parallel_loop3A_257, %scan3A_322 = %parallel_loop3A_261, %scan3A_323 = %parallel_loop3A_265, %scan3A_324 = %parallel_loop3A_269) -> (vector<16xf32>, vector<16xf32>, vector<16xf32>, vector<16xf32>, vector<16xf32>, vector<16xf32>, vector<16xf32>, vector<16xf32>)  : i32 {
          %parallel_loop3A_325 = arith.addi %parallel_loop3A_237, %scan3A_316 : i32
          %parallel_loop3A_326 = arith.index_cast %parallel_loop3A_325 : i32 to index
          %parallel_loop3A_327 = arith.constant 0 : index
          %parallel_loop3A_328 = tpu.vector_load %arg9[%parallel_loop3A_326, %parallel_loop3A_327] {strides = array<i32>} : memref<416x128xf32, #tpu.memory_space<vmem>>, vector<1x16xf32>,
          %parallel_loop3A_329 = vector.shape_cast %parallel_loop3A_328 : vector<1x16xf32> to vector<16xf32>
          %parallel_loop3A_330 = arith.addf %scan3A_317, %parallel_loop3A_329 : vector<16xf32>
          %parallel_loop3A_331 = arith.addi %parallel_loop3A_237, %scan3A_316 : i32
          %parallel_loop3A_332 = arith.index_cast %parallel_loop3A_331 : i32 to index
          %parallel_loop3A_333 = arith.constant 16 : index
          %parallel_loop3A_334 = tpu.vector_load %arg9[%parallel_loop3A_332, %parallel_loop3A_333] {strides = array<i32>} : memref<416x128xf32, #tpu.memory_space<vmem>>, vector<1x16xf32>,
          %parallel_loop3A_335 = vector.shape_cast %parallel_loop3A_334 : vector<1x16xf32> to vector<16xf32>
          %parallel_loop3A_336 = arith.addf %scan3A_318, %parallel_loop3A_335 : vector<16xf32>
          %parallel_loop3A_337 = arith.addi %parallel_loop3A_237, %scan3A_316 : i32
          %parallel_loop3A_338 = arith.index_cast %parallel_loop3A_337 : i32 to index
          %parallel_loop3A_339 = arith.constant 32 : index
          %parallel_loop3A_340 = tpu.vector_load %arg9[%parallel_loop3A_338, %parallel_loop3A_339] {strides = array<i32>} : memref<416x128xf32, #tpu.memory_space<vmem>>, vector<1x16xf32>,
          %parallel_loop3A_341 = vector.shape_cast %parallel_loop3A_340 : vector<1x16xf32> to vector<16xf32>
          %parallel_loop3A_342 = arith.addf %scan3A_319, %parallel_loop3A_341 : vector<16xf32>
          %parallel_loop3A_343 = arith.addi %parallel_loop3A_237, %scan3A_316 : i32
          %parallel_loop3A_344 = arith.index_cast %parallel_loop3A_343 : i32 to index
          %parallel_loop3A_345 = arith.constant 48 : index
          %parallel_loop3A_346 = tpu.vector_load %arg9[%parallel_loop3A_344, %parallel_loop3A_345] {strides = array<i32>} : memref<416x128xf32, #tpu.memory_space<vmem>>, vector<1x16xf32>,
          %parallel_loop3A_347 = vector.shape_cast %parallel_loop3A_346 : vector<1x16xf32> to vector<16xf32>
          %parallel_loop3A_348 = arith.addf %scan3A_320, %parallel_loop3A_347 : vector<16xf32>
          %parallel_loop3A_349 = arith.addi %parallel_loop3A_237, %scan3A_316 : i32
          %parallel_loop3A_350 = arith.index_cast %parallel_loop3A_349 : i32 to index
          %parallel_loop3A_351 = arith.constant 64 : index
          %parallel_loop3A_352 = tpu.vector_load %arg9[%parallel_loop3A_350, %parallel_loop3A_351] {strides = array<i32>} : memref<416x128xf32, #tpu.memory_space<vmem>>, vector<1x16xf32>,
          %parallel_loop3A_353 = vector.shape_cast %parallel_loop3A_352 : vector<1x16xf32> to vector<16xf32>
          %parallel_loop3A_354 = arith.addf %scan3A_321, %parallel_loop3A_353 : vector<16xf32>
          %parallel_loop3A_355 = arith.addi %parallel_loop3A_237, %scan3A_316 : i32
          %parallel_loop3A_356 = arith.index_cast %parallel_loop3A_355 : i32 to index
          %parallel_loop3A_357 = arith.constant 80 : index
          %parallel_loop3A_358 = tpu.vector_load %arg9[%parallel_loop3A_356, %parallel_loop3A_357] {strides = array<i32>} : memref<416x128xf32, #tpu.memory_space<vmem>>, vector<1x16xf32>,
          %parallel_loop3A_359 = vector.shape_cast %parallel_loop3A_358 : vector<1x16xf32> to vector<16xf32>
          %parallel_loop3A_360 = arith.addf %scan3A_322, %parallel_loop3A_359 : vector<16xf32>
          %parallel_loop3A_361 = arith.addi %parallel_loop3A_237, %scan3A_316 : i32
          %parallel_loop3A_362 = arith.index_cast %parallel_loop3A_361 : i32 to index
          %parallel_loop3A_363 = arith.constant 96 : index
          %parallel_loop3A_364 = tpu.vector_load %arg9[%parallel_loop3A_362, %parallel_loop3A_363] {strides = array<i32>} : memref<416x128xf32, #tpu.memory_space<vmem>>, vector<1x16xf32>,
          %parallel_loop3A_365 = vector.shape_cast %parallel_loop3A_364 : vector<1x16xf32> to vector<16xf32>
          %parallel_loop3A_366 = arith.addf %scan3A_323, %parallel_loop3A_365 : vector<16xf32>
          %parallel_loop3A_367 = arith.addi %parallel_loop3A_237, %scan3A_316 : i32
          %parallel_loop3A_368 = arith.index_cast %parallel_loop3A_367 : i32 to index
          %parallel_loop3A_369 = arith.constant 112 : index
          %parallel_loop3A_370 = tpu.vector_load %arg9[%parallel_loop3A_368, %parallel_loop3A_369] {strides = array<i32>} : memref<416x128xf32, #tpu.memory_space<vmem>>, vector<1x16xf32>,
          %parallel_loop3A_371 = vector.shape_cast %parallel_loop3A_370 : vector<1x16xf32> to vector<16xf32>
          %parallel_loop3A_372 = arith.addf %scan3A_324, %parallel_loop3A_371 : vector<16xf32>
          %parallel_loop3A_373 = arith.constant 1 : i32
          %parallel_loop3A_374 = arith.addi %scan3A_316, %parallel_loop3A_373 : i32
          %parallel_loop3A_375 = arith.addi %parallel_loop3A_237, %parallel_loop3A_374 : i32
          %parallel_loop3A_376 = arith.index_cast %parallel_loop3A_375 : i32 to index
          %parallel_loop3A_377 = arith.constant 0 : index
          %parallel_loop3A_378 = tpu.vector_load %arg9[%parallel_loop3A_376, %parallel_loop3A_377] {strides = array<i32>} : memref<416x128xf32, #tpu.memory_space<vmem>>, vector<1x16xf32>,
          %parallel_loop3A_379 = vector.shape_cast %parallel_loop3A_378 : vector<1x16xf32> to vector<16xf32>
          %parallel_loop3A_380 = arith.addf %parallel_loop3A_330, %parallel_loop3A_379 : vector<16xf32>
          %parallel_loop3A_381 = arith.addi %parallel_loop3A_237, %parallel_loop3A_374 : i32
          %parallel_loop3A_382 = arith.index_cast %parallel_loop3A_381 : i32 to index
          %parallel_loop3A_383 = arith.constant 16 : index
          %parallel_loop3A_384 = tpu.vector_load %arg9[%parallel_loop3A_382, %parallel_loop3A_383] {strides = array<i32>} : memref<416x128xf32, #tpu.memory_space<vmem>>, vector<1x16xf32>,
          %parallel_loop3A_385 = vector.shape_cast %parallel_loop3A_384 : vector<1x16xf32> to vector<16xf32>
          %parallel_loop3A_386 = arith.addf %parallel_loop3A_336, %parallel_loop3A_385 : vector<16xf32>
          %parallel_loop3A_387 = arith.addi %parallel_loop3A_237, %parallel_loop3A_374 : i32
          %parallel_loop3A_388 = arith.index_cast %parallel_loop3A_387 : i32 to index
          %parallel_loop3A_389 = arith.constant 32 : index
          %parallel_loop3A_390 = tpu.vector_load %arg9[%parallel_loop3A_388, %parallel_loop3A_389] {strides = array<i32>} : memref<416x128xf32, #tpu.memory_space<vmem>>, vector<1x16xf32>,
          %parallel_loop3A_391 = vector.shape_cast %parallel_loop3A_390 : vector<1x16xf32> to vector<16xf32>
          %parallel_loop3A_392 = arith.addf %parallel_loop3A_342, %parallel_loop3A_391 : vector<16xf32>
          %parallel_loop3A_393 = arith.addi %parallel_loop3A_237, %parallel_loop3A_374 : i32
          %parallel_loop3A_394 = arith.index_cast %parallel_loop3A_393 : i32 to index
          %parallel_loop3A_395 = arith.constant 48 : index
          %parallel_loop3A_396 = tpu.vector_load %arg9[%parallel_loop3A_394, %parallel_loop3A_395] {strides = array<i32>} : memref<416x128xf32, #tpu.memory_space<vmem>>, vector<1x16xf32>,
          %parallel_loop3A_397 = vector.shape_cast %parallel_loop3A_396 : vector<1x16xf32> to vector<16xf32>
          %parallel_loop3A_398 = arith.addf %parallel_loop3A_348, %parallel_loop3A_397 : vector<16xf32>
          %parallel_loop3A_399 = arith.addi %parallel_loop3A_237, %parallel_loop3A_374 : i32
          %parallel_loop3A_400 = arith.index_cast %parallel_loop3A_399 : i32 to index
          %parallel_loop3A_401 = arith.constant 64 : index
          %parallel_loop3A_402 = tpu.vector_load %arg9[%parallel_loop3A_400, %parallel_loop3A_401] {strides = array<i32>} : memref<416x128xf32, #tpu.memory_space<vmem>>, vector<1x16xf32>,
          %parallel_loop3A_403 = vector.shape_cast %parallel_loop3A_402 : vector<1x16xf32> to vector<16xf32>
          %parallel_loop3A_404 = arith.addf %parallel_loop3A_354, %parallel_loop3A_403 : vector<16xf32>
          %parallel_loop3A_405 = arith.addi %parallel_loop3A_237, %parallel_loop3A_374 : i32
          %parallel_loop3A_406 = arith.index_cast %parallel_loop3A_405 : i32 to index
          %parallel_loop3A_407 = arith.constant 80 : index
          %parallel_loop3A_408 = tpu.vector_load %arg9[%parallel_loop3A_406, %parallel_loop3A_407] {strides = array<i32>} : memref<416x128xf32, #tpu.memory_space<vmem>>, vector<1x16xf32>,
          %parallel_loop3A_409 = vector.shape_cast %parallel_loop3A_408 : vector<1x16xf32> to vector<16xf32>
          %parallel_loop3A_410 = arith.addf %parallel_loop3A_360, %parallel_loop3A_409 : vector<16xf32>
          %parallel_loop3A_411 = arith.addi %parallel_loop3A_237, %parallel_loop3A_374 : i32
          %parallel_loop3A_412 = arith.index_cast %parallel_loop3A_411 : i32 to index
          %parallel_loop3A_413 = arith.constant 96 : index
          %parallel_loop3A_414 = tpu.vector_load %arg9[%parallel_loop3A_412, %parallel_loop3A_413] {strides = array<i32>} : memref<416x128xf32, #tpu.memory_space<vmem>>, vector<1x16xf32>,
          %parallel_loop3A_415 = vector.shape_cast %parallel_loop3A_414 : vector<1x16xf32> to vector<16xf32>
          %parallel_loop3A_416 = arith.addf %parallel_loop3A_366, %parallel_loop3A_415 : vector<16xf32>
          %parallel_loop3A_417 = arith.addi %parallel_loop3A_237, %parallel_loop3A_374 : i32
          %parallel_loop3A_418 = arith.index_cast %parallel_loop3A_417 : i32 to index
          %parallel_loop3A_419 = arith.constant 112 : index
          %parallel_loop3A_420 = tpu.vector_load %arg9[%parallel_loop3A_418, %parallel_loop3A_419] {strides = array<i32>} : memref<416x128xf32, #tpu.memory_space<vmem>>, vector<1x16xf32>,
          %parallel_loop3A_421 = vector.shape_cast %parallel_loop3A_420 : vector<1x16xf32> to vector<16xf32>
          %parallel_loop3A_422 = arith.addf %parallel_loop3A_372, %parallel_loop3A_421 : vector<16xf32>
          %parallel_loop3A_423 = arith.constant 2 : i32
          %parallel_loop3A_424 = arith.addi %scan3A_316, %parallel_loop3A_423 : i32
          %parallel_loop3A_425 = arith.addi %parallel_loop3A_237, %parallel_loop3A_424 : i32
          %parallel_loop3A_426 = arith.index_cast %parallel_loop3A_425 : i32 to index
          %parallel_loop3A_427 = arith.constant 0 : index
          %parallel_loop3A_428 = tpu.vector_load %arg9[%parallel_loop3A_426, %parallel_loop3A_427] {strides = array<i32>} : memref<416x128xf32, #tpu.memory_space<vmem>>, vector<1x16xf32>,
          %parallel_loop3A_429 = vector.shape_cast %parallel_loop3A_428 : vector<1x16xf32> to vector<16xf32>
          %parallel_loop3A_430 = arith.addf %parallel_loop3A_380, %parallel_loop3A_429 : vector<16xf32>
          %parallel_loop3A_431 = arith.addi %parallel_loop3A_237, %parallel_loop3A_424 : i32
          %parallel_loop3A_432 = arith.index_cast %parallel_loop3A_431 : i32 to index
          %parallel_loop3A_433 = arith.constant 16 : index
          %parallel_loop3A_434 = tpu.vector_load %arg9[%parallel_loop3A_432, %parallel_loop3A_433] {strides = array<i32>} : memref<416x128xf32, #tpu.memory_space<vmem>>, vector<1x16xf32>,
          %parallel_loop3A_435 = vector.shape_cast %parallel_loop3A_434 : vector<1x16xf32> to vector<16xf32>
          %parallel_loop3A_436 = arith.addf %parallel_loop3A_386, %parallel_loop3A_435 : vector<16xf32>
          %parallel_loop3A_437 = arith.addi %parallel_loop3A_237, %parallel_loop3A_424 : i32
          %parallel_loop3A_438 = arith.index_cast %parallel_loop3A_437 : i32 to index
          %parallel_loop3A_439 = arith.constant 32 : index
          %parallel_loop3A_440 = tpu.vector_load %arg9[%parallel_loop3A_438, %parallel_loop3A_439] {strides = array<i32>} : memref<416x128xf32, #tpu.memory_space<vmem>>, vector<1x16xf32>,
          %parallel_loop3A_441 = vector.shape_cast %parallel_loop3A_440 : vector<1x16xf32> to vector<16xf32>
          %parallel_loop3A_442 = arith.addf %parallel_loop3A_392, %parallel_loop3A_441 : vector<16xf32>
          %parallel_loop3A_443 = arith.addi %parallel_loop3A_237, %parallel_loop3A_424 : i32
          %parallel_loop3A_444 = arith.index_cast %parallel_loop3A_443 : i32 to index
          %parallel_loop3A_445 = arith.constant 48 : index
          %parallel_loop3A_446 = tpu.vector_load %arg9[%parallel_loop3A_444, %parallel_loop3A_445] {strides = array<i32>} : memref<416x128xf32, #tpu.memory_space<vmem>>, vector<1x16xf32>,
          %parallel_loop3A_447 = vector.shape_cast %parallel_loop3A_446 : vector<1x16xf32> to vector<16xf32>
          %parallel_loop3A_448 = arith.addf %parallel_loop3A_398, %parallel_loop3A_447 : vector<16xf32>
          %parallel_loop3A_449 = arith.addi %parallel_loop3A_237, %parallel_loop3A_424 : i32
          %parallel_loop3A_450 = arith.index_cast %parallel_loop3A_449 : i32 to index
          %parallel_loop3A_451 = arith.constant 64 : index
          %parallel_loop3A_452 = tpu.vector_load %arg9[%parallel_loop3A_450, %parallel_loop3A_451] {strides = array<i32>} : memref<416x128xf32, #tpu.memory_space<vmem>>, vector<1x16xf32>,
          %parallel_loop3A_453 = vector.shape_cast %parallel_loop3A_452 : vector<1x16xf32> to vector<16xf32>
          %parallel_loop3A_454 = arith.addf %parallel_loop3A_404, %parallel_loop3A_453 : vector<16xf32>
          %parallel_loop3A_455 = arith.addi %parallel_loop3A_237, %parallel_loop3A_424 : i32
          %parallel_loop3A_456 = arith.index_cast %parallel_loop3A_455 : i32 to index
          %parallel_loop3A_457 = arith.constant 80 : index
          %parallel_loop3A_458 = tpu.vector_load %arg9[%parallel_loop3A_456, %parallel_loop3A_457] {strides = array<i32>} : memref<416x128xf32, #tpu.memory_space<vmem>>, vector<1x16xf32>,
          %parallel_loop3A_459 = vector.shape_cast %parallel_loop3A_458 : vector<1x16xf32> to vector<16xf32>
          %parallel_loop3A_460 = arith.addf %parallel_loop3A_410, %parallel_loop3A_459 : vector<16xf32>
          %parallel_loop3A_461 = arith.addi %parallel_loop3A_237, %parallel_loop3A_424 : i32
          %parallel_loop3A_462 = arith.index_cast %parallel_loop3A_461 : i32 to index
          %parallel_loop3A_463 = arith.constant 96 : index
          %parallel_loop3A_464 = tpu.vector_load %arg9[%parallel_loop3A_462, %parallel_loop3A_463] {strides = array<i32>} : memref<416x128xf32, #tpu.memory_space<vmem>>, vector<1x16xf32>,
          %parallel_loop3A_465 = vector.shape_cast %parallel_loop3A_464 : vector<1x16xf32> to vector<16xf32>
          %parallel_loop3A_466 = arith.addf %parallel_loop3A_416, %parallel_loop3A_465 : vector<16xf32>
          %parallel_loop3A_467 = arith.addi %parallel_loop3A_237, %parallel_loop3A_424 : i32
          %parallel_loop3A_468 = arith.index_cast %parallel_loop3A_467 : i32 to index
          %parallel_loop3A_469 = arith.constant 112 : index
          %parallel_loop3A_470 = tpu.vector_load %arg9[%parallel_loop3A_468, %parallel_loop3A_469] {strides = array<i32>} : memref<416x128xf32, #tpu.memory_space<vmem>>, vector<1x16xf32>,
          %parallel_loop3A_471 = vector.shape_cast %parallel_loop3A_470 : vector<1x16xf32> to vector<16xf32>
          %parallel_loop3A_472 = arith.addf %parallel_loop3A_422, %parallel_loop3A_471 : vector<16xf32>
          %parallel_loop3A_473 = arith.constant 3 : i32
          %parallel_loop3A_474 = arith.addi %scan3A_316, %parallel_loop3A_473 : i32
          %parallel_loop3A_475 = arith.addi %parallel_loop3A_237, %parallel_loop3A_474 : i32
          %parallel_loop3A_476 = arith.index_cast %parallel_loop3A_475 : i32 to index
          %parallel_loop3A_477 = arith.constant 0 : index
          %parallel_loop3A_478 = tpu.vector_load %arg9[%parallel_loop3A_476, %parallel_loop3A_477] {strides = array<i32>} : memref<416x128xf32, #tpu.memory_space<vmem>>, vector<1x16xf32>,
          %parallel_loop3A_479 = vector.shape_cast %parallel_loop3A_478 : vector<1x16xf32> to vector<16xf32>
          %parallel_loop3A_480 = arith.addf %parallel_loop3A_430, %parallel_loop3A_479 : vector<16xf32>
          %parallel_loop3A_481 = arith.addi %parallel_loop3A_237, %parallel_loop3A_474 : i32
          %parallel_loop3A_482 = arith.index_cast %parallel_loop3A_481 : i32 to index
          %parallel_loop3A_483 = arith.constant 16 : index
          %parallel_loop3A_484 = tpu.vector_load %arg9[%parallel_loop3A_482, %parallel_loop3A_483] {strides = array<i32>} : memref<416x128xf32, #tpu.memory_space<vmem>>, vector<1x16xf32>,
          %parallel_loop3A_485 = vector.shape_cast %parallel_loop3A_484 : vector<1x16xf32> to vector<16xf32>
          %parallel_loop3A_486 = arith.addf %parallel_loop3A_436, %parallel_loop3A_485 : vector<16xf32>
          %parallel_loop3A_487 = arith.addi %parallel_loop3A_237, %parallel_loop3A_474 : i32
          %parallel_loop3A_488 = arith.index_cast %parallel_loop3A_487 : i32 to index
          %parallel_loop3A_489 = arith.constant 32 : index
          %parallel_loop3A_490 = tpu.vector_load %arg9[%parallel_loop3A_488, %parallel_loop3A_489] {strides = array<i32>} : memref<416x128xf32, #tpu.memory_space<vmem>>, vector<1x16xf32>,
          %parallel_loop3A_491 = vector.shape_cast %parallel_loop3A_490 : vector<1x16xf32> to vector<16xf32>
          %parallel_loop3A_492 = arith.addf %parallel_loop3A_442, %parallel_loop3A_491 : vector<16xf32>
          %parallel_loop3A_493 = arith.addi %parallel_loop3A_237, %parallel_loop3A_474 : i32
          %parallel_loop3A_494 = arith.index_cast %parallel_loop3A_493 : i32 to index
          %parallel_loop3A_495 = arith.constant 48 : index
          %parallel_loop3A_496 = tpu.vector_load %arg9[%parallel_loop3A_494, %parallel_loop3A_495] {strides = array<i32>} : memref<416x128xf32, #tpu.memory_space<vmem>>, vector<1x16xf32>,
          %parallel_loop3A_497 = vector.shape_cast %parallel_loop3A_496 : vector<1x16xf32> to vector<16xf32>
          %parallel_loop3A_498 = arith.addf %parallel_loop3A_448, %parallel_loop3A_497 : vector<16xf32>
          %parallel_loop3A_499 = arith.addi %parallel_loop3A_237, %parallel_loop3A_474 : i32
          %parallel_loop3A_500 = arith.index_cast %parallel_loop3A_499 : i32 to index
          %parallel_loop3A_501 = arith.constant 64 : index
          %parallel_loop3A_502 = tpu.vector_load %arg9[%parallel_loop3A_500, %parallel_loop3A_501] {strides = array<i32>} : memref<416x128xf32, #tpu.memory_space<vmem>>, vector<1x16xf32>,
          %parallel_loop3A_503 = vector.shape_cast %parallel_loop3A_502 : vector<1x16xf32> to vector<16xf32>
          %parallel_loop3A_504 = arith.addf %parallel_loop3A_454, %parallel_loop3A_503 : vector<16xf32>
          %parallel_loop3A_505 = arith.addi %parallel_loop3A_237, %parallel_loop3A_474 : i32
          %parallel_loop3A_506 = arith.index_cast %parallel_loop3A_505 : i32 to index
          %parallel_loop3A_507 = arith.constant 80 : index
          %parallel_loop3A_508 = tpu.vector_load %arg9[%parallel_loop3A_506, %parallel_loop3A_507] {strides = array<i32>} : memref<416x128xf32, #tpu.memory_space<vmem>>, vector<1x16xf32>,
          %parallel_loop3A_509 = vector.shape_cast %parallel_loop3A_508 : vector<1x16xf32> to vector<16xf32>
          %parallel_loop3A_510 = arith.addf %parallel_loop3A_460, %parallel_loop3A_509 : vector<16xf32>
          %parallel_loop3A_511 = arith.addi %parallel_loop3A_237, %parallel_loop3A_474 : i32
          %parallel_loop3A_512 = arith.index_cast %parallel_loop3A_511 : i32 to index
          %parallel_loop3A_513 = arith.constant 96 : index
          %parallel_loop3A_514 = tpu.vector_load %arg9[%parallel_loop3A_512, %parallel_loop3A_513] {strides = array<i32>} : memref<416x128xf32, #tpu.memory_space<vmem>>, vector<1x16xf32>,
          %parallel_loop3A_515 = vector.shape_cast %parallel_loop3A_514 : vector<1x16xf32> to vector<16xf32>
          %parallel_loop3A_516 = arith.addf %parallel_loop3A_466, %parallel_loop3A_515 : vector<16xf32>
          %parallel_loop3A_517 = arith.addi %parallel_loop3A_237, %parallel_loop3A_474 : i32
          %parallel_loop3A_518 = arith.index_cast %parallel_loop3A_517 : i32 to index
          %parallel_loop3A_519 = arith.constant 112 : index
          %parallel_loop3A_520 = tpu.vector_load %arg9[%parallel_loop3A_518, %parallel_loop3A_519] {strides = array<i32>} : memref<416x128xf32, #tpu.memory_space<vmem>>, vector<1x16xf32>,
          %parallel_loop3A_521 = vector.shape_cast %parallel_loop3A_520 : vector<1x16xf32> to vector<16xf32>
          %parallel_loop3A_522 = arith.addf %parallel_loop3A_472, %parallel_loop3A_521 : vector<16xf32>
          %parallel_loop3A_523 = arith.constant 4 : i32
          %parallel_loop3A_524 = arith.addi %scan3A_316, %parallel_loop3A_523 : i32
          %parallel_loop3A_525 = arith.addi %parallel_loop3A_237, %parallel_loop3A_524 : i32
          %parallel_loop3A_526 = arith.index_cast %parallel_loop3A_525 : i32 to index
          %parallel_loop3A_527 = arith.constant 0 : index
          %parallel_loop3A_528 = tpu.vector_load %arg9[%parallel_loop3A_526, %parallel_loop3A_527] {strides = array<i32>} : memref<416x128xf32, #tpu.memory_space<vmem>>, vector<1x16xf32>,
          %parallel_loop3A_529 = vector.shape_cast %parallel_loop3A_528 : vector<1x16xf32> to vector<16xf32>
          %parallel_loop3A_530 = arith.addf %parallel_loop3A_480, %parallel_loop3A_529 : vector<16xf32>
          %parallel_loop3A_531 = arith.addi %parallel_loop3A_237, %parallel_loop3A_524 : i32
          %parallel_loop3A_532 = arith.index_cast %parallel_loop3A_531 : i32 to index
          %parallel_loop3A_533 = arith.constant 16 : index
          %parallel_loop3A_534 = tpu.vector_load %arg9[%parallel_loop3A_532, %parallel_loop3A_533] {strides = array<i32>} : memref<416x128xf32, #tpu.memory_space<vmem>>, vector<1x16xf32>,
          %parallel_loop3A_535 = vector.shape_cast %parallel_loop3A_534 : vector<1x16xf32> to vector<16xf32>
          %parallel_loop3A_536 = arith.addf %parallel_loop3A_486, %parallel_loop3A_535 : vector<16xf32>
          %parallel_loop3A_537 = arith.addi %parallel_loop3A_237, %parallel_loop3A_524 : i32
          %parallel_loop3A_538 = arith.index_cast %parallel_loop3A_537 : i32 to index
          %parallel_loop3A_539 = arith.constant 32 : index
          %parallel_loop3A_540 = tpu.vector_load %arg9[%parallel_loop3A_538, %parallel_loop3A_539] {strides = array<i32>} : memref<416x128xf32, #tpu.memory_space<vmem>>, vector<1x16xf32>,
          %parallel_loop3A_541 = vector.shape_cast %parallel_loop3A_540 : vector<1x16xf32> to vector<16xf32>
          %parallel_loop3A_542 = arith.addf %parallel_loop3A_492, %parallel_loop3A_541 : vector<16xf32>
          %parallel_loop3A_543 = arith.addi %parallel_loop3A_237, %parallel_loop3A_524 : i32
          %parallel_loop3A_544 = arith.index_cast %parallel_loop3A_543 : i32 to index
          %parallel_loop3A_545 = arith.constant 48 : index
          %parallel_loop3A_546 = tpu.vector_load %arg9[%parallel_loop3A_544, %parallel_loop3A_545] {strides = array<i32>} : memref<416x128xf32, #tpu.memory_space<vmem>>, vector<1x16xf32>,
          %parallel_loop3A_547 = vector.shape_cast %parallel_loop3A_546 : vector<1x16xf32> to vector<16xf32>
          %parallel_loop3A_548 = arith.addf %parallel_loop3A_498, %parallel_loop3A_547 : vector<16xf32>
          %parallel_loop3A_549 = arith.addi %parallel_loop3A_237, %parallel_loop3A_524 : i32
          %parallel_loop3A_550 = arith.index_cast %parallel_loop3A_549 : i32 to index
          %parallel_loop3A_551 = arith.constant 64 : index
          %parallel_loop3A_552 = tpu.vector_load %arg9[%parallel_loop3A_550, %parallel_loop3A_551] {strides = array<i32>} : memref<416x128xf32, #tpu.memory_space<vmem>>, vector<1x16xf32>,
          %parallel_loop3A_553 = vector.shape_cast %parallel_loop3A_552 : vector<1x16xf32> to vector<16xf32>
          %parallel_loop3A_554 = arith.addf %parallel_loop3A_504, %parallel_loop3A_553 : vector<16xf32>
          %parallel_loop3A_555 = arith.addi %parallel_loop3A_237, %parallel_loop3A_524 : i32
          %parallel_loop3A_556 = arith.index_cast %parallel_loop3A_555 : i32 to index
          %parallel_loop3A_557 = arith.constant 80 : index
          %parallel_loop3A_558 = tpu.vector_load %arg9[%parallel_loop3A_556, %parallel_loop3A_557] {strides = array<i32>} : memref<416x128xf32, #tpu.memory_space<vmem>>, vector<1x16xf32>,
          %parallel_loop3A_559 = vector.shape_cast %parallel_loop3A_558 : vector<1x16xf32> to vector<16xf32>
          %parallel_loop3A_560 = arith.addf %parallel_loop3A_510, %parallel_loop3A_559 : vector<16xf32>
          %parallel_loop3A_561 = arith.addi %parallel_loop3A_237, %parallel_loop3A_524 : i32
          %parallel_loop3A_562 = arith.index_cast %parallel_loop3A_561 : i32 to index
          %parallel_loop3A_563 = arith.constant 96 : index
          %parallel_loop3A_564 = tpu.vector_load %arg9[%parallel_loop3A_562, %parallel_loop3A_563] {strides = array<i32>} : memref<416x128xf32, #tpu.memory_space<vmem>>, vector<1x16xf32>,
          %parallel_loop3A_565 = vector.shape_cast %parallel_loop3A_564 : vector<1x16xf32> to vector<16xf32>
          %parallel_loop3A_566 = arith.addf %parallel_loop3A_516, %parallel_loop3A_565 : vector<16xf32>
          %parallel_loop3A_567 = arith.addi %parallel_loop3A_237, %parallel_loop3A_524 : i32
          %parallel_loop3A_568 = arith.index_cast %parallel_loop3A_567 : i32 to index
          %parallel_loop3A_569 = arith.constant 112 : index
          %parallel_loop3A_570 = tpu.vector_load %arg9[%parallel_loop3A_568, %parallel_loop3A_569] {strides = array<i32>} : memref<416x128xf32, #tpu.memory_space<vmem>>, vector<1x16xf32>,
          %parallel_loop3A_571 = vector.shape_cast %parallel_loop3A_570 : vector<1x16xf32> to vector<16xf32>
          %parallel_loop3A_572 = arith.addf %parallel_loop3A_522, %parallel_loop3A_571 : vector<16xf32>
          %parallel_loop3A_573 = arith.constant 5 : i32
          %parallel_loop3A_574 = arith.addi %scan3A_316, %parallel_loop3A_573 : i32
          %parallel_loop3A_575 = arith.addi %parallel_loop3A_237, %parallel_loop3A_574 : i32
          %parallel_loop3A_576 = arith.index_cast %parallel_loop3A_575 : i32 to index
          %parallel_loop3A_577 = arith.constant 0 : index
          %parallel_loop3A_578 = tpu.vector_load %arg9[%parallel_loop3A_576, %parallel_loop3A_577] {strides = array<i32>} : memref<416x128xf32, #tpu.memory_space<vmem>>, vector<1x16xf32>,
          %parallel_loop3A_579 = vector.shape_cast %parallel_loop3A_578 : vector<1x16xf32> to vector<16xf32>
          %parallel_loop3A_580 = arith.addf %parallel_loop3A_530, %parallel_loop3A_579 : vector<16xf32>
          %parallel_loop3A_581 = arith.addi %parallel_loop3A_237, %parallel_loop3A_574 : i32
          %parallel_loop3A_582 = arith.index_cast %parallel_loop3A_581 : i32 to index
          %parallel_loop3A_583 = arith.constant 16 : index
          %parallel_loop3A_584 = tpu.vector_load %arg9[%parallel_loop3A_582, %parallel_loop3A_583] {strides = array<i32>} : memref<416x128xf32, #tpu.memory_space<vmem>>, vector<1x16xf32>,
          %parallel_loop3A_585 = vector.shape_cast %parallel_loop3A_584 : vector<1x16xf32> to vector<16xf32>
          %parallel_loop3A_586 = arith.addf %parallel_loop3A_536, %parallel_loop3A_585 : vector<16xf32>
          %parallel_loop3A_587 = arith.addi %parallel_loop3A_237, %parallel_loop3A_574 : i32
          %parallel_loop3A_588 = arith.index_cast %parallel_loop3A_587 : i32 to index
          %parallel_loop3A_589 = arith.constant 32 : index
          %parallel_loop3A_590 = tpu.vector_load %arg9[%parallel_loop3A_588, %parallel_loop3A_589] {strides = array<i32>} : memref<416x128xf32, #tpu.memory_space<vmem>>, vector<1x16xf32>,
          %parallel_loop3A_591 = vector.shape_cast %parallel_loop3A_590 : vector<1x16xf32> to vector<16xf32>
          %parallel_loop3A_592 = arith.addf %parallel_loop3A_542, %parallel_loop3A_591 : vector<16xf32>
          %parallel_loop3A_593 = arith.addi %parallel_loop3A_237, %parallel_loop3A_574 : i32
          %parallel_loop3A_594 = arith.index_cast %parallel_loop3A_593 : i32 to index
          %parallel_loop3A_595 = arith.constant 48 : index
          %parallel_loop3A_596 = tpu.vector_load %arg9[%parallel_loop3A_594, %parallel_loop3A_595] {strides = array<i32>} : memref<416x128xf32, #tpu.memory_space<vmem>>, vector<1x16xf32>,
          %parallel_loop3A_597 = vector.shape_cast %parallel_loop3A_596 : vector<1x16xf32> to vector<16xf32>
          %parallel_loop3A_598 = arith.addf %parallel_loop3A_548, %parallel_loop3A_597 : vector<16xf32>
          %parallel_loop3A_599 = arith.addi %parallel_loop3A_237, %parallel_loop3A_574 : i32
          %parallel_loop3A_600 = arith.index_cast %parallel_loop3A_599 : i32 to index
          %parallel_loop3A_601 = arith.constant 64 : index
          %parallel_loop3A_602 = tpu.vector_load %arg9[%parallel_loop3A_600, %parallel_loop3A_601] {strides = array<i32>} : memref<416x128xf32, #tpu.memory_space<vmem>>, vector<1x16xf32>,
          %parallel_loop3A_603 = vector.shape_cast %parallel_loop3A_602 : vector<1x16xf32> to vector<16xf32>
          %parallel_loop3A_604 = arith.addf %parallel_loop3A_554, %parallel_loop3A_603 : vector<16xf32>
          %parallel_loop3A_605 = arith.addi %parallel_loop3A_237, %parallel_loop3A_574 : i32
          %parallel_loop3A_606 = arith.index_cast %parallel_loop3A_605 : i32 to index
          %parallel_loop3A_607 = arith.constant 80 : index
          %parallel_loop3A_608 = tpu.vector_load %arg9[%parallel_loop3A_606, %parallel_loop3A_607] {strides = array<i32>} : memref<416x128xf32, #tpu.memory_space<vmem>>, vector<1x16xf32>,
          %parallel_loop3A_609 = vector.shape_cast %parallel_loop3A_608 : vector<1x16xf32> to vector<16xf32>
          %parallel_loop3A_610 = arith.addf %parallel_loop3A_560, %parallel_loop3A_609 : vector<16xf32>
          %parallel_loop3A_611 = arith.addi %parallel_loop3A_237, %parallel_loop3A_574 : i32
          %parallel_loop3A_612 = arith.index_cast %parallel_loop3A_611 : i32 to index
          %parallel_loop3A_613 = arith.constant 96 : index
          %parallel_loop3A_614 = tpu.vector_load %arg9[%parallel_loop3A_612, %parallel_loop3A_613] {strides = array<i32>} : memref<416x128xf32, #tpu.memory_space<vmem>>, vector<1x16xf32>,
          %parallel_loop3A_615 = vector.shape_cast %parallel_loop3A_614 : vector<1x16xf32> to vector<16xf32>
          %parallel_loop3A_616 = arith.addf %parallel_loop3A_566, %parallel_loop3A_615 : vector<16xf32>
          %parallel_loop3A_617 = arith.addi %parallel_loop3A_237, %parallel_loop3A_574 : i32
          %parallel_loop3A_618 = arith.index_cast %parallel_loop3A_617 : i32 to index
          %parallel_loop3A_619 = arith.constant 112 : index
          %parallel_loop3A_620 = tpu.vector_load %arg9[%parallel_loop3A_618, %parallel_loop3A_619] {strides = array<i32>} : memref<416x128xf32, #tpu.memory_space<vmem>>, vector<1x16xf32>,
          %parallel_loop3A_621 = vector.shape_cast %parallel_loop3A_620 : vector<1x16xf32> to vector<16xf32>
          %parallel_loop3A_622 = arith.addf %parallel_loop3A_572, %parallel_loop3A_621 : vector<16xf32>
          %parallel_loop3A_623 = arith.constant 6 : i32
          %parallel_loop3A_624 = arith.addi %scan3A_316, %parallel_loop3A_623 : i32
          %parallel_loop3A_625 = arith.addi %parallel_loop3A_237, %parallel_loop3A_624 : i32
          %parallel_loop3A_626 = arith.index_cast %parallel_loop3A_625 : i32 to index
          %parallel_loop3A_627 = arith.constant 0 : index
          %parallel_loop3A_628 = tpu.vector_load %arg9[%parallel_loop3A_626, %parallel_loop3A_627] {strides = array<i32>} : memref<416x128xf32, #tpu.memory_space<vmem>>, vector<1x16xf32>,
          %parallel_loop3A_629 = vector.shape_cast %parallel_loop3A_628 : vector<1x16xf32> to vector<16xf32>
          %parallel_loop3A_630 = arith.addf %parallel_loop3A_580, %parallel_loop3A_629 : vector<16xf32>
          %parallel_loop3A_631 = arith.addi %parallel_loop3A_237, %parallel_loop3A_624 : i32
          %parallel_loop3A_632 = arith.index_cast %parallel_loop3A_631 : i32 to index
          %parallel_loop3A_633 = arith.constant 16 : index
          %parallel_loop3A_634 = tpu.vector_load %arg9[%parallel_loop3A_632, %parallel_loop3A_633] {strides = array<i32>} : memref<416x128xf32, #tpu.memory_space<vmem>>, vector<1x16xf32>,
          %parallel_loop3A_635 = vector.shape_cast %parallel_loop3A_634 : vector<1x16xf32> to vector<16xf32>
          %parallel_loop3A_636 = arith.addf %parallel_loop3A_586, %parallel_loop3A_635 : vector<16xf32>
          %parallel_loop3A_637 = arith.addi %parallel_loop3A_237, %parallel_loop3A_624 : i32
          %parallel_loop3A_638 = arith.index_cast %parallel_loop3A_637 : i32 to index
          %parallel_loop3A_639 = arith.constant 32 : index
          %parallel_loop3A_640 = tpu.vector_load %arg9[%parallel_loop3A_638, %parallel_loop3A_639] {strides = array<i32>} : memref<416x128xf32, #tpu.memory_space<vmem>>, vector<1x16xf32>,
          %parallel_loop3A_641 = vector.shape_cast %parallel_loop3A_640 : vector<1x16xf32> to vector<16xf32>
          %parallel_loop3A_642 = arith.addf %parallel_loop3A_592, %parallel_loop3A_641 : vector<16xf32>
          %parallel_loop3A_643 = arith.addi %parallel_loop3A_237, %parallel_loop3A_624 : i32
          %parallel_loop3A_644 = arith.index_cast %parallel_loop3A_643 : i32 to index
          %parallel_loop3A_645 = arith.constant 48 : index
          %parallel_loop3A_646 = tpu.vector_load %arg9[%parallel_loop3A_644, %parallel_loop3A_645] {strides = array<i32>} : memref<416x128xf32, #tpu.memory_space<vmem>>, vector<1x16xf32>,
          %parallel_loop3A_647 = vector.shape_cast %parallel_loop3A_646 : vector<1x16xf32> to vector<16xf32>
          %parallel_loop3A_648 = arith.addf %parallel_loop3A_598, %parallel_loop3A_647 : vector<16xf32>
          %parallel_loop3A_649 = arith.addi %parallel_loop3A_237, %parallel_loop3A_624 : i32
          %parallel_loop3A_650 = arith.index_cast %parallel_loop3A_649 : i32 to index
          %parallel_loop3A_651 = arith.constant 64 : index
          %parallel_loop3A_652 = tpu.vector_load %arg9[%parallel_loop3A_650, %parallel_loop3A_651] {strides = array<i32>} : memref<416x128xf32, #tpu.memory_space<vmem>>, vector<1x16xf32>,
          %parallel_loop3A_653 = vector.shape_cast %parallel_loop3A_652 : vector<1x16xf32> to vector<16xf32>
          %parallel_loop3A_654 = arith.addf %parallel_loop3A_604, %parallel_loop3A_653 : vector<16xf32>
          %parallel_loop3A_655 = arith.addi %parallel_loop3A_237, %parallel_loop3A_624 : i32
          %parallel_loop3A_656 = arith.index_cast %parallel_loop3A_655 : i32 to index
          %parallel_loop3A_657 = arith.constant 80 : index
          %parallel_loop3A_658 = tpu.vector_load %arg9[%parallel_loop3A_656, %parallel_loop3A_657] {strides = array<i32>} : memref<416x128xf32, #tpu.memory_space<vmem>>, vector<1x16xf32>,
          %parallel_loop3A_659 = vector.shape_cast %parallel_loop3A_658 : vector<1x16xf32> to vector<16xf32>
          %parallel_loop3A_660 = arith.addf %parallel_loop3A_610, %parallel_loop3A_659 : vector<16xf32>
          %parallel_loop3A_661 = arith.addi %parallel_loop3A_237, %parallel_loop3A_624 : i32
          %parallel_loop3A_662 = arith.index_cast %parallel_loop3A_661 : i32 to index
          %parallel_loop3A_663 = arith.constant 96 : index
          %parallel_loop3A_664 = tpu.vector_load %arg9[%parallel_loop3A_662, %parallel_loop3A_663] {strides = array<i32>} : memref<416x128xf32, #tpu.memory_space<vmem>>, vector<1x16xf32>,
          %parallel_loop3A_665 = vector.shape_cast %parallel_loop3A_664 : vector<1x16xf32> to vector<16xf32>
          %parallel_loop3A_666 = arith.addf %parallel_loop3A_616, %parallel_loop3A_665 : vector<16xf32>
          %parallel_loop3A_667 = arith.addi %parallel_loop3A_237, %parallel_loop3A_624 : i32
          %parallel_loop3A_668 = arith.index_cast %parallel_loop3A_667 : i32 to index
          %parallel_loop3A_669 = arith.constant 112 : index
          %parallel_loop3A_670 = tpu.vector_load %arg9[%parallel_loop3A_668, %parallel_loop3A_669] {strides = array<i32>} : memref<416x128xf32, #tpu.memory_space<vmem>>, vector<1x16xf32>,
          %parallel_loop3A_671 = vector.shape_cast %parallel_loop3A_670 : vector<1x16xf32> to vector<16xf32>
          %parallel_loop3A_672 = arith.addf %parallel_loop3A_622, %parallel_loop3A_671 : vector<16xf32>
          %parallel_loop3A_673 = arith.constant 7 : i32
          %parallel_loop3A_674 = arith.addi %scan3A_316, %parallel_loop3A_673 : i32
          %parallel_loop3A_675 = arith.addi %parallel_loop3A_237, %parallel_loop3A_674 : i32
          %parallel_loop3A_676 = arith.index_cast %parallel_loop3A_675 : i32 to index
          %parallel_loop3A_677 = arith.constant 0 : index
          %parallel_loop3A_678 = tpu.vector_load %arg9[%parallel_loop3A_676, %parallel_loop3A_677] {strides = array<i32>} : memref<416x128xf32, #tpu.memory_space<vmem>>, vector<1x16xf32>,
          %parallel_loop3A_679 = vector.shape_cast %parallel_loop3A_678 : vector<1x16xf32> to vector<16xf32>
          %parallel_loop3A_680 = arith.addf %parallel_loop3A_630, %parallel_loop3A_679 : vector<16xf32>
          %parallel_loop3A_681 = arith.addi %parallel_loop3A_237, %parallel_loop3A_674 : i32
          %parallel_loop3A_682 = arith.index_cast %parallel_loop3A_681 : i32 to index
          %parallel_loop3A_683 = arith.constant 16 : index
          %parallel_loop3A_684 = tpu.vector_load %arg9[%parallel_loop3A_682, %parallel_loop3A_683] {strides = array<i32>} : memref<416x128xf32, #tpu.memory_space<vmem>>, vector<1x16xf32>,
          %parallel_loop3A_685 = vector.shape_cast %parallel_loop3A_684 : vector<1x16xf32> to vector<16xf32>
          %parallel_loop3A_686 = arith.addf %parallel_loop3A_636, %parallel_loop3A_685 : vector<16xf32>
          %parallel_loop3A_687 = arith.addi %parallel_loop3A_237, %parallel_loop3A_674 : i32
          %parallel_loop3A_688 = arith.index_cast %parallel_loop3A_687 : i32 to index
          %parallel_loop3A_689 = arith.constant 32 : index
          %parallel_loop3A_690 = tpu.vector_load %arg9[%parallel_loop3A_688, %parallel_loop3A_689] {strides = array<i32>} : memref<416x128xf32, #tpu.memory_space<vmem>>, vector<1x16xf32>,
          %parallel_loop3A_691 = vector.shape_cast %parallel_loop3A_690 : vector<1x16xf32> to vector<16xf32>
          %parallel_loop3A_692 = arith.addf %parallel_loop3A_642, %parallel_loop3A_691 : vector<16xf32>
          %parallel_loop3A_693 = arith.addi %parallel_loop3A_237, %parallel_loop3A_674 : i32
          %parallel_loop3A_694 = arith.index_cast %parallel_loop3A_693 : i32 to index
          %parallel_loop3A_695 = arith.constant 48 : index
          %parallel_loop3A_696 = tpu.vector_load %arg9[%parallel_loop3A_694, %parallel_loop3A_695] {strides = array<i32>} : memref<416x128xf32, #tpu.memory_space<vmem>>, vector<1x16xf32>,
          %parallel_loop3A_697 = vector.shape_cast %parallel_loop3A_696 : vector<1x16xf32> to vector<16xf32>
          %parallel_loop3A_698 = arith.addf %parallel_loop3A_648, %parallel_loop3A_697 : vector<16xf32>
          %parallel_loop3A_699 = arith.addi %parallel_loop3A_237, %parallel_loop3A_674 : i32
          %parallel_loop3A_700 = arith.index_cast %parallel_loop3A_699 : i32 to index
          %parallel_loop3A_701 = arith.constant 64 : index
          %parallel_loop3A_702 = tpu.vector_load %arg9[%parallel_loop3A_700, %parallel_loop3A_701] {strides = array<i32>} : memref<416x128xf32, #tpu.memory_space<vmem>>, vector<1x16xf32>,
          %parallel_loop3A_703 = vector.shape_cast %parallel_loop3A_702 : vector<1x16xf32> to vector<16xf32>
          %parallel_loop3A_704 = arith.addf %parallel_loop3A_654, %parallel_loop3A_703 : vector<16xf32>
          %parallel_loop3A_705 = arith.addi %parallel_loop3A_237, %parallel_loop3A_674 : i32
          %parallel_loop3A_706 = arith.index_cast %parallel_loop3A_705 : i32 to index
          %parallel_loop3A_707 = arith.constant 80 : index
          %parallel_loop3A_708 = tpu.vector_load %arg9[%parallel_loop3A_706, %parallel_loop3A_707] {strides = array<i32>} : memref<416x128xf32, #tpu.memory_space<vmem>>, vector<1x16xf32>,
          %parallel_loop3A_709 = vector.shape_cast %parallel_loop3A_708 : vector<1x16xf32> to vector<16xf32>
          %parallel_loop3A_710 = arith.addf %parallel_loop3A_660, %parallel_loop3A_709 : vector<16xf32>
          %parallel_loop3A_711 = arith.addi %parallel_loop3A_237, %parallel_loop3A_674 : i32
          %parallel_loop3A_712 = arith.index_cast %parallel_loop3A_711 : i32 to index
          %parallel_loop3A_713 = arith.constant 96 : index
          %parallel_loop3A_714 = tpu.vector_load %arg9[%parallel_loop3A_712, %parallel_loop3A_713] {strides = array<i32>} : memref<416x128xf32, #tpu.memory_space<vmem>>, vector<1x16xf32>,
          %parallel_loop3A_715 = vector.shape_cast %parallel_loop3A_714 : vector<1x16xf32> to vector<16xf32>
          %parallel_loop3A_716 = arith.addf %parallel_loop3A_666, %parallel_loop3A_715 : vector<16xf32>
          %parallel_loop3A_717 = arith.addi %parallel_loop3A_237, %parallel_loop3A_674 : i32
          %parallel_loop3A_718 = arith.index_cast %parallel_loop3A_717 : i32 to index
          %parallel_loop3A_719 = arith.constant 112 : index
          %parallel_loop3A_720 = tpu.vector_load %arg9[%parallel_loop3A_718, %parallel_loop3A_719] {strides = array<i32>} : memref<416x128xf32, #tpu.memory_space<vmem>>, vector<1x16xf32>,
          %parallel_loop3A_721 = vector.shape_cast %parallel_loop3A_720 : vector<1x16xf32> to vector<16xf32>
          %parallel_loop3A_722 = arith.addf %parallel_loop3A_672, %parallel_loop3A_721 : vector<16xf32>
          scf.yield %parallel_loop3A_680, %parallel_loop3A_686, %parallel_loop3A_692, %parallel_loop3A_698, %parallel_loop3A_704, %parallel_loop3A_710, %parallel_loop3A_716, %parallel_loop3A_722 : vector<16xf32>, vector<16xf32>, vector<16xf32>, vector<16xf32>, vector<16xf32>, vector<16xf32>, vector<16xf32>, vector<16xf32>
        }
        %parallel_loop3A_275 = arith.constant 24 : i32
        %parallel_loop3A_276 = arith.index_cast %parallel_loop3A_235 : i32 to index
        %parallel_loop3A_277 = arith.constant 0 : index
        %parallel_loop3A_278 = tpu.vector_load %arg11[%parallel_loop3A_276, %parallel_loop3A_277] {strides = array<i32>} : memref<16x128xf32, #tpu.memory_space<vmem>>, vector<1x16xf32>,
        %parallel_loop3A_279 = vector.shape_cast %parallel_loop3A_278 : vector<1x16xf32> to vector<16xf32>
        %parallel_loop3A_280 = vector.shape_cast %parallel_loop3A_274#0 : vector<16xf32> to vector<1x16xf32>
        tpu.vector_store %arg11[%parallel_loop3A_276, %parallel_loop3A_277], %parallel_loop3A_280 {strides = array<i32>} : memref<16x128xf32, #tpu.memory_space<vmem>>, vector<1x16xf32>,
        %parallel_loop3A_281 = arith.index_cast %parallel_loop3A_235 : i32 to index
        %parallel_loop3A_282 = arith.constant 16 : index
        %parallel_loop3A_283 = tpu.vector_load %arg11[%parallel_loop3A_281, %parallel_loop3A_282] {strides = array<i32>} : memref<16x128xf32, #tpu.memory_space<vmem>>, vector<1x16xf32>,
        %parallel_loop3A_284 = vector.shape_cast %parallel_loop3A_283 : vector<1x16xf32> to vector<16xf32>
        %parallel_loop3A_285 = vector.shape_cast %parallel_loop3A_274#1 : vector<16xf32> to vector<1x16xf32>
        tpu.vector_store %arg11[%parallel_loop3A_281, %parallel_loop3A_282], %parallel_loop3A_285 {strides = array<i32>} : memref<16x128xf32, #tpu.memory_space<vmem>>, vector<1x16xf32>,
        %parallel_loop3A_286 = arith.index_cast %parallel_loop3A_235 : i32 to index
        %parallel_loop3A_287 = arith.constant 32 : index
        %parallel_loop3A_288 = tpu.vector_load %arg11[%parallel_loop3A_286, %parallel_loop3A_287] {strides = array<i32>} : memref<16x128xf32, #tpu.memory_space<vmem>>, vector<1x16xf32>,
        %parallel_loop3A_289 = vector.shape_cast %parallel_loop3A_288 : vector<1x16xf32> to vector<16xf32>
        %parallel_loop3A_290 = vector.shape_cast %parallel_loop3A_274#2 : vector<16xf32> to vector<1x16xf32>
        tpu.vector_store %arg11[%parallel_loop3A_286, %parallel_loop3A_287], %parallel_loop3A_290 {strides = array<i32>} : memref<16x128xf32, #tpu.memory_space<vmem>>, vector<1x16xf32>,
        %parallel_loop3A_291 = arith.index_cast %parallel_loop3A_235 : i32 to index
        %parallel_loop3A_292 = arith.constant 48 : index
        %parallel_loop3A_293 = tpu.vector_load %arg11[%parallel_loop3A_291, %parallel_loop3A_292] {strides = array<i32>} : memref<16x128xf32, #tpu.memory_space<vmem>>, vector<1x16xf32>,
        %parallel_loop3A_294 = vector.shape_cast %parallel_loop3A_293 : vector<1x16xf32> to vector<16xf32>
        %parallel_loop3A_295 = vector.shape_cast %parallel_loop3A_274#3 : vector<16xf32> to vector<1x16xf32>
        tpu.vector_store %arg11[%parallel_loop3A_291, %parallel_loop3A_292], %parallel_loop3A_295 {strides = array<i32>} : memref<16x128xf32, #tpu.memory_space<vmem>>, vector<1x16xf32>,
        %parallel_loop3A_296 = arith.index_cast %parallel_loop3A_235 : i32 to index
        %parallel_loop3A_297 = arith.constant 64 : index
        %parallel_loop3A_298 = tpu.vector_load %arg11[%parallel_loop3A_296, %parallel_loop3A_297] {strides = array<i32>} : memref<16x128xf32, #tpu.memory_space<vmem>>, vector<1x16xf32>,
        %parallel_loop3A_299 = vector.shape_cast %parallel_loop3A_298 : vector<1x16xf32> to vector<16xf32>
        %parallel_loop3A_300 = vector.shape_cast %parallel_loop3A_274#4 : vector<16xf32> to vector<1x16xf32>
        tpu.vector_store %arg11[%parallel_loop3A_296, %parallel_loop3A_297], %parallel_loop3A_300 {strides = array<i32>} : memref<16x128xf32, #tpu.memory_space<vmem>>, vector<1x16xf32>,
        %parallel_loop3A_301 = arith.index_cast %parallel_loop3A_235 : i32 to index
        %parallel_loop3A_302 = arith.constant 80 : index
        %parallel_loop3A_303 = tpu.vector_load %arg11[%parallel_loop3A_301, %parallel_loop3A_302] {strides = array<i32>} : memref<16x128xf32, #tpu.memory_space<vmem>>, vector<1x16xf32>,
        %parallel_loop3A_304 = vector.shape_cast %parallel_loop3A_303 : vector<1x16xf32> to vector<16xf32>
        %parallel_loop3A_305 = vector.shape_cast %parallel_loop3A_274#5 : vector<16xf32> to vector<1x16xf32>
        tpu.vector_store %arg11[%parallel_loop3A_301, %parallel_loop3A_302], %parallel_loop3A_305 {strides = array<i32>} : memref<16x128xf32, #tpu.memory_space<vmem>>, vector<1x16xf32>,
        %parallel_loop3A_306 = arith.index_cast %parallel_loop3A_235 : i32 to index
        %parallel_loop3A_307 = arith.constant 96 : index
        %parallel_loop3A_308 = tpu.vector_load %arg11[%parallel_loop3A_306, %parallel_loop3A_307] {strides = array<i32>} : memref<16x128xf32, #tpu.memory_space<vmem>>, vector<1x16xf32>,
        %parallel_loop3A_309 = vector.shape_cast %parallel_loop3A_308 : vector<1x16xf32> to vector<16xf32>
        %parallel_loop3A_310 = vector.shape_cast %parallel_loop3A_274#6 : vector<16xf32> to vector<1x16xf32>
        tpu.vector_store %arg11[%parallel_loop3A_306, %parallel_loop3A_307], %parallel_loop3A_310 {strides = array<i32>} : memref<16x128xf32, #tpu.memory_space<vmem>>, vector<1x16xf32>,
        %parallel_loop3A_311 = arith.index_cast %parallel_loop3A_235 : i32 to index
        %parallel_loop3A_312 = arith.constant 112 : index
        %parallel_loop3A_313 = tpu.vector_load %arg11[%parallel_loop3A_311, %parallel_loop3A_312] {strides = array<i32>} : memref<16x128xf32, #tpu.memory_space<vmem>>, vector<1x16xf32>,
        %parallel_loop3A_314 = vector.shape_cast %parallel_loop3A_313 : vector<1x16xf32> to vector<16xf32>
        %parallel_loop3A_315 = vector.shape_cast %parallel_loop3A_274#7 : vector<16xf32> to vector<1x16xf32>
        tpu.vector_store %arg11[%parallel_loop3A_311, %parallel_loop3A_312], %parallel_loop3A_315 {strides = array<i32>} : memref<16x128xf32, #tpu.memory_space<vmem>>, vector<1x16xf32>,
      } {sc.loop_unroll_factor = 2 : i64, sc.parallel_access}
      %mul3A_216 = arith.constant 32 : i32
      %mul3A_217 = arith.muli %add3A, %mul3A_216 : i32
      %add3A_218 = arith.addi %mul3A_217, %add3A_152 : i32
      %mul3A_219 = arith.constant 16 : i32
      %mul3A_220 = arith.muli %add3A_218, %mul3A_219 : i32
      %dma_start3A_221 = arith.constant 400 : i32
      %dma_start3A_222 = arith.constant 0 : i32
      %dma_start3A_223 = tpu.memref_slice %arg9[%dma_start3A_221, %dma_start3A_222] : memref<416x128xf32, #tpu.memory_space<vmem>> -> memref<16x128xf32, #tpu.memory_space<vmem>>
      %dma_start3A_224 = arith.constant 0 : i32
      %dma_start3A_225 = tpu.memref_slice %arg4[%mul3A_220, %dma_start3A_224] : memref<16384x128xf32, #tpu.memory_space<hbm>> -> memref<16x128xf32, #tpu.memory_space<hbm>>
      %dma_start3A_226 = arith.constant 0 : i32
      %dma_start3A_227 = tpu.memref_slice %arg4[%mul3A_220, %dma_start3A_226] : memref<16384x128xf32, #tpu.memory_space<hbm>> -> memref<16x128xf32, #tpu.memory_space<hbm>>
      %dma_start3A_228 = arith.constant 400 : i32
      %dma_start3A_229 = arith.constant 0 : i32
      %dma_start3A_230 = tpu.memref_slice %arg9[%dma_start3A_228, %dma_start3A_229] : memref<416x128xf32, #tpu.memory_space<vmem>> -> memref<16x128xf32, #tpu.memory_space<vmem>>
      tpu.enqueue_dma source(%dma_start3A_230 : memref<16x128xf32, #tpu.memory_space<vmem>>) target(%dma_start3A_227 : memref<16x128xf32, #tpu.memory_space<hbm>>) target_semaphore(%arg15 : memref<!tpu.dma_semaphore, #tpu.memory_space<semaphore_mem>>)
      %dma_start3A_231 = arith.constant 0 : i32
      %dma_start3A_232 = tpu.memref_slice %arg5[%mul3A_220, %dma_start3A_231] : memref<16384x128xf32, #tpu.memory_space<hbm>> -> memref<16x128xf32, #tpu.memory_space<hbm>>
      %dma_start3A_233 = arith.constant 0 : i32
      %dma_start3A_234 = tpu.memref_slice %arg5[%mul3A_220, %dma_start3A_233] : memref<16384x128xf32, #tpu.memory_space<hbm>> -> memref<16x128xf32, #tpu.memory_space<hbm>>
      tpu.enqueue_dma source(%arg11 : memref<16x128xf32, #tpu.memory_space<vmem>>) target(%dma_start3A_234 : memref<16x128xf32, #tpu.memory_space<hbm>>) target_semaphore(%arg15 : memref<!tpu.dma_semaphore, #tpu.memory_space<semaphore_mem>>)
    }
    %scan3A_49 = arith.constant 16 : i32
    %dma_wait3A = arith.constant 0 : i32
    %dma_wait3A_50 = arith.constant 0 : i32
    %dma_wait3A_51 = tpu.memref_slice %arg3[%dma_wait3A, %dma_wait3A_50] : memref<100000x128xf32, #tpu.memory_space<hbm>> -> memref<16x128xf32, #tpu.memory_space<hbm>>
    %dma_wait3A_52 = arith.constant 0 : i32
    %dma_wait3A_53 = arith.constant 0 : i32
    %dma_wait3A_54 = tpu.memref_slice %arg3[%dma_wait3A_52, %dma_wait3A_53] : memref<100000x128xf32, #tpu.memory_space<hbm>> -> memref<16x128xf32, #tpu.memory_space<hbm>>
    tpu.wait_dma2 semaphore(%arg15 : memref<!tpu.dma_semaphore, #tpu.memory_space<semaphore_mem>>) src(%dma_wait3A_54 : memref<16x128xf32, #tpu.memory_space<hbm>>) dst(%arg11 : memref<16x128xf32, #tpu.memory_space<vmem>>)
    %dma_wait3A_55 = arith.constant 400 : i32
    %dma_wait3A_56 = arith.constant 0 : i32
    %dma_wait3A_57 = tpu.memref_slice %arg9[%dma_wait3A_55, %dma_wait3A_56] : memref<416x128xf32, #tpu.memory_space<vmem>> -> memref<16x128xf32, #tpu.memory_space<vmem>>
    %dma_wait3A_58 = arith.constant 0 : i32
    %dma_wait3A_59 = arith.constant 0 : i32
    %dma_wait3A_60 = tpu.memref_slice %arg3[%dma_wait3A_58, %dma_wait3A_59] : memref<100000x128xf32, #tpu.memory_space<hbm>> -> memref<16x128xf32, #tpu.memory_space<hbm>>
    %dma_wait3A_61 = arith.constant 400 : i32
    %dma_wait3A_62 = arith.constant 0 : i32
    %dma_wait3A_63 = tpu.memref_slice %arg9[%dma_wait3A_61, %dma_wait3A_62] : memref<416x128xf32, #tpu.memory_space<vmem>> -> memref<16x128xf32, #tpu.memory_space<vmem>>
    %dma_wait3A_64 = arith.constant 0 : i32
    %dma_wait3A_65 = arith.constant 0 : i32
    %dma_wait3A_66 = tpu.memref_slice %arg3[%dma_wait3A_64, %dma_wait3A_65] : memref<100000x128xf32, #tpu.memory_space<hbm>> -> memref<16x128xf32, #tpu.memory_space<hbm>>
    tpu.wait_dma2 semaphore(%arg15 : memref<!tpu.dma_semaphore, #tpu.memory_space<semaphore_mem>>) src(%dma_wait3A_66 : memref<16x128xf32, #tpu.memory_space<hbm>>) dst(%dma_wait3A_63 : memref<16x128xf32, #tpu.memory_space<vmem>>)
    return
  }
}

module attributes {stable_mosaic.version = 14 : i64} {
  func.func @_tc_body(%arg0: i32, %arg1: memref<8192x128xf32, #tpu.memory_space<vmem>>, %arg2: memref<8192x128xf32, #tpu.memory_space<vmem>>, %arg3: memref<128x128xf32, #tpu.memory_space<vmem>>, %arg4: memref<128x128xf32, #tpu.memory_space<vmem>>, %arg5: memref<128x64xf32, #tpu.memory_space<vmem>>, %arg6: memref<8192x64xf32, #tpu.memory_space<vmem>>) attributes {dimension_semantics = [#tpu.dimension_semantics<arbitrary>], iteration_bounds = array<i64: 2>, scalar_prefetch = 0 : i64, scratch_operands = 0 : i64, tpu.core_type = #tpu.core_type<tc>, window_params = [{transform_indices = @transform_0, window_bounds = array<i64: 8192, 128>}, {transform_indices = @transform_1, window_bounds = array<i64: 8192, 128>}, {pipeline_mode = #tpu.pipeline_mode<synchronous>, transform_indices = @transform_2, window_bounds = array<i64: 128, 128>}, {pipeline_mode = #tpu.pipeline_mode<synchronous>, transform_indices = @transform_3, window_bounds = array<i64: 128, 128>}, {pipeline_mode = #tpu.pipeline_mode<synchronous>, transform_indices = @transform_4, window_bounds = array<i64: 128, 64>}, {transform_indices = @transform_5, window_bounds = array<i64: 8192, 64>}]} {
    %get3A = arith.constant 0 : index
    %get3A_0 = arith.constant 0 : index
    %get3A_1 = vector.load %arg1[%get3A, %get3A_0] : memref<8192x128xf32, #tpu.memory_space<vmem>>, vector<8192x128xf32>
    %get3A_2 = arith.constant 0 : index
    %get3A_3 = arith.constant 0 : index
    %get3A_4 = vector.load %arg3[%get3A_2, %get3A_3] : memref<128x128xf32, #tpu.memory_space<vmem>>, vector<128x128xf32>
    %dot_general3A = arith.constant dense<0.000000e+00> : vector<8192x128xf32>
    %dot_general3A_5 = tpu.matmul %get3A_1, %get3A_4, %dot_general3A {dimension_numbers = #tpu.dot_dimension_numbers<[1], [0], [0], [1], [0, 0, 1, 1], [], []>, transpose_lhs_hint = false} : vector<8192x128xf32>, vector<128x128xf32>, vector<8192x128xf32> -> vector<8192x128xf32>
    %get3A_6 = arith.constant 0 : index
    %get3A_7 = arith.constant 0 : index
    %get3A_8 = vector.load %arg2[%get3A_6, %get3A_7] : memref<8192x128xf32, #tpu.memory_space<vmem>>, vector<8192x128xf32>
    %get3A_9 = arith.constant 0 : index
    %get3A_10 = arith.constant 0 : index
    %get3A_11 = vector.load %arg4[%get3A_9, %get3A_10] : memref<128x128xf32, #tpu.memory_space<vmem>>, vector<128x128xf32>
    %dot_general3A_12 = arith.constant dense<0.000000e+00> : vector<8192x128xf32>
    %dot_general3A_13 = tpu.matmul %get3A_8, %get3A_11, %dot_general3A_12 {dimension_numbers = #tpu.dot_dimension_numbers<[1], [0], [0], [1], [0, 0, 1, 1], [], []>, transpose_lhs_hint = false} : vector<8192x128xf32>, vector<128x128xf32>, vector<8192x128xf32> -> vector<8192x128xf32>
    %add3A = arith.addf %dot_general3A_5, %dot_general3A_13 : vector<8192x128xf32>
    %max3A = arith.constant 0.000000e+00 : f32
    %max3A_14 = vector.broadcast %max3A : f32 to vector<8192x128xf32>
    %max3A_15 = arith.maximumf %add3A, %max3A_14 : vector<8192x128xf32>
    %get3A_16 = arith.constant 0 : index
    %get3A_17 = arith.constant 0 : index
    %get3A_18 = vector.load %arg5[%get3A_16, %get3A_17] : memref<128x64xf32, #tpu.memory_space<vmem>>, vector<128x64xf32>
    %dot_general3A_19 = arith.constant dense<0.000000e+00> : vector<8192x64xf32>
    %dot_general3A_20 = tpu.matmul %max3A_15, %get3A_18, %dot_general3A_19 {dimension_numbers = #tpu.dot_dimension_numbers<[1], [0], [0], [1], [0, 0, 1, 1], [], []>, transpose_lhs_hint = false} : vector<8192x128xf32>, vector<128x64xf32>, vector<8192x64xf32> -> vector<8192x64xf32>
    %swap3A = arith.constant 0 : index
    %swap3A_21 = arith.constant 0 : index
    %swap3A_22 = vector.load %arg6[%swap3A, %swap3A_21] : memref<8192x64xf32, #tpu.memory_space<vmem>>, vector<8192x64xf32>
    tpu.vector_store %arg6[%swap3A, %swap3A_21], %dot_general3A_20 {strides = array<i32>} : memref<8192x64xf32, #tpu.memory_space<vmem>>, vector<8192x64xf32>,
    return
  }
  func.func @transform_0(%arg0: i32) -> (i32, i32) {
    %c0_i32 = arith.constant 0 : i32
    %c0_i32_0 = arith.constant 0 : i32
    return %arg0, %c0_i32 : i32, i32
  }
  func.func @transform_1(%arg0: i32) -> (i32, i32) {
    %c0_i32 = arith.constant 0 : i32
    %c0_i32_0 = arith.constant 0 : i32
    return %arg0, %c0_i32 : i32, i32
  }
  func.func @transform_2(%arg0: i32) -> (i32, i32) {
    %c0_i32 = arith.constant 0 : i32
    %c0_i32_0 = arith.constant 0 : i32
    %c0_i32_1 = arith.constant 0 : i32
    return %c0_i32, %c0_i32_0 : i32, i32
  }
  func.func @transform_3(%arg0: i32) -> (i32, i32) {
    %c0_i32 = arith.constant 0 : i32
    %c0_i32_0 = arith.constant 0 : i32
    %c0_i32_1 = arith.constant 0 : i32
    return %c0_i32, %c0_i32_0 : i32, i32
  }
  func.func @transform_4(%arg0: i32) -> (i32, i32) {
    %c0_i32 = arith.constant 0 : i32
    %c0_i32_0 = arith.constant 0 : i32
    %c0_i32_1 = arith.constant 0 : i32
    return %c0_i32, %c0_i32_0 : i32, i32
  }
  func.func @transform_5(%arg0: i32) -> (i32, i32) {
    %c0_i32 = arith.constant 0 : i32
    %c0_i32_0 = arith.constant 0 : i32
    return %arg0, %c0_i32 : i32, i32
  }
}

</mosaic_0001>

<sc_bundles>
// kernel: kernel.4.cloned.1.call-start
scs
__scs_entry_jumppad:
0x0: {  	(pc) =	sbr.rel $0x88, $3  }
0x1: {  	(tag) =	ssettag $0x0;
	lr =	simm.s32 $0x1  }
0x2: {  	[smem:$0x3F9C] =	sst lr;
	_ =	strace $0xD0000000  }
0x3: {  	_ = 	snop  }
0x4: {  	_ = 	snop  }
0x5: {  	_ = 	snop  }
0x6: {  	_ = 	snop  }
0x7: {  	_ = 	snop  }
__scs_overlays_trampoline_lowered:
0x8: {  	[smem:$0x3FAB] =	sst s0  }
0x9: {  	[smem:$0x3FAC] =	sst s1  }
0xa: {  	[smem:$0x3FAD] =	sst s2  }
0xb: {  	[smem:$0x3FAE] =	sst s3  }
0xc: {  	[smem:$0x3FAF] =	sst s4  }
0xd: {  	[smem:$0x3FB0] =	sst s5  }
0xe: {  	[smem:$0x3FB1] =	sst s6  }
0xf: {  	[smem:$0x3FB2] =	sst s7  }
0x10: {  	[smem:$0x3FB3] =	sst s8  }
0x11: {  	[smem:$0x3FB4] =	sst s9;
	s0 =	simm.s32 @!p0 $0x0  }
0x12: {  	s1 =	sld [smem:$0x3F9A];
	s0 =	simm.s32 @p0 $0x1  }
0x13: {  	[smem:$0x3FB5] =	sst s0;
	s0 =	simm.s32 @!p1 $0x0  }
0x14: {  	s2 =	sld [smem:$0x3F99];
	s0 =	simm.s32 @p1 $0x1  }
0x15: {  	[smem:$0x3FB6] =	sst s0;
	s0 =	simm.s32 @!p2 $0x0  }
0x16: {  	s3 =	sld [smem:$0x3FDB];
	s0 =	simm.s32 @p2 $0x1  }
0x17: {  	s4 =	simm.s32 $0x1BF5;
	[smem:$0x3FB8] =	sst s0  }
0x18: {  	s0 =	sld [smem:$0x3F9B];
	_ =	swait.ge [sflag:s4], $0x0  }
0x19: {  	s7 =	sld [smem:$0x3F9C]  }
0x1a: {  	s8 =	sadd.s32 $0xFFFFE003, lr  }
0x1b: {  	s9 =	sadd.s32 $0xFFFFFEF7, lr;
	s5 =	simm.s32 $0xFFFFFFFF;
	p2 =	slt.u32 s8, $0xFFFFF086  }
0x1c: {  	p1 =	slt.u32 s9, $0xF7A;
	s5 =	simm.s32 @!p2 $0x0  }
0x1d: {  	s5 =	simm.s32 @p1 $0x1;
	p0 =	seq.s32 s7, s2  }
0x1e: {  	s7 =	smul.u32 @!p0 $0xF7A, s2;
	p2 =	seq.s32 @!p0 s5, $0x0  }
0x1f: {  	s9 =	smul.u32 $0xF7A, s1;
	s8 =	simm.s32 @!p0 $0x1BF5;
	p2 =	por !p2, p0  }
0x20: {  	[sflag:s8] =	ssyncset.s32 @!p0 $0xFFFFF086;
	s6 =	sadd.s32 @!p0 s3, s7;
	s7 =	simm.s32 @!p0 $0x108  }
0x21: {  	s3 =	sadd.s32 s3, s9;
	s6 =	sadd.s32 @!p0 $0x88, s6;
	s7 =	simm.s32 @p2 $0x1082  }
0x22: {  	[simem:s7], [sflag:s8] =	dma.local @!p0 [hbm:s6], $0xF7A  }
0x23: {  	s9 =	sor.u32 $0xD0000000, s2;
	s6 =	simm.s32 $0x108;
	_ =	swait.ge @!p0 [sflag:s8], $0x0  }
0x24: {  	s3 =	sadd.s32 $0x88, s3;
	s6 =	simm.s32 @!p1 $0x1082;
	[sflag:s4] =	ssyncset.s32 $0xFFFFF086  }
0x25: {  	[simem:s6], [sflag:s4] =	dma.local [hbm:s3], $0xF7A  }
0x26: {  	[smem:$0x3F9C] =	sst s1;
	(tag) =	ssettag s2;
	_ =	strace s9  }
0x27: {  	s1 =	sld [smem:$0x3FAC]  }
0x28: {  	s2 =	sld [smem:$0x3FAD]  }
0x29: {  	s4 =	sld [smem:$0x3FAF]  }
0x2a: {  	p0 =	seq.s32 s5, $0x0;
	s5 =	sld [smem:$0x3FB0]  }
0x2b: {  	s6 =	sld [smem:$0x3FB1]  }
0x2c: {  	s7 =	sld [smem:$0x3FB2]  }
0x2d: {  	s3 =	simm.s32 $0x108;
	s8 =	sld [smem:$0x3FB3]  }
0x2e: {  	s3 =	simm.s32 @!p0 $0x1082;
	s9 =	sld [smem:$0x3FB4]  }
0x2f: {  	lr =	sadd.s32 s0, s3;
	s0 =	sld [smem:$0x3FAB]  }
0x30: {  	s3 =	sld [smem:$0x3FAE]  }
0x31: {  	[smem:$0x3FB7] =	sst s10  }
0x32: {  	s10 =	sld [smem:$0x3FB5];
	_ =	sdelay $0x3  }
0x33: {  	p0 =	seq.s32 s10, $0x1;
	s10 =	sld [smem:$0x3FB7];
	_ =	sdelay $0x3  }
0x34: {  	[smem:$0x3FB7] =	sst s10  }
0x35: {  	s10 =	sld [smem:$0x3FB6];
	_ =	sdelay $0x3  }
0x36: {  	p1 =	seq.s32 s10, $0x1;
	s10 =	sld [smem:$0x3FB7];
	_ =	sdelay $0x3  }
0x37: {  	[smem:$0x3FB7] =	sst s10  }
0x38: {  	s10 =	sld [smem:$0x3FB8]  }
0x39: {  	_ = 	snop;
	(pc) =	sbr.ind lr, $3  }
0x3a: {  	_ = 	snop  }
0x3b: {  	_ = 	snop  }
0x3c: {  	p2 =	seq.s32 s10, $0x1;
	s10 =	sld [smem:$0x3FB7]  }
0x3d: {  	_ =	shalt  }
0x3e: {  	_ =	shalt  }
0x3f: {  	_ =	shalt  }
0x40: {  	_ =	shalt  }
0x41: {  	_ =	shalt  }
0x42: {  	_ =	shalt  }
0x43: {  	_ =	shalt  }
0x44: {  	_ =	shalt  }
0x45: {  	_ =	shalt  }
0x46: {  	_ =	shalt  }
0x47: {  	_ =	shalt  }
0x48: {  	_ =	shalt  }
0x49: {  	_ =	shalt  }
0x4a: {  	_ =	shalt  }
0x4b: {  	_ =	shalt  }
0x4c: {  	_ =	shalt  }
0x4d: {  	_ =	shalt  }
0x4e: {  	_ =	shalt  }
0x4f: {  	_ =	shalt  }
0x50: {  	_ =	shalt  }
0x51: {  	_ =	shalt  }
0x52: {  	_ =	shalt  }
0x53: {  	_ =	shalt  }
0x54: {  	_ =	shalt  }
0x55: {  	_ =	shalt  }
0x56: {  	_ =	shalt  }
0x57: {  	_ =	shalt  }
0x58: {  	_ =	shalt  }
0x59: {  	_ =	shalt  }
0x5a: {  	_ =	shalt  }
0x5b: {  	_ =	shalt  }
0x5c: {  	_ =	shalt  }
0x5d: {  	_ =	shalt  }
0x5e: {  	_ =	shalt  }
0x5f: {  	_ =	shalt  }
0x60: {  	_ =	shalt  }
0x61: {  	_ =	shalt  }
0x62: {  	_ =	shalt  }
0x63: {  	_ =	shalt  }
0x64: {  	_ =	shalt  }
0x65: {  	_ =	shalt  }
0x66: {  	_ =	shalt  }
0x67: {  	_ =	shalt  }
0x68: {  	_ =	shalt  }
0x69: {  	_ =	shalt  }
0x6a: {  	_ =	shalt  }
0x6b: {  	_ =	shalt  }
0x6c: {  	_ =	shalt  }
0x6d: {  	_ =	shalt  }
0x6e: {  	_ =	shalt  }
0x6f: {  	_ =	shalt  }
0x70: {  	_ =	shalt  }
0x71: {  	_ =	shalt  }
0x72: {  	_ =	shalt  }
0x73: {  	_ =	shalt  }
0x74: {  	_ =	shalt  }
0x75: {  	_ =	shalt  }
0x76: {  	_ =	shalt  }
0x77: {  	_ =	shalt  }
0x78: {  	_ =	shalt  }
0x79: {  	_ =	shalt  }
0x7a: {  	_ =	shalt  }
0x7b: {  	_ =	shalt  }
0x7c: {  	_ =	shalt  }
0x7d: {  	_ =	shalt  }
0x7e: {  	_ =	shalt  }
0x7f: {  	_ =	shalt  }
0x80: {  	_ =	shalt  }
0x81: {  	_ =	shalt  }
0x82: {  	_ =	shalt  }
0x83: {  	_ =	shalt  }
0x84: {  	_ =	shalt  }
0x85: {  	_ =	shalt  }
0x86: {  	_ =	shalt  }
0x87: {  	_ =	shalt  }
.Lfunc_end0:
.L_simem_size_0:
called_computation_lowered:
.L_overlay_start_0:
0x88: {  	s2 =	sld [smem:$0x3FD9]  }
0x89: {  	s3 =	sld [smem:$0x3FFE];
	_ =	sdelay $0x1  }
0x8a: {  	s1 =	srdreg.scid  }
0x8b: {  	s0 =	sand.u32 $0x1, s1  }
0x8c: {  	s17 =	sshll.u32 s0, $0xA;
	s2 =	sadd.s32 s3, s2  }
0x8d: {  	s2 =	sadd.s32 s2, s17  }
0x8e: {  	[smem:$0x3FC3] =	sst s2  }
0x8f: {  	_ = 	snop  }
0x90: {  	s2 =	sld [smem:$0x3FC7]  }
0x91: {  	s18 =	sld [smem:$0x3FD0];
	(tm) =	ssettm $0x1  }
0x92: {  	s4 =	sld [smem:$0x3FFB];
	_ =	sdelay $0x3  }
0x93: {  	_ =	strace s4  }
0x94: {  	s4 =	sld [smem:$0x3FFC];
	_ =	sdelay $0x3  }
0x95: {  	_ =	strace s4  }
0x96: {  	s4 =	sld [smem:$0x3FFD];
	_ =	sdelay $0x3  }
0x97: {  	_ =	strace s4  }
0x98: {  	_ =	strace $0x8FFFFFFF  }
0x99: {  	s19 =	sld [smem:$0x3FDB];
	_ =	sdelay $0x1  }
0x9a: {  	s5 =	simm.s32 $_scs_section_size  }
0x9b: {  	s6 =	simm.s32 $_size__tile_overlayer_lowered;
	s7 =	simm.s32 $_tile_overlayer_lowered  }
0x9c: {  	s22 =	simm.s32 $0x1BFF;
	s21 =	sshll.u32 s7, $0x1;
	s4 =	sadd.s32 s5, s19  }
0x9d: {  	s8 =	simm.s32 $0x0;
	s20 =	sshll.u32 s6, $0x1;
	s6 =	sadd.s32 s21, s4  }
0x9e: {  	[timem:s8], [sflag:s22] =	dma.local [hbm:s6], s20  }
0x9f: {  	_ =	swait.ge [sflag:s22], s20  }
0xa0: {  	s5 =	ssub.s32 $0x0, s20;
	[sflag:s22] =	ssyncset.done $0x0  }
0xa1: {  	[sflag:s22] =	ssyncadd.s32 s5;
	_ =	sdelay $0x1  }
0xa2: {  	s23 =	simm.s32 $0x1B8B  }
0xa3: {  	_ =	swait.ge [sflag:s23], $0x1  }
0xa4: {  	[sflag:s23] =	ssyncset.done $0x0  }
0xa5: {  	s25 =	simm.s32 $0x1B8E;
	s24 =	sld [smem:$0x3FFE];
	[sflag:s23] =	ssyncadd.s32 $0xFFFFFFFF  }
0xa6: {  	s26 =	simm.s32 $execute0_lowered;
	[smem:$0x3FD2] =	sst s25  }
0xa7: {  	s6 =	sshll.u32 s26, $0x1;
	_ =	strace $0x80000046;
	[dreg:$0x1] =	wrdreg $0xFFFFFFFF  }
0xa8: {  	s28 =	simm.s32 $_size_execute0_lowered;
	s4 =	sadd.s32 s4, s6;
	[dreg:$0x0] =	wrdreg $0x0  }
0xa9: {  	s6 =	sshll.u32 s28, $0x1;
	[dreg:$0x2] =	wrdreg s4  }
0xaa: {  	[dreg:$0x3] =	wrdreg s6  }
0xab: {  	[dreg:$0x4] =	wrdreg $0xC0  }
0xac: {  	_ =	task [dreg:s8], $0x5FFFF  }
0xad: {  	[dreg:$0x1] =	wrdreg $0xFFFFFFFF  }
0xae: {  	[dreg:$0x0] =	wrdreg $0x60  }
0xaf: {  	[dreg:$0x2] =	wrdreg s18  }
0xb0: {  	[dreg:$0x3] =	wrdreg s2  }
0xb1: {  	[dreg:$0x4] =	wrdreg s24  }
0xb2: {  	[dreg:$0x5] =	wrdreg $0x9  }
0xb3: {  	_ =	task.clear_ibuf [dreg:s8], $0x6FFFF;
	_ =	strace $0x90000046  }
0xb4: {  	s29 =	simm.s32 $0x9;
	_ =	strace $0x80000048  }
0xb5: {  	_ =	swait.ge [sflag:s29], $0x1  }
0xb6: {  	[sflag:s29] =	ssyncadd.s32 $0xFFFFFFFF  }
0xb7: {  	_ =	strace $0x90000048  }
0xb8: {  	_ =	sfence  }
0xb9: {  	s30 =	sld [smem:$0x0];
	_ =	sdelay $0x2  }
0xba: {  	s31 =	sshll.u32 s1, $0xD;
	s1 =	sshrl.u32 s1, $0x2  }
0xbb: {  	s3 =	sand.u32 $0x4000, s31;
	s1 =	sadd.s32 s1, s30  }
0xbc: {  	s0 =	sor.u32 s3, s0;
	s1 =	sshll.u32 s1, $0x11  }
0xbd: {  	s0 =	sor.u32 s1, s0  }
0xbe: {  	s0 =	sadd.s32 $0x8F2B, s0  }
0xbf: {  	[sflag:s0] =	ssyncadd.remote.s32 $0x1  }
0xc0: {  	_ =	sfence.sel $0xFFFF  }
0xc1: {  	[dreg:$0x0] =	wrdreg $0xFFFFFFFF;
	(pc) =	sbr.abs _section_cstart, $3  }
0xc2: {  	[dreg:$0x1] =	wrdreg $0xFFFFFFFF  }
0xc3: {  	_ =	task.clear_ibuf [dreg:s8], $0x2FFFF;
	_ =	strace $0x9FFFFFFF  }
0xc4: {  	(tm) =	ssettm $0x7FFFFFFF  }
0xc5: {  	_ =	shalt  }
tec
execute0_lowered:
.L_overlay_start_1:
0x0: {  	(tag) =	ssettag $0x1  }
0x1: {  	s9 =	rddreg [dreg:$0x0]  }
0x2: {  	s2 =	rddreg [dreg:$0x1]  }
0x3: {  	s0 =	rddreg [dreg:$0x2];
	s4 =	simm.s32 $0x0;
	s1 =	srdreg.scid  }
0x4: {  	s3 =	stileid.u32;
	s11 =	simm.s32 $0x5;
	s12 =	simm.s32 $0x68  }
0x5: {  	s20 =	simm.s32 $0x200;
	s24 =	simm.s32 $0x300;
	s28 =	simm.s32 $0x17000  }
0x6: {  	s29 =	simm.s32 $0x1;
	s30 =	simm.s32 $0xCC00;
	s31 =	simm.s32 $0x1A400  }
0x7: {  	s13 =	simm.s32 $0x19C00;
	s14 =	simm.s32 $0x1AC00;
	s15 =	simm.s32 $0x0  }
0x8: {  	[smem:$0x7FF] =	sst s4;
	s5 =	sadd.s32 $0x1000, s0;
	s1 =	sand.u32 $0x1, s1  }
0x9: {  	s3 =	sshll.u32 s3, $0x1;
	s6 =	sadd.s32 $0x41000, s0;
	s23 =	smov.u32 s9  }
0xa: {  	_ =	strace $0x80000047;
	s25 =	ssub.s32 $0x2, s1;
	s1 =	sor.u32 s1, s3  }
0xb: {  	s3 =	simm.s32 $0x2;
	s26 =	sshrl.u32 s25, $0x1;
	s8 =	sshll.u32 s1, $0xB  }
0xc: {  	s7 =	sshll.u32 s1, $0x5;
	s0 =	ssub.s32 s25, s26;
	s8 =	sadd.s32 s9, s8  }
0xd: {  	s9 =	sor.u32 $0x2, s7;
	s25 =	simm.s32 $0x13C00;
	s0 =	smax.u32 s0, $0x1  }
0xe: {  	s26 =	simm.s32 $0x380;
	[dreg:$0x4] =	wrdreg s0;
	s0 =	simm.s32 $0x3  }
.LBB2_1:
0xf: {  	[dreg:$0x5] =	wrdreg s15  }
0x10: {  	[tilespmem:s4], [sflag:$0x5] =	stream.linear.gather [hbm4b:s8+s4], $0x200, $0x38;
	[tilespmem:$0x1B400] =	vst v63  }
0x11: {  	_ =	swait.ge [sflag:s11], $0x200  }
0x12: {  	[sflag:s11] =	ssyncset.done $0x0  }
0x13: {  	s1 =	simm.s32 $0x400;
	[sflag:s11] =	ssyncadd.s32 $0xFFFFFE00  }
0x14: {  	[tilespmem:s1], [sflag:$0x1] =	stream.indirect.gather [hbm4b:s2+s12], $0x80, s4, s12, $0xb8;
	[tilespmem:$0x1B400] =	vst v63  }
0x15: {  	s17 =	simm.s32 $0x80;
	s10 =	simm.s32 $0x3800  }
0x16: {  	[tilespmem:s10], [sflag:$0x1] =	stream.indirect.gather [hbm4b:s2+s12], $0x80, s17, s12, $0xb8;
	[tilespmem:$0x1B400] =	vst v63  }
0x17: {  	s18 =	simm.s32 $0x100;
	s19 =	simm.s32 $0x6C00  }
0x18: {  	[tilespmem:s19], [sflag:$0x1] =	stream.indirect.gather [hbm4b:s2+s12], $0x80, s18, s12, $0xb8;
	[tilespmem:$0x1B400] =	vst v63  }
0x19: {  	s21 =	simm.s32 $0x180;
	s22 =	simm.s32 $0xA000;
	s17 =	simm.s32 $0x0  }
0x1a: {  	[tilespmem:s22], [sflag:$0x1] =	stream.indirect.gather [hbm4b:s2+s12], $0x80, s21, s12, $0xb8;
	[tilespmem:$0x1B400] =	vst v63  }
.LBB2_2:
0x1b: {  	p0 =	seq.s32 s17, $0x0  }
0x1c: {  	s1 =	simm.s32 @!p0 $0x4  }
0x1d: {  	_ =	swait.ge @!p0 [sflag:s1], $0x800  }
0x1e: {  	[sflag:s1] =	ssyncset.done @!p0 $0x0  }
0x1f: {  	s19 =	sshll.u32 s17, $0x1;
	[sflag:s1] =	ssyncadd.s32 @!p0 $0xFFFFF800  }
0x20: {  	s18 =	sor.u32 $0x1, s19;
	_ =	swait.ge @!p0 [sflag:s1], $0x800  }
0x21: {  	s10 =	sshll.u32 s18, $0x6;
	[sflag:s1] =	ssyncset.done @!p0 $0x0  }
0x22: {  	s16 =	sadd.s32 s10, s8;
	s10 =	simm.s32 $0x0;
	[sflag:s1] =	ssyncadd.s32 @!p0 $0xFFFFF800  }
0x23: {  	[tilespmem:s20], [sflag:$0x5] =	stream.linear.gather [hbm4b:s16+s10], $0x200, $0x38;
	[tilespmem:$0x1B400] =	vst v63  }
0x24: {  	_ =	swait.ge [sflag:s11], $0x200  }
0x25: {  	[sflag:s11] =	ssyncset.done $0x0  }
0x26: {  	s21 =	simm.s32 $0xD400;
	[sflag:s11] =	ssyncadd.s32 $0xFFFFFE00  }
0x27: {  	[tilespmem:s21], [sflag:$0x2] =	stream.indirect.gather [hbm4b:s2+s12], $0x80, s20, s12, $0xb8;
	[tilespmem:$0x1B400] =	vst v63  }
0x28: {  	s22 =	simm.s32 $0x280;
	s15 =	simm.s32 $0x10800  }
0x29: {  	[tilespmem:s15], [sflag:$0x2] =	stream.indirect.gather [hbm4b:s2+s12], $0x80, s22, s12, $0xb8;
	[tilespmem:$0x1B400] =	vst v63  }
0x2a: {  	_ = 	snop  }
0x2b: {  	[tilespmem:s25], [sflag:$0x2] =	stream.indirect.gather [hbm4b:s2+s12], $0x80, s24, s12, $0xb8;
	[tilespmem:$0x1B400] =	vst v63  }
0x2c: {  	_ = 	snop  }
0x2d: {  	[tilespmem:s28], [sflag:$0x2] =	stream.indirect.gather [hbm4b:s2+s12], $0x80, s26, s12, $0xb8;
	[tilespmem:$0x1B400] =	vst v63  }
0x2e: {  	_ =	swait.ge [sflag:s29], $0x3400  }
0x2f: {  	[sflag:s29] =	ssyncset.done $0x0  }
0x30: {  	[sflag:s29] =	ssyncadd.s32 $0xFFFFCC00  }
0x31: {  	_ =	swait.ge [sflag:s29], $0x3400  }
0x32: {  	[sflag:s29] =	ssyncset.done $0x0  }
0x33: {  	[sflag:s29] =	ssyncadd.s32 $0xFFFFCC00  }
0x34: {  	_ =	swait.ge [sflag:s29], $0x3400  }
0x35: {  	[sflag:s29] =	ssyncset.done $0x0  }
0x36: {  	[sflag:s29] =	ssyncadd.s32 $0xFFFFCC00  }
0x37: {  	_ =	swait.ge [sflag:s29], $0x3400  }
0x38: {  	[sflag:s29] =	ssyncset.done $0x0  }
0x39: {  	s16 =	simm.s32 $0x14F0;
	s15 =	simm.s32 $0x640;
	[sflag:s29] =	ssyncadd.s32 $0xFFFFCC00  }
.LBB2_3:
0x3a: {  	v8 =	vld [tilespmem:s15+$0x1C0]  }
0x3b: {  	v9 =	vld [tilespmem:s15+$0x1D0]  }
0x3c: {  	v16 =	vld [tilespmem:s15+$0x1E0]  }
0x3d: {  	v17 =	vld [tilespmem:s15+$0x1F0]  }
0x3e: {  	v0 =	vld [tilespmem:s15+$0x200]  }
0x3f: {  	v1 =	vld [tilespmem:s15+$0x210]  }
0x40: {  	v10 =	vld [tilespmem:s15+$0x140]  }
0x41: {  	v11 =	vld [tilespmem:s15+$0x150]  }
0x42: {  	v18 =	vld [tilespmem:s15+$0x160]  }
0x43: {  	v19 =	vld [tilespmem:s15+$0x170]  }
0x44: {  	v4 =	vld [tilespmem:s15+$0x180]  }
0x45: {  	v5 =	vld [tilespmem:s15+$0x190]  }
0x46: {  	v20 =	vld [tilespmem:s15+$0xC0]  }
0x47: {  	v21 =	vld [tilespmem:s15+$0xD0]  }
0x48: {  	v22 =	vld [tilespmem:s15+$0xE0]  }
0x49: {  	v23 =	vld [tilespmem:s15+$0xF0]  }
0x4a: {  	v24 =	vld [tilespmem:s15+$0x100]  }
0x4b: {  	v25 =	vld [tilespmem:s15+$0x110]  }
0x4c: {  	v26 =	vld [tilespmem:s15+$0x40]  }
0x4d: {  	v27 =	vld [tilespmem:s15+$0x50]  }
0x4e: {  	v28 =	vld [tilespmem:s15+$0x60]  }
0x4f: {  	v29 =	vld [tilespmem:s15+$0x70]  }
0x50: {  	v30 =	vld [tilespmem:s15+$0x80]  }
0x51: {  	v31 =	vld [tilespmem:s15+$0x90]  }
0x52: {  	v32 =	vld [tilespmem:s15+$0xFFFFFFC0]  }
0x53: {  	v33 =	vld [tilespmem:s15+$0xFFFFFFD0]  }
0x54: {  	v34 =	vld [tilespmem:s15+$0xFFFFFF40]  }
0x55: {  	v35 =	vld [tilespmem:s15+$0xFFFFFF50]  }
0x56: {  	v36 =	vld [tilespmem:s15+$0xFFFFFEC0]  }
0x57: {  	v37 =	vld [tilespmem:s15+$0xFFFFFED0]  }
0x58: {  	v38 =	vld [tilespmem:s15+$0xFFFFFE40]  }
0x59: {  	v39 =	vld [tilespmem:s15+$0xFFFFFE50]  }
0x5a: {  	v40 =	vld [tilespmem:s15+$0xFFFFFE60]  }
0x5b: {  	v41 =	vld [tilespmem:s15+$0xFFFFFE70]  }
0x5c: {  	v42 =	vld [tilespmem:s15+$0xFFFFFEE0]  }
0x5d: {  	s1 =	smul.u32 $0x3200, s10;
	v43 =	vld [tilespmem:s15+$0xFFFFFEF0]  }
0x5e: {  	v44 =	vld [tilespmem:s15+$0xFFFFFF60]  }
0x5f: {  	v53 =	vld [tilespmem:s15+$0xFFFFFF70];
	s1 =	sshra.s32 s1, $0x2  }
0x60: {  	v2 =	vld [tilespmem:s1+$0x400]  }
0x61: {  	v3 =	vld [tilespmem:s1+$0x410]  }
0x62: {  	v6 =	vld [tilespmem:s1+$0x420]  }
0x63: {  	v7 =	vld [tilespmem:s1+$0x430]  }
0x64: {  	v54 =	vld [tilespmem:s15+$0xFFFFFFE0]  }
0x65: {  	v55 =	vld [tilespmem:s15+$0xFFFFFFF0]  }
0x66: {  	v56 =	vld [tilespmem:s15+$0x0]  }
0x67: {  	v57 =	vld [tilespmem:s15+$0x10];
	v2 =	vadd.f32 v38, v2;
	v3 =	vadd.f32 v39, v3  }
0x68: {  	v58 =	vld [tilespmem:s15+$0xFFFFFF80];
	v6 =	vadd.f32 v40, v6;
	v7 =	vadd.f32 v41, v7  }
0x69: {  	v59 =	vld [tilespmem:s15+$0xFFFFFF90];
	v2 =	vadd.f32 v36, v2;
	v3 =	vadd.f32 v37, v3  }
0x6a: {  	v60 =	vld [tilespmem:s15+$0xFFFFFF00];
	v6 =	vadd.f32 v42, v6;
	v7 =	vadd.f32 v43, v7  }
0x6b: {  	v61 =	vld [tilespmem:s15+$0xFFFFFF10];
	v2 =	vadd.f32 v34, v2;
	v3 =	vadd.f32 v35, v3  }
0x6c: {  	v62 =	vld [tilespmem:s15+$0xFFFFFE80];
	v6 =	vadd.f32 v44, v6;
	v7 =	vadd.f32 v53, v7  }
0x6d: {  	v63 =	vld [tilespmem:s15+$0xFFFFFE90];
	v2 =	vadd.f32 v32, v2;
	v3 =	vadd.f32 v33, v3  }
0x6e: {  	v12 =	vld [tilespmem:s1+$0x440];
	v6 =	vadd.f32 v54, v6;
	v7 =	vadd.f32 v55, v7  }
0x6f: {  	v13 =	vld [tilespmem:s1+$0x450];
	v2 =	vadd.f32 v26, v2;
	v3 =	vadd.f32 v27, v3  }
0x70: {  	v14 =	vld [tilespmem:s1+$0x460];
	v6 =	vadd.f32 v28, v6;
	v7 =	vadd.f32 v29, v7  }
0x71: {  	v15 =	vld [tilespmem:s1+$0x470];
	v2 =	vadd.f32 v20, v2;
	v3 =	vadd.f32 v21, v3  }
0x72: {  	v20 =	vld [tilespmem:s15+$0xFFFFFEA0];
	v6 =	vadd.f32 v22, v6;
	v7 =	vadd.f32 v23, v7  }
0x73: {  	v21 =	vld [tilespmem:s15+$0xFFFFFEB0];
	v2 =	vadd.f32 v10, v2;
	v3 =	vadd.f32 v11, v3  }
0x74: {  	v22 =	vld [tilespmem:s15+$0xFFFFFF20];
	v6 =	vadd.f32 v18, v6;
	v7 =	vadd.f32 v19, v7  }
0x75: {  	v18 =	vld [tilespmem:s15+$0xFFFFFF30];
	v11 =	vadd.f32 v8, v2;
	v10 =	vadd.f32 v9, v3  }
0x76: {  	v2 =	vld [tilespmem:s15+$0xFFFFFFA0];
	v9 =	vadd.f32 v16, v6;
	v8 =	vadd.f32 v17, v7  }
0x77: {  	v3 =	vadd.f32 v62, v12;
	v6 =	vadd.f32 v63, v13;
	v7 =	vld [tilespmem:s15+$0xFFFFFFB0]  }
0x78: {  	v16 =	vld [tilespmem:s15+$0x30];
	v12 =	vadd.f32 v20, v14;
	v13 =	vadd.f32 v21, v15  }
0x79: {  	v15 =	vld [tilespmem:s15+$0x20];
	v3 =	vadd.f32 v60, v3;
	v6 =	vadd.f32 v61, v6  }
0x7a: {  	v17 =	vld [tilespmem:s15+$0xA0];
	v12 =	vadd.f32 v22, v12;
	v13 =	vadd.f32 v18, v13  }
0x7b: {  	v18 =	vld [tilespmem:s15+$0xB0];
	v3 =	vadd.f32 v58, v3;
	v6 =	vadd.f32 v59, v6  }
0x7c: {  	v14 =	vld [tilespmem:s15+$0x130];
	v2 =	vadd.f32 v2, v12;
	v7 =	vadd.f32 v7, v13  }
0x7d: {  	v12 =	vld [tilespmem:s15+$0x120];
	v3 =	vadd.f32 v56, v3;
	v6 =	vadd.f32 v57, v6  }
0x7e: {  	v13 =	vld [tilespmem:s15+$0x1A0];
	v2 =	vadd.f32 v15, v2;
	v7 =	vadd.f32 v16, v7  }
0x7f: {  	v16 =	vld [tilespmem:s15+$0x1B0];
	v3 =	vadd.f32 v30, v3;
	v6 =	vadd.f32 v31, v6  }
0x80: {  	v15 =	vld [tilespmem:s15+$0x220];
	v17 =	vadd.f32 v17, v2;
	v19 =	vadd.f32 v18, v7  }
0x81: {  	s21 =	sadd.s32 $0x400, s15;
	s1 =	simm.s32 $0x1;
	v18 =	vld [tilespmem:s15+$0x230];
	v20 =	vadd.f32 v24, v3;
	v21 =	vadd.f32 v25, v6  }
.LBB2_4:
0x82: {  	v6 =	vld [tilespmem:s21+$0x1C0];
	v2 =	vadd.f32 v12, v17;
	v3 =	vadd.f32 v14, v19  }
0x83: {  	v7 =	vld [tilespmem:s21+$0x1D0];
	v4 =	vadd.f32 v4, v20;
	v5 =	vadd.f32 v5, v21  }
0x84: {  	v12 =	vld [tilespmem:s21+$0x1E0];
	v2 =	vadd.f32 v13, v2;
	v3 =	vadd.f32 v16, v3  }
0x85: {  	v17 =	vld [tilespmem:s21+$0x1F0];
	v13 =	vadd.f32 v0, v4;
	v14 =	vadd.f32 v1, v5  }
0x86: {  	v0 =	vld [tilespmem:s21+$0x200];
	v15 =	vadd.f32 v15, v2;
	v16 =	vadd.f32 v18, v3  }
0x87: {  	v1 =	vld [tilespmem:s21+$0x210]  }
0x88: {  	v18 =	vld [tilespmem:s21+$0x140]  }
0x89: {  	v19 =	vld [tilespmem:s21+$0x150]  }
0x8a: {  	v20 =	vld [tilespmem:s21+$0x160]  }
0x8b: {  	v21 =	vld [tilespmem:s21+$0x170]  }
0x8c: {  	v4 =	vld [tilespmem:s21+$0x180]  }
0x8d: {  	v5 =	vld [tilespmem:s21+$0x190]  }
0x8e: {  	v22 =	vld [tilespmem:s21+$0xC0]  }
0x8f: {  	v23 =	vld [tilespmem:s21+$0xD0]  }
0x90: {  	v24 =	vld [tilespmem:s21+$0xE0]  }
0x91: {  	v25 =	vld [tilespmem:s21+$0xF0]  }
0x92: {  	v2 =	vld [tilespmem:s21+$0x100]  }
0x93: {  	v3 =	vld [tilespmem:s21+$0x110]  }
0x94: {  	v26 =	vld [tilespmem:s21+$0x40]  }
0x95: {  	v27 =	vld [tilespmem:s21+$0x50]  }
0x96: {  	v28 =	vld [tilespmem:s21+$0x60]  }
0x97: {  	v29 =	vld [tilespmem:s21+$0x70]  }
0x98: {  	v30 =	vld [tilespmem:s21+$0x80]  }
0x99: {  	v31 =	vld [tilespmem:s21+$0x90]  }
0x9a: {  	v32 =	vld [tilespmem:s21+$0xFFFFFFC0]  }
0x9b: {  	v33 =	vld [tilespmem:s21+$0xFFFFFFD0]  }
0x9c: {  	v34 =	vld [tilespmem:s21+$0xFFFFFF40]  }
0x9d: {  	v35 =	vld [tilespmem:s21+$0xFFFFFF50]  }
0x9e: {  	v36 =	vld [tilespmem:s21+$0xFFFFFEC0]  }
0x9f: {  	v37 =	vld [tilespmem:s21+$0xFFFFFED0]  }
0xa0: {  	v38 =	vld [tilespmem:s21+$0xFFFFFE40]  }
0xa1: {  	v39 =	vld [tilespmem:s21+$0xFFFFFE50]  }
0xa2: {  	v40 =	vld [tilespmem:s21+$0xFFFFFE60]  }
0xa3: {  	v41 =	vld [tilespmem:s21+$0xFFFFFE70]  }
0xa4: {  	v42 =	vld [tilespmem:s21+$0xFFFFFEE0]  }
0xa5: {  	v43 =	vld [tilespmem:s21+$0xFFFFFEF0]  }
0xa6: {  	v44 =	vld [tilespmem:s21+$0xFFFFFF60]  }
0xa7: {  	v11 =	vadd.f32 v38, v11;
	v10 =	vadd.f32 v39, v10;
	v38 =	vld [tilespmem:s21+$0xFFFFFF70]  }
0xa8: {  	v9 =	vadd.f32 v40, v9;
	v8 =	vadd.f32 v41, v8;
	v39 =	vld [tilespmem:s21+$0xFFFFFFE0]  }
0xa9: {  	v11 =	vadd.f32 v36, v11;
	v10 =	vadd.f32 v37, v10;
	v36 =	vld [tilespmem:s21+$0xFFFFFFF0]  }
0xaa: {  	v9 =	vadd.f32 v42, v9;
	v8 =	vadd.f32 v43, v8;
	v37 =	vld [tilespmem:s21+$0x0]  }
0xab: {  	v11 =	vadd.f32 v34, v11;
	v10 =	vadd.f32 v35, v10;
	v34 =	vld [tilespmem:s21+$0x10]  }
0xac: {  	v9 =	vadd.f32 v44, v9;
	v8 =	vadd.f32 v38, v8;
	v35 =	vld [tilespmem:s21+$0xFFFFFF80]  }
0xad: {  	v11 =	vadd.f32 v32, v11;
	v10 =	vadd.f32 v33, v10;
	v38 =	vld [tilespmem:s21+$0xFFFFFF90]  }
0xae: {  	v9 =	vadd.f32 v39, v9;
	v32 =	vld [tilespmem:s21+$0xFFFFFF00];
	v8 =	vadd.f32 v36, v8  }
0xaf: {  	v11 =	vadd.f32 v26, v11;
	v10 =	vadd.f32 v27, v10;
	v33 =	vld [tilespmem:s21+$0xFFFFFF10]  }
0xb0: {  	v9 =	vadd.f32 v28, v9;
	v26 =	vld [tilespmem:s21+$0xFFFFFE80];
	v8 =	vadd.f32 v29, v8  }
0xb1: {  	v11 =	vadd.f32 v22, v11;
	v10 =	vadd.f32 v23, v10;
	v27 =	vld [tilespmem:s21+$0xFFFFFE90]  }
0xb2: {  	v9 =	vadd.f32 v24, v9;
	v22 =	vld [tilespmem:s21+$0xFFFFFEA0];
	v8 =	vadd.f32 v25, v8  }
0xb3: {  	s1 =	sadd.s32 $0x8, s1;
	v11 =	vadd.f32 v18, v11;
	v10 =	vadd.f32 v19, v10;
	v23 =	vld [tilespmem:s21+$0xFFFFFEB0]  }
0xb4: {  	p0 =	slt.u32 s1, $0x11;
	v9 =	vadd.f32 v20, v9;
	v18 =	vld [tilespmem:s21+$0xFFFFFF20];
	v8 =	vadd.f32 v21, v8  }
0xb5: {  	v11 =	vadd.f32 v6, v11;
	v10 =	vadd.f32 v7, v10;
	v19 =	vld [tilespmem:s21+$0xFFFFFF30]  }
0xb6: {  	v9 =	vadd.f32 v12, v9;
	v6 =	vld [tilespmem:s21+$0xFFFFFFA0];
	v8 =	vadd.f32 v17, v8  }
0xb7: {  	v7 =	vadd.f32 v26, v13;
	v12 =	vadd.f32 v27, v14;
	v13 =	vld [tilespmem:s21+$0xFFFFFFB0]  }
0xb8: {  	v14 =	vadd.f32 v22, v15;
	v15 =	vadd.f32 v23, v16;
	v16 =	vld [tilespmem:s21+$0x20]  }
0xb9: {  	v7 =	vadd.f32 v32, v7;
	v12 =	vadd.f32 v33, v12;
	v17 =	vld [tilespmem:s21+$0x30]  }
0xba: {  	v14 =	vadd.f32 v18, v14;
	v15 =	vadd.f32 v19, v15;
	v18 =	vld [tilespmem:s21+$0xA0]  }
0xbb: {  	v7 =	vadd.f32 v35, v7;
	v19 =	vadd.f32 v38, v12;
	v20 =	vld [tilespmem:s21+$0xB0]  }
0xbc: {  	v6 =	vadd.f32 v6, v14;
	v13 =	vadd.f32 v13, v15;
	v12 =	vld [tilespmem:s21+$0x120]  }
.Ltmp0:
0xbd: {  	v7 =	vadd.f32 v37, v7;
	v15 =	vadd.f32 v34, v19;
	v14 =	vld [tilespmem:s21+$0x130];
	(pc) =	sbr.rel @p0 .LBB2_4-.Ltmp0, $4  }
0xbe: {  	v6 =	vadd.f32 v16, v6;
	v19 =	vadd.f32 v17, v13;
	v13 =	vld [tilespmem:s21+$0x1A0]  }
0xbf: {  	v7 =	vadd.f32 v30, v7;
	v21 =	vadd.f32 v31, v15;
	v16 =	vld [tilespmem:s21+$0x1B0]  }
0xc0: {  	v17 =	vadd.f32 v18, v6;
	v19 =	vadd.f32 v20, v19;
	v15 =	vld [tilespmem:s21+$0x220]  }
0xc1: {  	v20 =	vadd.f32 v2, v7;
	v21 =	vadd.f32 v3, v21;
	v18 =	vld [tilespmem:s21+$0x230];
	s21 =	sadd.s32 $0x400, s21  }
0xc2: {  	v30 =	vld [tilespmem:s16+$0xFFFFFF90]  }
0xc3: {  	v31 =	vld [tilespmem:s16+$0xFFFFFFA0]  }
0xc4: {  	v32 =	vld [tilespmem:s16+$0xFFFFFFB0]  }
0xc5: {  	v33 =	vld [tilespmem:s16+$0xFFFFFFC0]  }
0xc6: {  	v2 =	vld [tilespmem:s16+$0xFFFFFFD0]  }
0xc7: {  	v3 =	vld [tilespmem:s16+$0xFFFFFFE0]  }
0xc8: {  	v34 =	vld [tilespmem:s16+$0xFFFFFF10]  }
0xc9: {  	v35 =	vld [tilespmem:s16+$0xFFFFFF20]  }
0xca: {  	v36 =	vld [tilespmem:s16+$0xFFFFFF30]  }
0xcb: {  	v37 =	vld [tilespmem:s16+$0xFFFFFF40]  }
0xcc: {  	v7 =	vld [tilespmem:s16+$0xFFFFFF50]  }
0xcd: {  	v6 =	vld [tilespmem:s16+$0xFFFFFF60]  }
0xce: {  	v38 =	vld [tilespmem:s16+$0xFFFFFE90]  }
0xcf: {  	v39 =	vld [tilespmem:s16+$0xFFFFFEA0]  }
0xd0: {  	v40 =	vld [tilespmem:s16+$0xFFFFFEB0]  }
0xd1: {  	v41 =	vld [tilespmem:s16+$0xFFFFFEC0]  }
0xd2: {  	v42 =	vld [tilespmem:s16+$0xFFFFFED0]  }
0xd3: {  	v43 =	vld [tilespmem:s16+$0xFFFFFEE0]  }
0xd4: {  	v44 =	vld [tilespmem:s16+$0xFFFFFE10]  }
0xd5: {  	v45 =	vld [tilespmem:s16+$0xFFFFFE20]  }
0xd6: {  	v46 =	vld [tilespmem:s16+$0xFFFFFE30]  }
0xd7: {  	v47 =	vld [tilespmem:s16+$0xFFFFFE40]  }
0xd8: {  	v48 =	vld [tilespmem:s16+$0xFFFFFE50]  }
0xd9: {  	v49 =	vld [tilespmem:s16+$0xFFFFFE60]  }
0xda: {  	v50 =	vld [tilespmem:s16+$0xFFFFFD90]  }
0xdb: {  	v51 =	vld [tilespmem:s16+$0xFFFFFDA0]  }
0xdc: {  	v52 =	vld [tilespmem:s16+$0xFFFFFD10]  }
0xdd: {  	v53 =	vld [tilespmem:s16+$0xFFFFFD20]  }
0xde: {  	v54 =	vld [tilespmem:s16+$0xFFFFFC90]  }
0xdf: {  	v55 =	vld [tilespmem:s16+$0xFFFFFCA0]  }
0xe0: {  	v56 =	vld [tilespmem:s16+$0xFFFFFC10]  }
0xe1: {  	v57 =	vld [tilespmem:s16+$0xFFFFFC20]  }
0xe2: {  	v12 =	vadd.f32 v12, v17;
	v17 =	vld [tilespmem:s16+$0xFFFFFC30]  }
0xe3: {  	v14 =	vadd.f32 v14, v19;
	v19 =	vld [tilespmem:s16+$0xFFFFFC40]  }
0xe4: {  	s1 =	sor.u32 $0x1, s10;
	v58 =	vld [tilespmem:s16+$0xFFFFFD70];
	v4 =	vadd.f32 v4, v20;
	v5 =	vadd.f32 v5, v21  }
0xe5: {  	s21 =	smul.u32 $0x3200, s1;
	v12 =	vadd.f32 v13, v12;
	v13 =	vadd.f32 v16, v14;
	v14 =	vld [tilespmem:s16+$0xFFFFFCB0]  }
0xe6: {  	v16 =	vadd.f32 v0, v4;
	v0 =	vld [tilespmem:s16+$0xFFFFFCC0]  }
0xe7: {  	s21 =	sshra.s32 s21, $0x2;
	v20 =	vadd.f32 v1, v5;
	v1 =	vld [tilespmem:s16+$0xFFFFFD30]  }
0xe8: {  	v22 =	vld [tilespmem:s21+$0x400]  }
0xe9: {  	v23 =	vld [tilespmem:s21+$0x410]  }
0xea: {  	v24 =	vld [tilespmem:s21+$0x420]  }
0xeb: {  	v25 =	vld [tilespmem:s21+$0x430]  }
0xec: {  	v27 =	vld [tilespmem:s21+$0x450]  }
0xed: {  	v28 =	vld [tilespmem:s21+$0x460]  }
0xee: {  	v29 =	vld [tilespmem:s21+$0x470];
	v15 =	vadd.f32 v15, v12;
	v18 =	vadd.f32 v18, v13  }
0xef: {  	v12 =	vld [tilespmem:s16+$0xFFFFFD40];
	v4 =	vadd.f32 v56, v22;
	v5 =	vadd.f32 v57, v23  }
0xf0: {  	v13 =	vadd.f32 v17, v24;
	v17 =	vadd.f32 v19, v25;
	v19 =	vld [tilespmem:s16+$0xFFFFFDB0]  }
0xf1: {  	v25 =	vld [tilespmem:s16+$0xFFFFFDC0];
	v4 =	vadd.f32 v54, v4;
	v5 =	vadd.f32 v55, v5  }
0xf2: {  	v13 =	vadd.f32 v14, v13;
	v0 =	vadd.f32 v0, v17;
	v54 =	vld [tilespmem:s16+$0xFFFFFC80]  }
0xf3: {  	v57 =	vld [tilespmem:s16+$0xFFFFFD00];
	v4 =	vadd.f32 v52, v4;
	v5 =	vadd.f32 v53, v5  }
0xf4: {  	v1 =	vadd.f32 v1, v13;
	v0 =	vadd.f32 v12, v0;
	v52 =	vld [tilespmem:s16+$0xFFFFFC60]  }
0xf5: {  	v53 =	vld [tilespmem:s16+$0xFFFFFC70];
	v4 =	vadd.f32 v50, v4;
	v5 =	vadd.f32 v51, v5  }
0xf6: {  	v26 =	vld [tilespmem:s21+$0x440];
	v1 =	vadd.f32 v19, v1;
	v0 =	vadd.f32 v25, v0  }
0xf7: {  	v50 =	vld [tilespmem:s16+$0xFFFFFCE0];
	v25 =	vadd.f32 v54, v29;
	v4 =	vadd.f32 v44, v4  }
0xf8: {  	v51 =	vld [tilespmem:s16+$0xFFFFFC50];
	v5 =	vadd.f32 v45, v5;
	v1 =	vadd.f32 v46, v1  }
0xf9: {  	v56 =	vld [tilespmem:s16+$0xFFFFFCF0];
	v0 =	vadd.f32 v47, v0;
	v23 =	vadd.f32 v52, v27  }
0xfa: {  	v59 =	vld [tilespmem:s16+$0xFFFFFD80];
	v24 =	vadd.f32 v53, v28;
	v62 =	vadd.f32 v57, v25  }
0xfb: {  	v19 =	vld [tilespmem:s16+$0xFFFFFCD0];
	v4 =	vadd.f32 v38, v4;
	v5 =	vadd.f32 v39, v5  }
0xfc: {  	s22 =	sshll.u32 s10, $0x7;
	v60 =	vld [tilespmem:s16+$0xFFFFFDF0];
	v1 =	vadd.f32 v40, v1;
	v0 =	vadd.f32 v41, v0  }
0xfd: {  	s21 =	sand.u32 $0x3FFFFF80, s22;
	v12 =	vld [tilespmem:s16+$0xFFFFFD50];
	v22 =	vadd.f32 v51, v26;
	v21 =	vadd.f32 v50, v23  }
0xfe: {  	[tilespmem:s21+$0x1A400] =	vst v11;
	v13 =	vld [tilespmem:s16+$0xFFFFFD60];
	v11 =	vadd.f32 v56, v24;
	v4 =	vadd.f32 v34, v4  }
0xff: {  	v14 =	vld [tilespmem:s16+$0xFFFFFDD0];
	v55 =	vadd.f32 v35, v5;
	v1 =	vadd.f32 v36, v1  }
0x100: {  	v17 =	vld [tilespmem:s16+$0xFFFFFDE0];
	v0 =	vadd.f32 v37, v0;
	v19 =	vadd.f32 v19, v22  }
0x101: {  	v61 =	vld [tilespmem:s16+$0xFFFFFE00];
	[tilespmem:s21+$0x1A420] =	vst v9;
	v9 =	vadd.f32 v58, v11;
	v5 =	vadd.f32 v30, v4  }
0x102: {  	v63 =	vld [tilespmem:s16+$0xFFFFFE70];
	v4 =	vadd.f32 v31, v55;
	v1 =	vadd.f32 v32, v1  }
0x103: {  	[tilespmem:s21+$0x1A410] =	vst v10;
	v10 =	vadd.f32 v12, v19;
	v12 =	vadd.f32 v13, v21;
	v19 =	vld [tilespmem:s16+$0xFFFFFE80]  }
0x104: {  	v11 =	vld [tilespmem:s16+$0xFFFFFEF0];
	v0 =	vadd.f32 v33, v0;
	v13 =	vadd.f32 v59, v62  }
0x105: {  	[tilespmem:s21+$0x1A430] =	vst v8;
	v8 =	vadd.f32 v14, v10;
	v10 =	vadd.f32 v17, v12;
	v12 =	vld [tilespmem:s16+$0xFFFFFF00]  }
0x106: {  	[tilespmem:s21+$0x1A440] =	vst v16;
	v9 =	vadd.f32 v60, v9;
	v16 =	vadd.f32 v61, v13;
	v13 =	vld [tilespmem:s16+$0xFFFFFF70]  }
0x107: {  	[tilespmem:s21+$0x1A450] =	vst v20;
	v14 =	vld [tilespmem:s16+$0xFFFFFF80];
	v8 =	vadd.f32 v48, v8;
	v10 =	vadd.f32 v49, v10  }
0x108: {  	[tilespmem:s21+$0x1A460] =	vst v15;
	v15 =	vld [tilespmem:s16+$0xFFFFFFF0];
	v17 =	vadd.f32 v63, v9;
	v16 =	vadd.f32 v19, v16  }
0x109: {  	s22 =	sadd.s32 $0x400, s16;
	[tilespmem:s21+$0x1A470] =	vst v18;
	s21 =	simm.s32 $0x1;
	v18 =	vadd.f32 v42, v8;
	v9 =	vadd.f32 v43, v10;
	v8 =	vld [tilespmem:s16+$0x0]  }
.LBB2_6:
0x10a: {  	v10 =	vld [tilespmem:s22+$0xFFFFFF90];
	v17 =	vadd.f32 v11, v17;
	v16 =	vadd.f32 v12, v16  }
0x10b: {  	v11 =	vld [tilespmem:s22+$0xFFFFFFA0];
	v7 =	vadd.f32 v7, v18;
	v6 =	vadd.f32 v6, v9  }
0x10c: {  	v12 =	vld [tilespmem:s22+$0xFFFFFFB0];
	v9 =	vadd.f32 v13, v17;
	v16 =	vadd.f32 v14, v16  }
0x10d: {  	v17 =	vld [tilespmem:s22+$0xFFFFFFC0];
	v13 =	vadd.f32 v2, v7;
	v14 =	vadd.f32 v3, v6  }
0x10e: {  	v2 =	vld [tilespmem:s22+$0xFFFFFFD0];
	v15 =	vadd.f32 v15, v9;
	v16 =	vadd.f32 v8, v16  }
0x10f: {  	v3 =	vld [tilespmem:s22+$0xFFFFFFE0]  }
0x110: {  	v18 =	vld [tilespmem:s22+$0xFFFFFF10]  }
0x111: {  	v19 =	vld [tilespmem:s22+$0xFFFFFF20]  }
0x112: {  	v20 =	vld [tilespmem:s22+$0xFFFFFF30]  }
0x113: {  	v21 =	vld [tilespmem:s22+$0xFFFFFF40]  }
0x114: {  	v7 =	vld [tilespmem:s22+$0xFFFFFF50]  }
0x115: {  	v6 =	vld [tilespmem:s22+$0xFFFFFF60]  }
0x116: {  	v22 =	vld [tilespmem:s22+$0xFFFFFE90]  }
0x117: {  	v23 =	vld [tilespmem:s22+$0xFFFFFEA0]  }
0x118: {  	v24 =	vld [tilespmem:s22+$0xFFFFFEB0]  }
0x119: {  	v25 =	vld [tilespmem:s22+$0xFFFFFEC0]  }
0x11a: {  	v8 =	vld [tilespmem:s22+$0xFFFFFED0]  }
0x11b: {  	v9 =	vld [tilespmem:s22+$0xFFFFFEE0]  }
0x11c: {  	v26 =	vld [tilespmem:s22+$0xFFFFFE10]  }
0x11d: {  	v27 =	vld [tilespmem:s22+$0xFFFFFE20]  }
0x11e: {  	v28 =	vld [tilespmem:s22+$0xFFFFFE30]  }
0x11f: {  	v29 =	vld [tilespmem:s22+$0xFFFFFE40]  }
0x120: {  	v30 =	vld [tilespmem:s22+$0xFFFFFE50]  }
0x121: {  	v31 =	vld [tilespmem:s22+$0xFFFFFE60]  }
0x122: {  	v32 =	vld [tilespmem:s22+$0xFFFFFD90]  }
0x123: {  	v33 =	vld [tilespmem:s22+$0xFFFFFDA0]  }
0x124: {  	v34 =	vld [tilespmem:s22+$0xFFFFFD10]  }
0x125: {  	v35 =	vld [tilespmem:s22+$0xFFFFFD20]  }
0x126: {  	v36 =	vld [tilespmem:s22+$0xFFFFFC90]  }
0x127: {  	v37 =	vld [tilespmem:s22+$0xFFFFFCA0]  }
0x128: {  	v38 =	vld [tilespmem:s22+$0xFFFFFC10]  }
0x129: {  	v39 =	vld [tilespmem:s22+$0xFFFFFC20]  }
0x12a: {  	v40 =	vld [tilespmem:s22+$0xFFFFFC30]  }
0x12b: {  	v41 =	vld [tilespmem:s22+$0xFFFFFC40]  }
0x12c: {  	v42 =	vld [tilespmem:s22+$0xFFFFFCB0]  }
0x12d: {  	v43 =	vld [tilespmem:s22+$0xFFFFFCC0]  }
0x12e: {  	v44 =	vld [tilespmem:s22+$0xFFFFFD30]  }
0x12f: {  	v5 =	vadd.f32 v38, v5;
	v4 =	vadd.f32 v39, v4;
	v38 =	vld [tilespmem:s22+$0xFFFFFD40]  }
0x130: {  	v1 =	vadd.f32 v40, v1;
	v0 =	vadd.f32 v41, v0;
	v39 =	vld [tilespmem:s22+$0xFFFFFDB0]  }
0x131: {  	v5 =	vadd.f32 v36, v5;
	v4 =	vadd.f32 v37, v4;
	v36 =	vld [tilespmem:s22+$0xFFFFFDC0]  }
0x132: {  	v1 =	vadd.f32 v42, v1;
	v0 =	vadd.f32 v43, v0;
	v37 =	vld [tilespmem:s22+$0xFFFFFDD0]  }
0x133: {  	v5 =	vadd.f32 v34, v5;
	v4 =	vadd.f32 v35, v4;
	v34 =	vld [tilespmem:s22+$0xFFFFFDE0]  }
0x134: {  	v1 =	vadd.f32 v44, v1;
	v0 =	vadd.f32 v38, v0;
	v35 =	vld [tilespmem:s22+$0xFFFFFD50]  }
0x135: {  	v5 =	vadd.f32 v32, v5;
	v4 =	vadd.f32 v33, v4;
	v38 =	vld [tilespmem:s22+$0xFFFFFD60]  }
0x136: {  	v1 =	vadd.f32 v39, v1;
	v32 =	vld [tilespmem:s22+$0xFFFFFCD0];
	v0 =	vadd.f32 v36, v0  }
0x137: {  	v5 =	vadd.f32 v26, v5;
	v4 =	vadd.f32 v27, v4;
	v33 =	vld [tilespmem:s22+$0xFFFFFCE0]  }
0x138: {  	v1 =	vadd.f32 v28, v1;
	v26 =	vld [tilespmem:s22+$0xFFFFFC50];
	v0 =	vadd.f32 v29, v0  }
0x139: {  	v5 =	vadd.f32 v22, v5;
	v4 =	vadd.f32 v23, v4;
	v27 =	vld [tilespmem:s22+$0xFFFFFC60]  }
0x13a: {  	v1 =	vadd.f32 v24, v1;
	v22 =	vld [tilespmem:s22+$0xFFFFFC70];
	v0 =	vadd.f32 v25, v0  }
0x13b: {  	s21 =	sadd.s32 $0x8, s21;
	v5 =	vadd.f32 v18, v5;
	v4 =	vadd.f32 v19, v4;
	v23 =	vld [tilespmem:s22+$0xFFFFFC80]  }
0x13c: {  	p0 =	slt.u32 s21, $0x11;
	v1 =	vadd.f32 v20, v1;
	v18 =	vld [tilespmem:s22+$0xFFFFFCF0];
	v0 =	vadd.f32 v21, v0  }
0x13d: {  	v5 =	vadd.f32 v10, v5;
	v4 =	vadd.f32 v11, v4;
	v19 =	vld [tilespmem:s22+$0xFFFFFD00]  }
0x13e: {  	v1 =	vadd.f32 v12, v1;
	v10 =	vld [tilespmem:s22+$0xFFFFFD70];
	v0 =	vadd.f32 v17, v0  }
0x13f: {  	v11 =	vadd.f32 v26, v13;
	v12 =	vadd.f32 v27, v14;
	v13 =	vld [tilespmem:s22+$0xFFFFFD80]  }
0x140: {  	v14 =	vadd.f32 v22, v15;
	v15 =	vadd.f32 v23, v16;
	v16 =	vld [tilespmem:s22+$0xFFFFFDF0]  }
0x141: {  	v11 =	vadd.f32 v32, v11;
	v12 =	vadd.f32 v33, v12;
	v17 =	vld [tilespmem:s22+$0xFFFFFE00]  }
0x142: {  	v14 =	vadd.f32 v18, v14;
	v15 =	vadd.f32 v19, v15;
	v18 =	vld [tilespmem:s22+$0xFFFFFE70]  }
0x143: {  	v19 =	vadd.f32 v35, v11;
	v12 =	vadd.f32 v38, v12;
	v20 =	vld [tilespmem:s22+$0xFFFFFE80]  }
0x144: {  	v10 =	vadd.f32 v10, v14;
	v13 =	vadd.f32 v13, v15;
	v11 =	vld [tilespmem:s22+$0xFFFFFEF0]  }
.Ltmp1:
0x145: {  	v14 =	vadd.f32 v37, v19;
	v15 =	vadd.f32 v34, v12;
	v12 =	vld [tilespmem:s22+$0xFFFFFF00];
	(pc) =	sbr.rel @p0 .LBB2_6-.Ltmp1, $4  }
0x146: {  	v10 =	vadd.f32 v16, v10;
	v16 =	vadd.f32 v17, v13;
	v13 =	vld [tilespmem:s22+$0xFFFFFF70]  }
0x147: {  	v19 =	vadd.f32 v30, v14;
	v21 =	vadd.f32 v31, v15;
	v14 =	vld [tilespmem:s22+$0xFFFFFF80]  }
0x148: {  	v17 =	vadd.f32 v18, v10;
	v16 =	vadd.f32 v20, v16;
	v15 =	vld [tilespmem:s22+$0xFFFFFFF0]  }
0x149: {  	v18 =	vadd.f32 v8, v19;
	v9 =	vadd.f32 v9, v21;
	v8 =	vld [tilespmem:s22+$0x0];
	s22 =	sadd.s32 $0x400, s22  }
0x14a: {  	s1 =	sshll.u32 s1, $0x7  }
0x14b: {  	s1 =	sand.u32 $0x3FFFFF80, s1  }
0x14c: {  	v10 =	vadd.f32 v11, v17;
	v7 =	vadd.f32 v7, v18;
	[tilespmem:s1+$0x1A400] =	vst v5  }
0x14d: {  	v60 =	vadd.f32 v12, v16;
	v6 =	vadd.f32 v6, v9;
	[tilespmem:s1+$0x1A410] =	vst v4  }
0x14e: {  	p0 =	slt.u32 s10, $0xE;
	v61 =	vadd.f32 v13, v10;
	[tilespmem:s1+$0x1A420] =	vst v1;
	v2 =	vadd.f32 v2, v7  }
.Ltmp2:
0x14f: {  	v62 =	vadd.f32 v14, v60;
	[tilespmem:s1+$0x1A430] =	vst v0;
	v3 =	vadd.f32 v3, v6;
	(pc) =	sbr.rel @p0 .LBB2_3-.Ltmp2, $4  }
0x150: {  	v63 =	vadd.f32 v15, v61;
	[tilespmem:s1+$0x1A440] =	vst v2  }
0x151: {  	v1 =	vadd.f32 v8, v62;
	[tilespmem:s1+$0x1A450] =	vst v3  }
0x152: {  	[tilespmem:s1+$0x1A460] =	vst v63  }
0x153: {  	s10 =	sadd.s32 $0x2, s10;
	s15 =	sadd.s32 $0x1900, s15;
	s16 =	sadd.s32 $0x1900, s16;
	[tilespmem:s1+$0x1A470] =	vst v1  }
0x154: {  	s1 =	sadd.s32 s7, s19  }
0x155: {  	s1 =	sshll.u32 s1, $0x8  }
0x156: {  	s10 =	sadd.s32 s5, s1  }
0x157: {  	[hbm4b:s10+s4] =	stream.linear.scatter [tilespmem:s30], [sflag:$0x3], $0x800, $0x38;
	[tilespmem:$0x1B400] =	vst v63  }
0x158: {  	s1 =	sadd.s32 s6, s1  }
0x159: {  	[hbm4b:s1+s4] =	stream.linear.scatter [tilespmem:s31], [sflag:$0x3], $0x800, $0x38;
	[tilespmem:$0x1B400] =	vst v63  }
0x15a: {  	_ =	swait.ge [sflag:s0], $0x800  }
0x15b: {  	p0 =	seq.s32 s17, $0xF;
	[sflag:s0] =	ssyncset.done $0x0  }
0x15c: {  	s1 =	sadd.s32 @!p0 s19, s9;
	[sflag:s0] =	ssyncadd.s32 $0xFFFFF800  }
0x15d: {  	s1 =	sshll.u32 @!p0 s1, $0x6;
	_ =	swait.ge [sflag:s0], $0x800  }
0x15e: {  	s1 =	sand.u32 @!p0 $0x1FFFFF80, s1;
	[sflag:s0] =	ssyncset.done $0x0  }
0x15f: {  	s10 =	simm.s32 @!p0 $0x0;
	s1 =	sadd.s32 @!p0 s23, s1;
	[sflag:s0] =	ssyncadd.s32 $0xFFFFF800  }
0x160: {  	[tilespmem:s10], [sflag:$0x5] =	stream.linear.gather @!p0 [hbm4b:s1+s10], $0x200, $0x38;
	[tilespmem:$0x1B400] =	vst v63  }
0x161: {  	s1 =	simm.s32 @!p0 $0x5  }
0x162: {  	_ =	swait.ge @!p0 [sflag:s1], $0x200  }
0x163: {  	[sflag:s1] =	ssyncset.done @!p0 $0x0  }
0x164: {  	s15 =	simm.s32 @!p0 $0x400;
	[sflag:s1] =	ssyncadd.s32 @!p0 $0xFFFFFE00;
	s1 =	simm.s32 @!p0 $0x68  }
0x165: {  	[tilespmem:s15], [sflag:$0x1] =	stream.indirect.gather @!p0 [hbm4b:s2+s1], $0x80, s10, s1, $0xb8;
	[tilespmem:$0x1B400] =	vst v63  }
0x166: {  	s10 =	simm.s32 @!p0 $0x80;
	s15 =	simm.s32 @!p0 $0x3800  }
0x167: {  	[tilespmem:s15], [sflag:$0x1] =	stream.indirect.gather @!p0 [hbm4b:s2+s1], $0x80, s10, s1, $0xb8;
	[tilespmem:$0x1B400] =	vst v63  }
0x168: {  	s10 =	simm.s32 @!p0 $0x100;
	s15 =	simm.s32 @!p0 $0x6C00  }
0x169: {  	[tilespmem:s15], [sflag:$0x1] =	stream.indirect.gather @!p0 [hbm4b:s2+s1], $0x80, s10, s1, $0xb8;
	[tilespmem:$0x1B400] =	vst v63  }
0x16a: {  	s10 =	simm.s32 @!p0 $0x180;
	s15 =	simm.s32 @!p0 $0xA000  }
0x16b: {  	[tilespmem:s15], [sflag:$0x1] =	stream.indirect.gather @!p0 [hbm4b:s2+s1], $0x80, s10, s1, $0xb8;
	[tilespmem:$0x1B400] =	vst v63  }
0x16c: {  	_ =	swait.ge [sflag:s3], $0x3400  }
0x16d: {  	[sflag:s3] =	ssyncset.done $0x0  }
0x16e: {  	[sflag:s3] =	ssyncadd.s32 $0xFFFFCC00  }
0x16f: {  	_ =	swait.ge [sflag:s3], $0x3400  }
0x170: {  	[sflag:s3] =	ssyncset.done $0x0  }
0x171: {  	[sflag:s3] =	ssyncadd.s32 $0xFFFFCC00  }
0x172: {  	_ =	swait.ge [sflag:s3], $0x3400  }
0x173: {  	[sflag:s3] =	ssyncset.done $0x0  }
0x174: {  	[sflag:s3] =	ssyncadd.s32 $0xFFFFCC00  }
0x175: {  	_ =	swait.ge [sflag:s3], $0x3400  }
0x176: {  	s16 =	simm.s32 $0x0;
	[sflag:s3] =	ssyncset.done $0x0  }
0x177: {  	s10 =	simm.s32 $0xD640;
	s15 =	simm.s32 $0xE4F0;
	[sflag:s3] =	ssyncadd.s32 $0xFFFFCC00  }
.LBB2_9:
0x178: {  	v8 =	vld [tilespmem:s10+$0x1C0]  }
0x179: {  	v9 =	vld [tilespmem:s10+$0x1D0]  }
0x17a: {  	v16 =	vld [tilespmem:s10+$0x1E0]  }
0x17b: {  	v17 =	vld [tilespmem:s10+$0x1F0]  }
0x17c: {  	v0 =	vld [tilespmem:s10+$0x200]  }
0x17d: {  	v1 =	vld [tilespmem:s10+$0x210]  }
0x17e: {  	v10 =	vld [tilespmem:s10+$0x140]  }
0x17f: {  	v11 =	vld [tilespmem:s10+$0x150]  }
0x180: {  	v18 =	vld [tilespmem:s10+$0x160]  }
0x181: {  	v19 =	vld [tilespmem:s10+$0x170]  }
0x182: {  	v4 =	vld [tilespmem:s10+$0x180]  }
0x183: {  	v5 =	vld [tilespmem:s10+$0x190]  }
0x184: {  	v20 =	vld [tilespmem:s10+$0xC0]  }
0x185: {  	v21 =	vld [tilespmem:s10+$0xD0]  }
0x186: {  	v22 =	vld [tilespmem:s10+$0xE0]  }
0x187: {  	v23 =	vld [tilespmem:s10+$0xF0]  }
0x188: {  	v24 =	vld [tilespmem:s10+$0x100]  }
0x189: {  	v25 =	vld [tilespmem:s10+$0x110]  }
0x18a: {  	v26 =	vld [tilespmem:s10+$0x40]  }
0x18b: {  	v27 =	vld [tilespmem:s10+$0x50]  }
0x18c: {  	v28 =	vld [tilespmem:s10+$0x60]  }
0x18d: {  	v29 =	vld [tilespmem:s10+$0x70]  }
0x18e: {  	v30 =	vld [tilespmem:s10+$0x80]  }
0x18f: {  	v31 =	vld [tilespmem:s10+$0x90]  }
0x190: {  	v32 =	vld [tilespmem:s10+$0xFFFFFFC0]  }
0x191: {  	v33 =	vld [tilespmem:s10+$0xFFFFFFD0]  }
0x192: {  	v34 =	vld [tilespmem:s10+$0xFFFFFF40]  }
0x193: {  	v35 =	vld [tilespmem:s10+$0xFFFFFF50]  }
0x194: {  	v36 =	vld [tilespmem:s10+$0xFFFFFEC0]  }
0x195: {  	v37 =	vld [tilespmem:s10+$0xFFFFFED0]  }
0x196: {  	v38 =	vld [tilespmem:s10+$0xFFFFFE40]  }
0x197: {  	v39 =	vld [tilespmem:s10+$0xFFFFFE50]  }
0x198: {  	v40 =	vld [tilespmem:s10+$0xFFFFFE60]  }
0x199: {  	v41 =	vld [tilespmem:s10+$0xFFFFFE70]  }
0x19a: {  	v42 =	vld [tilespmem:s10+$0xFFFFFEE0]  }
0x19b: {  	s1 =	smul.u32 $0x3200, s16;
	v43 =	vld [tilespmem:s10+$0xFFFFFEF0]  }
0x19c: {  	v44 =	vld [tilespmem:s10+$0xFFFFFF60]  }
0x19d: {  	v53 =	vld [tilespmem:s10+$0xFFFFFF70];
	s1 =	sshra.s32 s1, $0x2  }
0x19e: {  	v2 =	vld [tilespmem:s1+$0xD400]  }
0x19f: {  	v3 =	vld [tilespmem:s1+$0xD410]  }
0x1a0: {  	v6 =	vld [tilespmem:s1+$0xD420]  }
0x1a1: {  	v7 =	vld [tilespmem:s1+$0xD430]  }
0x1a2: {  	v54 =	vld [tilespmem:s10+$0xFFFFFFE0]  }
0x1a3: {  	v55 =	vld [tilespmem:s10+$0xFFFFFFF0]  }
0x1a4: {  	v56 =	vld [tilespmem:s10+$0x0]  }
0x1a5: {  	v57 =	vld [tilespmem:s10+$0x10];
	v2 =	vadd.f32 v38, v2;
	v3 =	vadd.f32 v39, v3  }
0x1a6: {  	v58 =	vld [tilespmem:s10+$0xFFFFFF80];
	v6 =	vadd.f32 v40, v6;
	v7 =	vadd.f32 v41, v7  }
0x1a7: {  	v59 =	vld [tilespmem:s10+$0xFFFFFF90];
	v2 =	vadd.f32 v36, v2;
	v3 =	vadd.f32 v37, v3  }
0x1a8: {  	v60 =	vld [tilespmem:s10+$0xFFFFFF00];
	v6 =	vadd.f32 v42, v6;
	v7 =	vadd.f32 v43, v7  }
0x1a9: {  	v61 =	vld [tilespmem:s10+$0xFFFFFF10];
	v2 =	vadd.f32 v34, v2;
	v3 =	vadd.f32 v35, v3  }
0x1aa: {  	v62 =	vld [tilespmem:s10+$0xFFFFFE80];
	v6 =	vadd.f32 v44, v6;
	v7 =	vadd.f32 v53, v7  }
0x1ab: {  	v63 =	vld [tilespmem:s10+$0xFFFFFE90];
	v2 =	vadd.f32 v32, v2;
	v3 =	vadd.f32 v33, v3  }
0x1ac: {  	v12 =	vld [tilespmem:s1+$0xD440];
	v6 =	vadd.f32 v54, v6;
	v7 =	vadd.f32 v55, v7  }
0x1ad: {  	v13 =	vld [tilespmem:s1+$0xD450];
	v2 =	vadd.f32 v26, v2;
	v3 =	vadd.f32 v27, v3  }
0x1ae: {  	v14 =	vld [tilespmem:s1+$0xD460];
	v6 =	vadd.f32 v28, v6;
	v7 =	vadd.f32 v29, v7  }
0x1af: {  	v15 =	vld [tilespmem:s1+$0xD470];
	v2 =	vadd.f32 v20, v2;
	v3 =	vadd.f32 v21, v3  }
0x1b0: {  	v20 =	vld [tilespmem:s10+$0xFFFFFEA0];
	v6 =	vadd.f32 v22, v6;
	v7 =	vadd.f32 v23, v7  }
0x1b1: {  	v21 =	vld [tilespmem:s10+$0xFFFFFEB0];
	v2 =	vadd.f32 v10, v2;
	v3 =	vadd.f32 v11, v3  }
0x1b2: {  	v22 =	vld [tilespmem:s10+$0xFFFFFF20];
	v6 =	vadd.f32 v18, v6;
	v7 =	vadd.f32 v19, v7  }
0x1b3: {  	v18 =	vld [tilespmem:s10+$0xFFFFFF30];
	v11 =	vadd.f32 v8, v2;
	v10 =	vadd.f32 v9, v3  }
0x1b4: {  	v2 =	vld [tilespmem:s10+$0xFFFFFFA0];
	v9 =	vadd.f32 v16, v6;
	v8 =	vadd.f32 v17, v7  }
0x1b5: {  	v3 =	vadd.f32 v62, v12;
	v6 =	vadd.f32 v63, v13;
	v7 =	vld [tilespmem:s10+$0xFFFFFFB0]  }
0x1b6: {  	v16 =	vld [tilespmem:s10+$0x30];
	v12 =	vadd.f32 v20, v14;
	v13 =	vadd.f32 v21, v15  }
0x1b7: {  	v15 =	vld [tilespmem:s10+$0x20];
	v3 =	vadd.f32 v60, v3;
	v6 =	vadd.f32 v61, v6  }
0x1b8: {  	v17 =	vld [tilespmem:s10+$0xA0];
	v12 =	vadd.f32 v22, v12;
	v13 =	vadd.f32 v18, v13  }
0x1b9: {  	v18 =	vld [tilespmem:s10+$0xB0];
	v3 =	vadd.f32 v58, v3;
	v6 =	vadd.f32 v59, v6  }
0x1ba: {  	v14 =	vld [tilespmem:s10+$0x130];
	v2 =	vadd.f32 v2, v12;
	v7 =	vadd.f32 v7, v13  }
0x1bb: {  	v12 =	vld [tilespmem:s10+$0x120];
	v3 =	vadd.f32 v56, v3;
	v6 =	vadd.f32 v57, v6  }
0x1bc: {  	v13 =	vld [tilespmem:s10+$0x1A0];
	v2 =	vadd.f32 v15, v2;
	v7 =	vadd.f32 v16, v7  }
0x1bd: {  	v16 =	vld [tilespmem:s10+$0x1B0];
	v3 =	vadd.f32 v30, v3;
	v6 =	vadd.f32 v31, v6  }
0x1be: {  	v15 =	vld [tilespmem:s10+$0x220];
	v17 =	vadd.f32 v17, v2;
	v19 =	vadd.f32 v18, v7  }
0x1bf: {  	s19 =	sadd.s32 $0x400, s10;
	s1 =	simm.s32 $0x1;
	v18 =	vld [tilespmem:s10+$0x230];
	v20 =	vadd.f32 v24, v3;
	v21 =	vadd.f32 v25, v6  }
.LBB2_10:
0x1c0: {  	v6 =	vld [tilespmem:s19+$0x1C0];
	v2 =	vadd.f32 v12, v17;
	v3 =	vadd.f32 v14, v19  }
0x1c1: {  	v7 =	vld [tilespmem:s19+$0x1D0];
	v4 =	vadd.f32 v4, v20;
	v5 =	vadd.f32 v5, v21  }
0x1c2: {  	v12 =	vld [tilespmem:s19+$0x1E0];
	v2 =	vadd.f32 v13, v2;
	v3 =	vadd.f32 v16, v3  }
0x1c3: {  	v17 =	vld [tilespmem:s19+$0x1F0];
	v13 =	vadd.f32 v0, v4;
	v14 =	vadd.f32 v1, v5  }
0x1c4: {  	v0 =	vld [tilespmem:s19+$0x200];
	v15 =	vadd.f32 v15, v2;
	v16 =	vadd.f32 v18, v3  }
0x1c5: {  	v1 =	vld [tilespmem:s19+$0x210]  }
0x1c6: {  	v18 =	vld [tilespmem:s19+$0x140]  }
0x1c7: {  	v19 =	vld [tilespmem:s19+$0x150]  }
0x1c8: {  	v20 =	vld [tilespmem:s19+$0x160]  }
0x1c9: {  	v21 =	vld [tilespmem:s19+$0x170]  }
0x1ca: {  	v4 =	vld [tilespmem:s19+$0x180]  }
0x1cb: {  	v5 =	vld [tilespmem:s19+$0x190]  }
0x1cc: {  	v22 =	vld [tilespmem:s19+$0xC0]  }
0x1cd: {  	v23 =	vld [tilespmem:s19+$0xD0]  }
0x1ce: {  	v24 =	vld [tilespmem:s19+$0xE0]  }
0x1cf: {  	v25 =	vld [tilespmem:s19+$0xF0]  }
0x1d0: {  	v2 =	vld [tilespmem:s19+$0x100]  }
0x1d1: {  	v3 =	vld [tilespmem:s19+$0x110]  }
0x1d2: {  	v26 =	vld [tilespmem:s19+$0x40]  }
0x1d3: {  	v27 =	vld [tilespmem:s19+$0x50]  }
0x1d4: {  	v28 =	vld [tilespmem:s19+$0x60]  }
0x1d5: {  	v29 =	vld [tilespmem:s19+$0x70]  }
0x1d6: {  	v30 =	vld [tilespmem:s19+$0x80]  }
0x1d7: {  	v31 =	vld [tilespmem:s19+$0x90]  }
0x1d8: {  	v32 =	vld [tilespmem:s19+$0xFFFFFFC0]  }
0x1d9: {  	v33 =	vld [tilespmem:s19+$0xFFFFFFD0]  }
0x1da: {  	v34 =	vld [tilespmem:s19+$0xFFFFFF40]  }
0x1db: {  	v35 =	vld [tilespmem:s19+$0xFFFFFF50]  }
0x1dc: {  	v36 =	vld [tilespmem:s19+$0xFFFFFEC0]  }
0x1dd: {  	v37 =	vld [tilespmem:s19+$0xFFFFFED0]  }
0x1de: {  	v38 =	vld [tilespmem:s19+$0xFFFFFE40]  }
0x1df: {  	v39 =	vld [tilespmem:s19+$0xFFFFFE50]  }
0x1e0: {  	v40 =	vld [tilespmem:s19+$0xFFFFFE60]  }
0x1e1: {  	v41 =	vld [tilespmem:s19+$0xFFFFFE70]  }
0x1e2: {  	v42 =	vld [tilespmem:s19+$0xFFFFFEE0]  }
0x1e3: {  	v43 =	vld [tilespmem:s19+$0xFFFFFEF0]  }
0x1e4: {  	v44 =	vld [tilespmem:s19+$0xFFFFFF60]  }
0x1e5: {  	v11 =	vadd.f32 v38, v11;
	v10 =	vadd.f32 v39, v10;
	v38 =	vld [tilespmem:s19+$0xFFFFFF70]  }
0x1e6: {  	v9 =	vadd.f32 v40, v9;
	v8 =	vadd.f32 v41, v8;
	v39 =	vld [tilespmem:s19+$0xFFFFFFE0]  }
0x1e7: {  	v11 =	vadd.f32 v36, v11;
	v10 =	vadd.f32 v37, v10;
	v36 =	vld [tilespmem:s19+$0xFFFFFFF0]  }
0x1e8: {  	v9 =	vadd.f32 v42, v9;
	v8 =	vadd.f32 v43, v8;
	v37 =	vld [tilespmem:s19+$0x0]  }
0x1e9: {  	v11 =	vadd.f32 v34, v11;
	v10 =	vadd.f32 v35, v10;
	v34 =	vld [tilespmem:s19+$0x10]  }
0x1ea: {  	v9 =	vadd.f32 v44, v9;
	v8 =	vadd.f32 v38, v8;
	v35 =	vld [tilespmem:s19+$0xFFFFFF80]  }
0x1eb: {  	v11 =	vadd.f32 v32, v11;
	v10 =	vadd.f32 v33, v10;
	v38 =	vld [tilespmem:s19+$0xFFFFFF90]  }
0x1ec: {  	v9 =	vadd.f32 v39, v9;
	v32 =	vld [tilespmem:s19+$0xFFFFFF00];
	v8 =	vadd.f32 v36, v8  }
0x1ed: {  	v11 =	vadd.f32 v26, v11;
	v10 =	vadd.f32 v27, v10;
	v33 =	vld [tilespmem:s19+$0xFFFFFF10]  }
0x1ee: {  	v9 =	vadd.f32 v28, v9;
	v26 =	vld [tilespmem:s19+$0xFFFFFE80];
	v8 =	vadd.f32 v29, v8  }
0x1ef: {  	v11 =	vadd.f32 v22, v11;
	v10 =	vadd.f32 v23, v10;
	v27 =	vld [tilespmem:s19+$0xFFFFFE90]  }
0x1f0: {  	v9 =	vadd.f32 v24, v9;
	v22 =	vld [tilespmem:s19+$0xFFFFFEA0];
	v8 =	vadd.f32 v25, v8  }
0x1f1: {  	s1 =	sadd.s32 $0x8, s1;
	v11 =	vadd.f32 v18, v11;
	v10 =	vadd.f32 v19, v10;
	v23 =	vld [tilespmem:s19+$0xFFFFFEB0]  }
0x1f2: {  	p0 =	slt.u32 s1, $0x11;
	v9 =	vadd.f32 v20, v9;
	v18 =	vld [tilespmem:s19+$0xFFFFFF20];
	v8 =	vadd.f32 v21, v8  }
0x1f3: {  	v11 =	vadd.f32 v6, v11;
	v10 =	vadd.f32 v7, v10;
	v19 =	vld [tilespmem:s19+$0xFFFFFF30]  }
0x1f4: {  	v9 =	vadd.f32 v12, v9;
	v6 =	vld [tilespmem:s19+$0xFFFFFFA0];
	v8 =	vadd.f32 v17, v8  }
0x1f5: {  	v7 =	vadd.f32 v26, v13;
	v12 =	vadd.f32 v27, v14;
	v13 =	vld [tilespmem:s19+$0xFFFFFFB0]  }
0x1f6: {  	v14 =	vadd.f32 v22, v15;
	v15 =	vadd.f32 v23, v16;
	v16 =	vld [tilespmem:s19+$0x20]  }
0x1f7: {  	v7 =	vadd.f32 v32, v7;
	v12 =	vadd.f32 v33, v12;
	v17 =	vld [tilespmem:s19+$0x30]  }
0x1f8: {  	v14 =	vadd.f32 v18, v14;
	v15 =	vadd.f32 v19, v15;
	v18 =	vld [tilespmem:s19+$0xA0]  }
0x1f9: {  	v7 =	vadd.f32 v35, v7;
	v19 =	vadd.f32 v38, v12;
	v20 =	vld [tilespmem:s19+$0xB0]  }
0x1fa: {  	v6 =	vadd.f32 v6, v14;
	v13 =	vadd.f32 v13, v15;
	v12 =	vld [tilespmem:s19+$0x120]  }
.Ltmp3:
0x1fb: {  	v7 =	vadd.f32 v37, v7;
	v15 =	vadd.f32 v34, v19;
	v14 =	vld [tilespmem:s19+$0x130];
	(pc) =	sbr.rel @p0 .LBB2_10-.Ltmp3, $4  }
0x1fc: {  	v6 =	vadd.f32 v16, v6;
	v19 =	vadd.f32 v17, v13;
	v13 =	vld [tilespmem:s19+$0x1A0]  }
0x1fd: {  	v7 =	vadd.f32 v30, v7;
	v21 =	vadd.f32 v31, v15;
	v16 =	vld [tilespmem:s19+$0x1B0]  }
0x1fe: {  	v17 =	vadd.f32 v18, v6;
	v19 =	vadd.f32 v20, v19;
	v15 =	vld [tilespmem:s19+$0x220]  }
0x1ff: {  	v20 =	vadd.f32 v2, v7;
	v21 =	vadd.f32 v3, v21;
	v18 =	vld [tilespmem:s19+$0x230];
	s19 =	sadd.s32 $0x400, s19  }
0x200: {  	v30 =	vld [tilespmem:s15+$0xFFFFFF90]  }
0x201: {  	v31 =	vld [tilespmem:s15+$0xFFFFFFA0]  }
0x202: {  	v32 =	vld [tilespmem:s15+$0xFFFFFFB0]  }
0x203: {  	v33 =	vld [tilespmem:s15+$0xFFFFFFC0]  }
0x204: {  	v2 =	vld [tilespmem:s15+$0xFFFFFFD0]  }
0x205: {  	v3 =	vld [tilespmem:s15+$0xFFFFFFE0]  }
0x206: {  	v34 =	vld [tilespmem:s15+$0xFFFFFF10]  }
0x207: {  	v35 =	vld [tilespmem:s15+$0xFFFFFF20]  }
0x208: {  	v36 =	vld [tilespmem:s15+$0xFFFFFF30]  }
0x209: {  	v37 =	vld [tilespmem:s15+$0xFFFFFF40]  }
0x20a: {  	v7 =	vld [tilespmem:s15+$0xFFFFFF50]  }
0x20b: {  	v6 =	vld [tilespmem:s15+$0xFFFFFF60]  }
0x20c: {  	v38 =	vld [tilespmem:s15+$0xFFFFFE90]  }
0x20d: {  	v39 =	vld [tilespmem:s15+$0xFFFFFEA0]  }
0x20e: {  	v40 =	vld [tilespmem:s15+$0xFFFFFEB0]  }
0x20f: {  	v41 =	vld [tilespmem:s15+$0xFFFFFEC0]  }
0x210: {  	v42 =	vld [tilespmem:s15+$0xFFFFFED0]  }
0x211: {  	v43 =	vld [tilespmem:s15+$0xFFFFFEE0]  }
0x212: {  	v44 =	vld [tilespmem:s15+$0xFFFFFE10]  }
0x213: {  	v45 =	vld [tilespmem:s15+$0xFFFFFE20]  }
0x214: {  	v46 =	vld [tilespmem:s15+$0xFFFFFE30]  }
0x215: {  	v47 =	vld [tilespmem:s15+$0xFFFFFE40]  }
0x216: {  	v48 =	vld [tilespmem:s15+$0xFFFFFE50]  }
0x217: {  	v49 =	vld [tilespmem:s15+$0xFFFFFE60]  }
0x218: {  	v50 =	vld [tilespmem:s15+$0xFFFFFD90]  }
0x219: {  	v51 =	vld [tilespmem:s15+$0xFFFFFDA0]  }
0x21a: {  	v52 =	vld [tilespmem:s15+$0xFFFFFD10]  }
0x21b: {  	v53 =	vld [tilespmem:s15+$0xFFFFFD20]  }
0x21c: {  	v54 =	vld [tilespmem:s15+$0xFFFFFC90]  }
0x21d: {  	v55 =	vld [tilespmem:s15+$0xFFFFFCA0]  }
0x21e: {  	v56 =	vld [tilespmem:s15+$0xFFFFFC10]  }
0x21f: {  	v57 =	vld [tilespmem:s15+$0xFFFFFC20]  }
0x220: {  	v12 =	vadd.f32 v12, v17;
	v17 =	vld [tilespmem:s15+$0xFFFFFC30]  }
0x221: {  	v14 =	vadd.f32 v14, v19;
	v19 =	vld [tilespmem:s15+$0xFFFFFC40]  }
0x222: {  	s1 =	sor.u32 $0x1, s16;
	v58 =	vld [tilespmem:s15+$0xFFFFFD70];
	v4 =	vadd.f32 v4, v20;
	v5 =	vadd.f32 v5, v21  }
0x223: {  	s19 =	smul.u32 $0x3200, s1;
	v12 =	vadd.f32 v13, v12;
	v13 =	vadd.f32 v16, v14;
	v14 =	vld [tilespmem:s15+$0xFFFFFCB0]  }
0x224: {  	v16 =	vadd.f32 v0, v4;
	v0 =	vld [tilespmem:s15+$0xFFFFFCC0]  }
0x225: {  	s19 =	sshra.s32 s19, $0x2;
	v20 =	vadd.f32 v1, v5;
	v1 =	vld [tilespmem:s15+$0xFFFFFD30]  }
0x226: {  	v22 =	vld [tilespmem:s19+$0xD400]  }
0x227: {  	v23 =	vld [tilespmem:s19+$0xD410]  }
0x228: {  	v24 =	vld [tilespmem:s19+$0xD420]  }
0x229: {  	v25 =	vld [tilespmem:s19+$0xD430]  }
0x22a: {  	v27 =	vld [tilespmem:s19+$0xD450]  }
0x22b: {  	v28 =	vld [tilespmem:s19+$0xD460]  }
0x22c: {  	v29 =	vld [tilespmem:s19+$0xD470];
	v15 =	vadd.f32 v15, v12;
	v18 =	vadd.f32 v18, v13  }
0x22d: {  	v12 =	vld [tilespmem:s15+$0xFFFFFD40];
	v4 =	vadd.f32 v56, v22;
	v5 =	vadd.f32 v57, v23  }
0x22e: {  	v13 =	vadd.f32 v17, v24;
	v17 =	vadd.f32 v19, v25;
	v19 =	vld [tilespmem:s15+$0xFFFFFDB0]  }
0x22f: {  	v25 =	vld [tilespmem:s15+$0xFFFFFDC0];
	v4 =	vadd.f32 v54, v4;
	v5 =	vadd.f32 v55, v5  }
0x230: {  	v13 =	vadd.f32 v14, v13;
	v0 =	vadd.f32 v0, v17;
	v54 =	vld [tilespmem:s15+$0xFFFFFC80]  }
0x231: {  	v57 =	vld [tilespmem:s15+$0xFFFFFD00];
	v4 =	vadd.f32 v52, v4;
	v5 =	vadd.f32 v53, v5  }
0x232: {  	v1 =	vadd.f32 v1, v13;
	v0 =	vadd.f32 v12, v0;
	v52 =	vld [tilespmem:s15+$0xFFFFFC60]  }
0x233: {  	v53 =	vld [tilespmem:s15+$0xFFFFFC70];
	v4 =	vadd.f32 v50, v4;
	v5 =	vadd.f32 v51, v5  }
0x234: {  	v26 =	vld [tilespmem:s19+$0xD440];
	v1 =	vadd.f32 v19, v1;
	v0 =	vadd.f32 v25, v0  }
0x235: {  	v50 =	vld [tilespmem:s15+$0xFFFFFCE0];
	v25 =	vadd.f32 v54, v29;
	v4 =	vadd.f32 v44, v4  }
0x236: {  	v51 =	vld [tilespmem:s15+$0xFFFFFC50];
	v5 =	vadd.f32 v45, v5;
	v1 =	vadd.f32 v46, v1  }
0x237: {  	v56 =	vld [tilespmem:s15+$0xFFFFFCF0];
	v0 =	vadd.f32 v47, v0;
	v23 =	vadd.f32 v52, v27  }
0x238: {  	v59 =	vld [tilespmem:s15+$0xFFFFFD80];
	v24 =	vadd.f32 v53, v28;
	v62 =	vadd.f32 v57, v25  }
0x239: {  	v19 =	vld [tilespmem:s15+$0xFFFFFCD0];
	v4 =	vadd.f32 v38, v4;
	v5 =	vadd.f32 v39, v5  }
0x23a: {  	s22 =	sshll.u32 s16, $0x7;
	v60 =	vld [tilespmem:s15+$0xFFFFFDF0];
	v1 =	vadd.f32 v40, v1;
	v0 =	vadd.f32 v41, v0  }
0x23b: {  	s19 =	sand.u32 $0x3FFFFF80, s22;
	v12 =	vld [tilespmem:s15+$0xFFFFFD50];
	v22 =	vadd.f32 v51, v26;
	v21 =	vadd.f32 v50, v23  }
0x23c: {  	[tilespmem:s19+$0x1AC00] =	vst v11;
	v13 =	vld [tilespmem:s15+$0xFFFFFD60];
	v11 =	vadd.f32 v56, v24;
	v4 =	vadd.f32 v34, v4  }
0x23d: {  	v14 =	vld [tilespmem:s15+$0xFFFFFDD0];
	v55 =	vadd.f32 v35, v5;
	v1 =	vadd.f32 v36, v1  }
0x23e: {  	v17 =	vld [tilespmem:s15+$0xFFFFFDE0];
	v0 =	vadd.f32 v37, v0;
	v19 =	vadd.f32 v19, v22  }
0x23f: {  	v61 =	vld [tilespmem:s15+$0xFFFFFE00];
	[tilespmem:s19+$0x1AC20] =	vst v9;
	v9 =	vadd.f32 v58, v11;
	v5 =	vadd.f32 v30, v4  }
0x240: {  	v63 =	vld [tilespmem:s15+$0xFFFFFE70];
	v4 =	vadd.f32 v31, v55;
	v1 =	vadd.f32 v32, v1  }
0x241: {  	[tilespmem:s19+$0x1AC10] =	vst v10;
	v10 =	vadd.f32 v12, v19;
	v12 =	vadd.f32 v13, v21;
	v19 =	vld [tilespmem:s15+$0xFFFFFE80]  }
0x242: {  	v11 =	vld [tilespmem:s15+$0xFFFFFEF0];
	v0 =	vadd.f32 v33, v0;
	v13 =	vadd.f32 v59, v62  }
0x243: {  	[tilespmem:s19+$0x1AC30] =	vst v8;
	v8 =	vadd.f32 v14, v10;
	v10 =	vadd.f32 v17, v12;
	v12 =	vld [tilespmem:s15+$0xFFFFFF00]  }
0x244: {  	[tilespmem:s19+$0x1AC40] =	vst v16;
	v9 =	vadd.f32 v60, v9;
	v16 =	vadd.f32 v61, v13;
	v13 =	vld [tilespmem:s15+$0xFFFFFF70]  }
0x245: {  	[tilespmem:s19+$0x1AC50] =	vst v20;
	v14 =	vld [tilespmem:s15+$0xFFFFFF80];
	v8 =	vadd.f32 v48, v8;
	v10 =	vadd.f32 v49, v10  }
0x246: {  	[tilespmem:s19+$0x1AC60] =	vst v15;
	v15 =	vld [tilespmem:s15+$0xFFFFFFF0];
	v17 =	vadd.f32 v63, v9;
	v16 =	vadd.f32 v19, v16  }
0x247: {  	s21 =	sadd.s32 $0x400, s15;
	[tilespmem:s19+$0x1AC70] =	vst v18;
	s19 =	simm.s32 $0x1;
	v18 =	vadd.f32 v42, v8;
	v9 =	vadd.f32 v43, v10;
	v8 =	vld [tilespmem:s15+$0x0]  }
.LBB2_12:
0x248: {  	v10 =	vld [tilespmem:s21+$0xFFFFFF90];
	v17 =	vadd.f32 v11, v17;
	v16 =	vadd.f32 v12, v16  }
0x249: {  	v11 =	vld [tilespmem:s21+$0xFFFFFFA0];
	v7 =	vadd.f32 v7, v18;
	v6 =	vadd.f32 v6, v9  }
0x24a: {  	v12 =	vld [tilespmem:s21+$0xFFFFFFB0];
	v9 =	vadd.f32 v13, v17;
	v16 =	vadd.f32 v14, v16  }
0x24b: {  	v17 =	vld [tilespmem:s21+$0xFFFFFFC0];
	v13 =	vadd.f32 v2, v7;
	v14 =	vadd.f32 v3, v6  }
0x24c: {  	v2 =	vld [tilespmem:s21+$0xFFFFFFD0];
	v15 =	vadd.f32 v15, v9;
	v16 =	vadd.f32 v8, v16  }
0x24d: {  	v3 =	vld [tilespmem:s21+$0xFFFFFFE0]  }
0x24e: {  	v18 =	vld [tilespmem:s21+$0xFFFFFF10]  }
0x24f: {  	v19 =	vld [tilespmem:s21+$0xFFFFFF20]  }
0x250: {  	v20 =	vld [tilespmem:s21+$0xFFFFFF30]  }
0x251: {  	v21 =	vld [tilespmem:s21+$0xFFFFFF40]  }
0x252: {  	v7 =	vld [tilespmem:s21+$0xFFFFFF50]  }
0x253: {  	v6 =	vld [tilespmem:s21+$0xFFFFFF60]  }
0x254: {  	v22 =	vld [tilespmem:s21+$0xFFFFFE90]  }
0x255: {  	v23 =	vld [tilespmem:s21+$0xFFFFFEA0]  }
0x256: {  	v24 =	vld [tilespmem:s21+$0xFFFFFEB0]  }
0x257: {  	v25 =	vld [tilespmem:s21+$0xFFFFFEC0]  }
0x258: {  	v8 =	vld [tilespmem:s21+$0xFFFFFED0]  }
0x259: {  	v9 =	vld [tilespmem:s21+$0xFFFFFEE0]  }
0x25a: {  	v26 =	vld [tilespmem:s21+$0xFFFFFE10]  }
0x25b: {  	v27 =	vld [tilespmem:s21+$0xFFFFFE20]  }
0x25c: {  	v28 =	vld [tilespmem:s21+$0xFFFFFE30]  }
0x25d: {  	v29 =	vld [tilespmem:s21+$0xFFFFFE40]  }
0x25e: {  	v30 =	vld [tilespmem:s21+$0xFFFFFE50]  }
0x25f: {  	v31 =	vld [tilespmem:s21+$0xFFFFFE60]  }
0x260: {  	v32 =	vld [tilespmem:s21+$0xFFFFFD90]  }
0x261: {  	v33 =	vld [tilespmem:s21+$0xFFFFFDA0]  }
0x262: {  	v34 =	vld [tilespmem:s21+$0xFFFFFD10]  }
0x263: {  	v35 =	vld [tilespmem:s21+$0xFFFFFD20]  }
0x264: {  	v36 =	vld [tilespmem:s21+$0xFFFFFC90]  }
0x265: {  	v37 =	vld [tilespmem:s21+$0xFFFFFCA0]  }
0x266: {  	v38 =	vld [tilespmem:s21+$0xFFFFFC10]  }
0x267: {  	v39 =	vld [tilespmem:s21+$0xFFFFFC20]  }
0x268: {  	v40 =	vld [tilespmem:s21+$0xFFFFFC30]  }
0x269: {  	v41 =	vld [tilespmem:s21+$0xFFFFFC40]  }
0x26a: {  	v42 =	vld [tilespmem:s21+$0xFFFFFCB0]  }
0x26b: {  	v43 =	vld [tilespmem:s21+$0xFFFFFCC0]  }
0x26c: {  	v44 =	vld [tilespmem:s21+$0xFFFFFD30]  }
0x26d: {  	v5 =	vadd.f32 v38, v5;
	v4 =	vadd.f32 v39, v4;
	v38 =	vld [tilespmem:s21+$0xFFFFFD40]  }
0x26e: {  	v1 =	vadd.f32 v40, v1;
	v0 =	vadd.f32 v41, v0;
	v39 =	vld [tilespmem:s21+$0xFFFFFDB0]  }
0x26f: {  	v5 =	vadd.f32 v36, v5;
	v4 =	vadd.f32 v37, v4;
	v36 =	vld [tilespmem:s21+$0xFFFFFDC0]  }
0x270: {  	v1 =	vadd.f32 v42, v1;
	v0 =	vadd.f32 v43, v0;
	v37 =	vld [tilespmem:s21+$0xFFFFFDD0]  }
0x271: {  	v5 =	vadd.f32 v34, v5;
	v4 =	vadd.f32 v35, v4;
	v34 =	vld [tilespmem:s21+$0xFFFFFDE0]  }
0x272: {  	v1 =	vadd.f32 v44, v1;
	v0 =	vadd.f32 v38, v0;
	v35 =	vld [tilespmem:s21+$0xFFFFFD50]  }
0x273: {  	v5 =	vadd.f32 v32, v5;
	v4 =	vadd.f32 v33, v4;
	v38 =	vld [tilespmem:s21+$0xFFFFFD60]  }
0x274: {  	v1 =	vadd.f32 v39, v1;
	v32 =	vld [tilespmem:s21+$0xFFFFFCD0];
	v0 =	vadd.f32 v36, v0  }
0x275: {  	v5 =	vadd.f32 v26, v5;
	v4 =	vadd.f32 v27, v4;
	v33 =	vld [tilespmem:s21+$0xFFFFFCE0]  }
0x276: {  	v1 =	vadd.f32 v28, v1;
	v26 =	vld [tilespmem:s21+$0xFFFFFC50];
	v0 =	vadd.f32 v29, v0  }
0x277: {  	v5 =	vadd.f32 v22, v5;
	v4 =	vadd.f32 v23, v4;
	v27 =	vld [tilespmem:s21+$0xFFFFFC60]  }
0x278: {  	v1 =	vadd.f32 v24, v1;
	v22 =	vld [tilespmem:s21+$0xFFFFFC70];
	v0 =	vadd.f32 v25, v0  }
0x279: {  	s19 =	sadd.s32 $0x8, s19;
	v5 =	vadd.f32 v18, v5;
	v4 =	vadd.f32 v19, v4;
	v23 =	vld [tilespmem:s21+$0xFFFFFC80]  }
0x27a: {  	p0 =	slt.u32 s19, $0x11;
	v1 =	vadd.f32 v20, v1;
	v18 =	vld [tilespmem:s21+$0xFFFFFCF0];
	v0 =	vadd.f32 v21, v0  }
0x27b: {  	v5 =	vadd.f32 v10, v5;
	v4 =	vadd.f32 v11, v4;
	v19 =	vld [tilespmem:s21+$0xFFFFFD00]  }
0x27c: {  	v1 =	vadd.f32 v12, v1;
	v10 =	vld [tilespmem:s21+$0xFFFFFD70];
	v0 =	vadd.f32 v17, v0  }
0x27d: {  	v11 =	vadd.f32 v26, v13;
	v12 =	vadd.f32 v27, v14;
	v13 =	vld [tilespmem:s21+$0xFFFFFD80]  }
0x27e: {  	v14 =	vadd.f32 v22, v15;
	v15 =	vadd.f32 v23, v16;
	v16 =	vld [tilespmem:s21+$0xFFFFFDF0]  }
0x27f: {  	v11 =	vadd.f32 v32, v11;
	v12 =	vadd.f32 v33, v12;
	v17 =	vld [tilespmem:s21+$0xFFFFFE00]  }
0x280: {  	v14 =	vadd.f32 v18, v14;
	v15 =	vadd.f32 v19, v15;
	v18 =	vld [tilespmem:s21+$0xFFFFFE70]  }
0x281: {  	v19 =	vadd.f32 v35, v11;
	v12 =	vadd.f32 v38, v12;
	v20 =	vld [tilespmem:s21+$0xFFFFFE80]  }
0x282: {  	v10 =	vadd.f32 v10, v14;
	v13 =	vadd.f32 v13, v15;
	v11 =	vld [tilespmem:s21+$0xFFFFFEF0]  }
.Ltmp4:
0x283: {  	v14 =	vadd.f32 v37, v19;
	v15 =	vadd.f32 v34, v12;
	v12 =	vld [tilespmem:s21+$0xFFFFFF00];
	(pc) =	sbr.rel @p0 .LBB2_12-.Ltmp4, $4  }
0x284: {  	v10 =	vadd.f32 v16, v10;
	v16 =	vadd.f32 v17, v13;
	v13 =	vld [tilespmem:s21+$0xFFFFFF70]  }
0x285: {  	v19 =	vadd.f32 v30, v14;
	v21 =	vadd.f32 v31, v15;
	v14 =	vld [tilespmem:s21+$0xFFFFFF80]  }
0x286: {  	v17 =	vadd.f32 v18, v10;
	v16 =	vadd.f32 v20, v16;
	v15 =	vld [tilespmem:s21+$0xFFFFFFF0]  }
0x287: {  	v18 =	vadd.f32 v8, v19;
	v9 =	vadd.f32 v9, v21;
	v8 =	vld [tilespmem:s21+$0x0];
	s21 =	sadd.s32 $0x400, s21  }
0x288: {  	s1 =	sshll.u32 s1, $0x7  }
0x289: {  	s1 =	sand.u32 $0x3FFFFF80, s1  }
0x28a: {  	v10 =	vadd.f32 v11, v17;
	v7 =	vadd.f32 v7, v18;
	[tilespmem:s1+$0x1AC00] =	vst v5  }
0x28b: {  	v60 =	vadd.f32 v12, v16;
	v6 =	vadd.f32 v6, v9;
	[tilespmem:s1+$0x1AC10] =	vst v4  }
0x28c: {  	p0 =	slt.u32 s16, $0xE;
	v61 =	vadd.f32 v13, v10;
	[tilespmem:s1+$0x1AC20] =	vst v1;
	v2 =	vadd.f32 v2, v7  }
.Ltmp5:
0x28d: {  	v62 =	vadd.f32 v14, v60;
	[tilespmem:s1+$0x1AC30] =	vst v0;
	v3 =	vadd.f32 v3, v6;
	(pc) =	sbr.rel @p0 .LBB2_9-.Ltmp5, $4  }
0x28e: {  	v63 =	vadd.f32 v15, v61;
	[tilespmem:s1+$0x1AC40] =	vst v2  }
0x28f: {  	v1 =	vadd.f32 v8, v62;
	[tilespmem:s1+$0x1AC50] =	vst v3  }
0x290: {  	[tilespmem:s1+$0x1AC60] =	vst v63  }
0x291: {  	s16 =	sadd.s32 $0x2, s16;
	s10 =	sadd.s32 $0x1900, s10;
	s15 =	sadd.s32 $0x1900, s15;
	[tilespmem:s1+$0x1AC70] =	vst v1  }
0x292: {  	s1 =	sadd.s32 s7, s18;
	s17 =	sadd.s32 $0x1, s17  }
0x293: {  	s1 =	sshll.u32 s1, $0x8;
	p0 =	sne.s32 s17, $0x10  }
.Ltmp6:
0x294: {  	s1 =	sand.u32 $0x1FFFFF00, s1;
	(pc) =	sbr.rel @p0 .LBB2_2-.Ltmp6, $4  }
0x295: {  	s10 =	sadd.s32 s5, s1  }
0x296: {  	[hbm4b:s10+s4] =	stream.linear.scatter [tilespmem:s13], [sflag:$0x4], $0x800, $0x38;
	[tilespmem:$0x1B400] =	vst v63  }
0x297: {  	s1 =	sadd.s32 s6, s1  }
0x298: {  	[hbm4b:s1+s4] =	stream.linear.scatter [tilespmem:s14], [sflag:$0x4], $0x800, $0x38;
	[tilespmem:$0x1B400] =	vst v63  }
0x299: {  	s10 =	simm.s32 $0x4  }
0x29a: {  	_ =	swait.ge [sflag:s10], $0x800  }
0x29b: {  	[sflag:s10] =	ssyncset.done $0x0  }
0x29c: {  	[sflag:s10] =	ssyncadd.s32 $0xFFFFF800  }
0x29d: {  	_ =	swait.ge [sflag:s10], $0x800  }
0x29e: {  	s15 =	rddreg [dreg:$0x5]  }
0x29f: {  	s1 =	rddreg [dreg:$0x4];
	s15 =	sadd.s32 $0x1, s15  }
0x2a0: {  	p0 =	sne.s32 s15, s1  }
.Ltmp7:
0x2a1: {  	_ = 	snop;
	(pc) =	sbr.rel @p0 .LBB2_1-.Ltmp7, $3  }
0x2a2: {  	_ =	sdelay $0x1  }
0x2a3: {  	[sflag:s10] =	ssyncset.done $0x0  }
0x2a4: {  	[sflag:s10] =	ssyncadd.s32 $0xFFFFF800  }
0x2a5: {  	_ =	sfence.sel $0x180000  }
0x2a6: {  	[bflag:$0x0] =	sbarrier.arrive $0xFFFF  }
0x2a7: {  	_ =	strace $0x90000047  }
0x2a8: {  	s0 =	stileid.u32;
	[bflag:$0x2] =	sbarrier.arrive $0xFFFF  }
0x2a9: {  	p0 =	sne.s32 s0, $0x0;
	s0 =	rddreg [dreg:$0x3]  }
0x2aa: {  	s0 =	sadd.s32 @!p0 $0x100000, s0  }
0x2ab: {  	[sflag:s0] =	ssyncadd.tile.s32 @!p0 $0x1;
	_ =	shalt  }
.Lfunc_end2:
_tile_overlayer_lowered:
.L_overlay_start_2:
0x2ac: {  	(tag) =	ssettag $0x2  }
0x2ad: {  	s0 =	rddreg [dreg:$0x0];
	s2 =	stileid.u32  }
0x2ae: {  	s1 =	rddreg [dreg:$0x1];
	p0 =	sne.s32 s2, $0x0  }
0x2af: {  	s3 =	rddreg [dreg:$0x2];
	[bflag:$0x3] =	sbarrier.arrive $0xFFFF;
	s2 =	simm.s32 @!p0 $0x1C05  }
0x2b0: {  	[timem:s3], [sflag:s2] =	dma.local @!p0 [hbm:s0], s1  }
0x2b1: {  	s0 =	simm.s32 @!p0 $0x5  }
0x2b2: {  	_ =	swait.ge @!p0 [sflag:s0], s1  }
0x2b3: {  	s1 =	ssub.s32 @!p0 $0x0, s1;
	[sflag:s0] =	ssyncset.done @!p0 $0x0  }
0x2b4: {  	[sflag:s0] =	ssyncadd.s32 @!p0 s1  }
0x2b5: {  	[bflag:$0x3] =	sbarrier.arrive $0xFFFF  }
0x2b6: {  	_ =	shalt  }

</sc_bundles>
